<compile_context>
chip_gen: v7x
topology: tpu7x:2x2x1
jax: 0.10.2.dev20260603
libtpu: 0.0.44.dev20260713+nightly
codegen_flags: <defaults>
</compile_context>

<pallas_src>
import functools

import jax
import jax.numpy as jnp
from jax import lax
from jax.experimental import pallas as pl
from jax.experimental.pallas import tpu as pltpu
from jax.experimental.pallas import tpu_sc as plsc

N_NODES = 10000
D_IN = 256
D_OUT = 256
DH = 128

NC = 2
NS = 16
K = 128
CHT = 80
E_PAD = NS * CHT * K

MB = 1000
N_PAD = 10240
RPT = N_PAD // NS
RB = 128


def _mm_body(x_ref, w_ref, h_ref, hs_ref):
    h = lax.dot_general(x_ref[...], w_ref[...],
                        (((1,), (1,)), ((), ())),
                        preferred_element_type=jnp.float32)
    h_ref[...] = h
    hs_ref[0] = h[:, :DH]
    hs_ref[1] = h[:, DH:]


def _matmul(x, w):
    return pl.pallas_call(
        _mm_body,
        grid=(N_NODES // MB,),
        in_specs=[
            pl.BlockSpec((MB, D_IN), lambda i: (i, 0)),
            pl.BlockSpec((D_OUT, D_IN), lambda i: (0, 0)),
        ],
        out_specs=[
            pl.BlockSpec((MB, D_OUT), lambda i: (i, 0)),
            pl.BlockSpec((2, MB, DH), lambda i: (0, i, 0)),
        ],
        out_shape=[
            jax.ShapeDtypeStruct((N_NODES, D_OUT), jnp.float32),
            jax.ShapeDtypeStruct((2, N_NODES, DH), jnp.float32),
        ],
    )(x, w)


def _sc_agg(hs_flat, col_t, row_t, w_t):
    mesh = plsc.VectorSubcoreMesh(core_axis_name="c", subcore_axis_name="s")

    @functools.partial(
        pl.kernel,
        out_type=jax.ShapeDtypeStruct((NC, N_PAD, DH), jnp.float32),
        mesh=mesh,
        scratch_types=[
            pltpu.VMEM((CHT, K), jnp.int32),
            pltpu.VMEM((CHT, K), jnp.int32),
            pltpu.VMEM((CHT, K), jnp.float32),
            pltpu.VMEM((K, DH), jnp.float32),
            pltpu.VMEM_SHARED((N_PAD, DH), jnp.float32),
        ],
    )
    def body(hs_hbm, col_hbm, row_hbm, w_hbm, out_hbm,
             col_v, row_v, w_v, gbuf, acc):
        cid = lax.axis_index("c")
        sid = lax.axis_index("s")

        pltpu.sync_copy(col_hbm.at[sid], col_v)
        pltpu.sync_copy(row_hbm.at[sid], row_v)
        pltpu.sync_copy(w_hbm.at[sid], w_v)

        offv = jnp.full((16,), cid * N_NODES, dtype=jnp.int32)

        @pl.loop(0, CHT)
        def _(ci):
            for j in range(K // 16):
                sl = pl.ds(j * 16, 16)
                col_v[ci, sl] = col_v[ci, sl] + offv

        @pl.loop(0, RB)
        def _(r):
            for j in range(DH // 16):
                gbuf[r, pl.ds(j * 16, 16)] = jnp.zeros((16,), jnp.float32)

        for b in range(RPT // RB):
            pltpu.sync_copy(gbuf, acc.at[pl.ds(sid * RPT + b * RB, RB)])
        plsc.subcore_barrier()

        @pl.loop(0, CHT)
        def _(ci):
            pltpu.sync_copy(hs_hbm.at[col_v.at[ci]], gbuf)

            @pl.loop(0, K // 16)
            def _(g):
                wvec = w_v[ci, pl.ds(g * 16, 16)]
                for e16 in range(16):
                    wb = jnp.full((16,), wvec[e16], dtype=jnp.float32)
                    for j in range(DH // 16):
                        sl = pl.ds(j * 16, 16)
                        e = g * 16 + e16
                        gbuf[e, sl] = gbuf[e, sl] * wb

            pltpu.sync_copy(gbuf, acc.at[row_v.at[ci]], add=True)
        plsc.subcore_barrier()

        for b in range(RPT // RB):
            start = sid * RPT + b * RB
            pltpu.sync_copy(acc.at[pl.ds(start, RB)],
                            out_hbm.at[cid].at[pl.ds(start, RB)])

    return body(hs_flat, col_t, row_t, w_t)


def _ep_body(agg_ref, b_ref, a_ref, o_ref):
    m = jnp.concatenate([agg_ref[0], agg_ref[1]], axis=1) + b_ref[...]
    a = a_ref[0, 0]
    o_ref[...] = jnp.where(m >= 0.0, m, a * m)


def _epilogue(agg, bias, prelu_a):
    return pl.pallas_call(
        _ep_body,
        grid=(N_NODES // MB,),
        in_specs=[
            pl.BlockSpec((2, MB, DH), lambda i: (0, i, 0)),
            pl.BlockSpec((1, D_OUT), lambda i: (0, 0)),
            pl.BlockSpec(memory_space=pltpu.SMEM),
        ],
        out_specs=pl.BlockSpec((MB, D_OUT), lambda i: (i, 0)),
        out_shape=jax.ShapeDtypeStruct((N_NODES, D_OUT), jnp.float32),
    )(agg, bias.reshape(1, D_OUT), prelu_a.reshape(1, 1))


def kernel(features, edge_index, edge_weight, W, bias, prelu_a):
    x = features[0]
    row = edge_index[0].astype(jnp.int32)
    col = edge_index[1].astype(jnp.int32)
    w = edge_weight.astype(jnp.float32)

    n_e = row.shape[0]
    pad = E_PAD - n_e
    row_t = jnp.pad(row, (0, pad)).reshape(NS, CHT, K)
    col_t = jnp.pad(col, (0, pad)).reshape(NS, CHT, K)
    w_t = jnp.pad(w, (0, pad)).reshape(NS, CHT, K)

    hidden, hs = _matmul(x, W)
    agg = _sc_agg(hs.reshape(2 * N_NODES, DH), col_t, row_t, w_t)
    act = _epilogue(agg, bias, prelu_a)
    return (act[None], hidden[None])

# --- scband reference (transcript-rebuilt; emitter-appended) ---
"""Pipeline reference for scband-gcn-26929444945970 (READ-ONLY COPY).

The authoritative reference and input builder live on the scoring server;
editing this copy changes nothing except your own understanding.
"""

import jax, jax.numpy as jnp
import numpy as np

N_NODES = 10000
N_EDGES = 160000
D_IN = 256
D_OUT = 256


def setup_inputs(seed: int = 0) -> dict:
    key = jax.random.key(seed)
    k1, k2, k3, k4 = jax.random.split(key, 4)
    features = jax.random.normal(k1, (1, N_NODES, D_IN), dtype=jnp.float32)
    edge_index = jax.random.randint(k2, (2, N_EDGES), 0, N_NODES, dtype=jnp.int64)
    # symmetric-normalized adjacency values (COO); positive weights ~ 1/deg scale
    edge_weight = jax.random.uniform(k3, (N_EDGES,), dtype=jnp.float32) / 16.0
    # nn.Linear(in_feats, out_feats, bias=False) weight: [out, in], xavier-ish init
    W = jax.random.normal(k4, (D_OUT, D_IN), dtype=jnp.float32) * (1.0 / np.sqrt(D_IN))
    bias = jnp.zeros((D_OUT,), dtype=jnp.float32)  # bias.data.fill_(0.0)
    prelu_a = jnp.asarray(0.25, dtype=jnp.float32)  # nn.PReLU default single param
    return {
        "features": features,
        "edge_index": edge_index,
        "edge_weight": edge_weight,
        "W": W,
        "bias": bias,
        "prelu_a": prelu_a,
    }


def reference(features, edge_index, edge_weight, W, bias, prelu_a):
    n_nodes = features.shape[1]
    # hidden_layer = self.f_c(features)  -> x @ W^T
    hidden_layer = jnp.einsum("bnd,od->bno", features, W)
    # out = spmm(adj_norm, squeeze(hidden, 0)) with adj in COO (row=dst, col=src)
    h = jnp.squeeze(hidden_layer, 0)
    row = edge_index[0]
    col = edge_index[1]
    msgs = edge_weight[:, None] * jnp.take(h, col, axis=0)
    agg = jax.ops.segment_sum(msgs, row, num_segments=n_nodes)
    out = jnp.expand_dims(agg, 0)
    # bias add
    out = out + bias
    # PReLU activation
    act = jnp.where(out >= 0, out, prelu_a * out)
    return (act, hidden_layer)

if __name__ == "__main__":
    import jax
    _d = setup_inputs()
    print(jax.jit(kernel)(*tuple(_d.values())))

</pallas_src>

<mosaic_0001>
#map = affine_map<(d0, d1) -> (0, 0)>
#map1 = affine_map<(d0, d1) -> (0, 0, 0)>
module attributes {stable_mosaic.version = 14 : i64} {
  func.func @body(%arg0: i32, %arg1: i32, %arg2: memref<20000x128xf32, #tpu.memory_space<hbm>>, %arg3: memref<16x80x128xi32, #tpu.memory_space<hbm>>, %arg4: memref<16x80x128xi32, #tpu.memory_space<hbm>>, %arg5: memref<16x80x128xf32, #tpu.memory_space<hbm>>, %arg6: memref<2x10240x128xf32, #tpu.memory_space<hbm>>, %arg7: memref<80x128xi32, #tpu.memory_space<vmem>>, %arg8: memref<80x128xi32, #tpu.memory_space<vmem>>, %arg9: memref<80x128xf32, #tpu.memory_space<vmem>>, %arg10: memref<128x128xf32, #tpu.memory_space<vmem>>, %arg11: memref<10240x128xf32, #tpu.memory_space<vmem_shared>>) attributes {dimension_semantics = [#tpu.dimension_semantics<core_parallel>, #tpu.dimension_semantics<subcore_parallel>], iteration_bounds = array<i64: 2, 16>, scalar_prefetch = 0 : i64, scratch_operands = 5 : i64, tpu.core_type = #tpu.core_type<sc_vector_subcore>, window_params = [{transform_indices = #map}, {transform_indices = #map1}, {transform_indices = #map1}, {transform_indices = #map1}, {transform_indices = #map1}]} {
    "tpu.region"() ({
      %run_scoped3A = tpu.sem_alloc : memref<!tpu.dma_semaphore, #tpu.memory_space<semaphore_mem>>
      %dma_start3A = arith.constant 0 : i32
      %dma_start3A_55 = arith.constant 0 : i32
      %dma_start3A_56 = tpu.memref_slice %arg3[%arg1, %dma_start3A, %dma_start3A_55] : memref<16x80x128xi32, #tpu.memory_space<hbm>> -> memref<1x80x128xi32, #tpu.memory_space<hbm>>
      %dma_start3A_57 = tpu.memref_squeeze %dma_start3A_56 : memref<1x80x128xi32, #tpu.memory_space<hbm>> -> memref<80x128xi32, #tpu.memory_space<hbm>>
      %dma_start3A_58 = arith.constant 0 : i32
      %dma_start3A_59 = arith.constant 0 : i32
      %dma_start3A_60 = tpu.memref_slice %arg3[%arg1, %dma_start3A_58, %dma_start3A_59] : memref<16x80x128xi32, #tpu.memory_space<hbm>> -> memref<1x80x128xi32, #tpu.memory_space<hbm>>
      %dma_start3A_61 = tpu.memref_squeeze %dma_start3A_60 : memref<1x80x128xi32, #tpu.memory_space<hbm>> -> memref<80x128xi32, #tpu.memory_space<hbm>>
      tpu.enqueue_dma source(%dma_start3A_61 : memref<80x128xi32, #tpu.memory_space<hbm>>) target(%arg7 : memref<80x128xi32, #tpu.memory_space<vmem>>) target_semaphore(%run_scoped3A : memref<!tpu.dma_semaphore, #tpu.memory_space<semaphore_mem>>)
      %dma_wait3A = arith.constant 0 : i32
      %dma_wait3A_62 = arith.constant 0 : i32
      %dma_wait3A_63 = tpu.memref_slice %arg3[%arg1, %dma_wait3A, %dma_wait3A_62] : memref<16x80x128xi32, #tpu.memory_space<hbm>> -> memref<1x80x128xi32, #tpu.memory_space<hbm>>
      %dma_wait3A_64 = tpu.memref_squeeze %dma_wait3A_63 : memref<1x80x128xi32, #tpu.memory_space<hbm>> -> memref<80x128xi32, #tpu.memory_space<hbm>>
      %dma_wait3A_65 = arith.constant 0 : i32
      %dma_wait3A_66 = arith.constant 0 : i32
      %dma_wait3A_67 = tpu.memref_slice %arg3[%arg1, %dma_wait3A_65, %dma_wait3A_66] : memref<16x80x128xi32, #tpu.memory_space<hbm>> -> memref<1x80x128xi32, #tpu.memory_space<hbm>>
      %dma_wait3A_68 = tpu.memref_squeeze %dma_wait3A_67 : memref<1x80x128xi32, #tpu.memory_space<hbm>> -> memref<80x128xi32, #tpu.memory_space<hbm>>
      tpu.wait_dma2 semaphore(%run_scoped3A : memref<!tpu.dma_semaphore, #tpu.memory_space<semaphore_mem>>) src(%dma_wait3A_68 : memref<80x128xi32, #tpu.memory_space<hbm>>) dst(%arg7 : memref<80x128xi32, #tpu.memory_space<vmem>>)
      tpu.yield
    }) : () -> ()
    "tpu.region"() ({
      %run_scoped3A = tpu.sem_alloc : memref<!tpu.dma_semaphore, #tpu.memory_space<semaphore_mem>>
      %dma_start3A = arith.constant 0 : i32
      %dma_start3A_55 = arith.constant 0 : i32
      %dma_start3A_56 = tpu.memref_slice %arg4[%arg1, %dma_start3A, %dma_start3A_55] : memref<16x80x128xi32, #tpu.memory_space<hbm>> -> memref<1x80x128xi32, #tpu.memory_space<hbm>>
      %dma_start3A_57 = tpu.memref_squeeze %dma_start3A_56 : memref<1x80x128xi32, #tpu.memory_space<hbm>> -> memref<80x128xi32, #tpu.memory_space<hbm>>
      %dma_start3A_58 = arith.constant 0 : i32
      %dma_start3A_59 = arith.constant 0 : i32
      %dma_start3A_60 = tpu.memref_slice %arg4[%arg1, %dma_start3A_58, %dma_start3A_59] : memref<16x80x128xi32, #tpu.memory_space<hbm>> -> memref<1x80x128xi32, #tpu.memory_space<hbm>>
      %dma_start3A_61 = tpu.memref_squeeze %dma_start3A_60 : memref<1x80x128xi32, #tpu.memory_space<hbm>> -> memref<80x128xi32, #tpu.memory_space<hbm>>
      tpu.enqueue_dma source(%dma_start3A_61 : memref<80x128xi32, #tpu.memory_space<hbm>>) target(%arg8 : memref<80x128xi32, #tpu.memory_space<vmem>>) target_semaphore(%run_scoped3A : memref<!tpu.dma_semaphore, #tpu.memory_space<semaphore_mem>>)
      %dma_wait3A = arith.constant 0 : i32
      %dma_wait3A_62 = arith.constant 0 : i32
      %dma_wait3A_63 = tpu.memref_slice %arg4[%arg1, %dma_wait3A, %dma_wait3A_62] : memref<16x80x128xi32, #tpu.memory_space<hbm>> -> memref<1x80x128xi32, #tpu.memory_space<hbm>>
      %dma_wait3A_64 = tpu.memref_squeeze %dma_wait3A_63 : memref<1x80x128xi32, #tpu.memory_space<hbm>> -> memref<80x128xi32, #tpu.memory_space<hbm>>
      %dma_wait3A_65 = arith.constant 0 : i32
      %dma_wait3A_66 = arith.constant 0 : i32
      %dma_wait3A_67 = tpu.memref_slice %arg4[%arg1, %dma_wait3A_65, %dma_wait3A_66] : memref<16x80x128xi32, #tpu.memory_space<hbm>> -> memref<1x80x128xi32, #tpu.memory_space<hbm>>
      %dma_wait3A_68 = tpu.memref_squeeze %dma_wait3A_67 : memref<1x80x128xi32, #tpu.memory_space<hbm>> -> memref<80x128xi32, #tpu.memory_space<hbm>>
      tpu.wait_dma2 semaphore(%run_scoped3A : memref<!tpu.dma_semaphore, #tpu.memory_space<semaphore_mem>>) src(%dma_wait3A_68 : memref<80x128xi32, #tpu.memory_space<hbm>>) dst(%arg8 : memref<80x128xi32, #tpu.memory_space<vmem>>)
      tpu.yield
    }) : () -> ()
    "tpu.region"() ({
      %run_scoped3A = tpu.sem_alloc : memref<!tpu.dma_semaphore, #tpu.memory_space<semaphore_mem>>
      %dma_start3A = arith.constant 0 : i32
      %dma_start3A_55 = arith.constant 0 : i32
      %dma_start3A_56 = tpu.memref_slice %arg5[%arg1, %dma_start3A, %dma_start3A_55] : memref<16x80x128xf32, #tpu.memory_space<hbm>> -> memref<1x80x128xf32, #tpu.memory_space<hbm>>
      %dma_start3A_57 = tpu.memref_squeeze %dma_start3A_56 : memref<1x80x128xf32, #tpu.memory_space<hbm>> -> memref<80x128xf32, #tpu.memory_space<hbm>>
      %dma_start3A_58 = arith.constant 0 : i32
      %dma_start3A_59 = arith.constant 0 : i32
      %dma_start3A_60 = tpu.memref_slice %arg5[%arg1, %dma_start3A_58, %dma_start3A_59] : memref<16x80x128xf32, #tpu.memory_space<hbm>> -> memref<1x80x128xf32, #tpu.memory_space<hbm>>
      %dma_start3A_61 = tpu.memref_squeeze %dma_start3A_60 : memref<1x80x128xf32, #tpu.memory_space<hbm>> -> memref<80x128xf32, #tpu.memory_space<hbm>>
      tpu.enqueue_dma source(%dma_start3A_61 : memref<80x128xf32, #tpu.memory_space<hbm>>) target(%arg9 : memref<80x128xf32, #tpu.memory_space<vmem>>) target_semaphore(%run_scoped3A : memref<!tpu.dma_semaphore, #tpu.memory_space<semaphore_mem>>)
      %dma_wait3A = arith.constant 0 : i32
      %dma_wait3A_62 = arith.constant 0 : i32
      %dma_wait3A_63 = tpu.memref_slice %arg5[%arg1, %dma_wait3A, %dma_wait3A_62] : memref<16x80x128xf32, #tpu.memory_space<hbm>> -> memref<1x80x128xf32, #tpu.memory_space<hbm>>
      %dma_wait3A_64 = tpu.memref_squeeze %dma_wait3A_63 : memref<1x80x128xf32, #tpu.memory_space<hbm>> -> memref<80x128xf32, #tpu.memory_space<hbm>>
      %dma_wait3A_65 = arith.constant 0 : i32
      %dma_wait3A_66 = arith.constant 0 : i32
      %dma_wait3A_67 = tpu.memref_slice %arg5[%arg1, %dma_wait3A_65, %dma_wait3A_66] : memref<16x80x128xf32, #tpu.memory_space<hbm>> -> memref<1x80x128xf32, #tpu.memory_space<hbm>>
      %dma_wait3A_68 = tpu.memref_squeeze %dma_wait3A_67 : memref<1x80x128xf32, #tpu.memory_space<hbm>> -> memref<80x128xf32, #tpu.memory_space<hbm>>
      tpu.wait_dma2 semaphore(%run_scoped3A : memref<!tpu.dma_semaphore, #tpu.memory_space<semaphore_mem>>) src(%dma_wait3A_68 : memref<80x128xf32, #tpu.memory_space<hbm>>) dst(%arg9 : memref<80x128xf32, #tpu.memory_space<vmem>>)
      tpu.yield
    }) : () -> ()
    %mul3A = arith.constant 10000 : i32
    %mul3A_0 = arith.muli %arg0, %mul3A : i32
    %broadcast_in_dim3A = vector.broadcast %mul3A_0 : i32 to vector<16xi32>
    %scan3A = arith.constant 0 : i32
    %scan3A_1 = arith.constant 80 : i32
    %scan3A_2 = arith.addi %scan3A, %scan3A_1 : i32
    %scan3A_3 = arith.constant 1 : i32
    scf.for %scan3A_55 = %scan3A to %scan3A_2 step %scan3A_3  : i32 {
      %mul3A_56 = arith.constant 1 : i32
      %mul3A_57 = arith.muli %scan3A_55, %mul3A_56 : i32
      %add3A_58 = arith.constant 0 : i32
      %add3A_59 = arith.addi %add3A_58, %mul3A_57 : i32
      %get3A = arith.index_cast %add3A_59 : i32 to index
      %get3A_60 = arith.constant 0 : index
      %get3A_61 = tpu.vector_load %arg7[%get3A, %get3A_60] {strides = array<i32>} : memref<80x128xi32, #tpu.memory_space<vmem>>, vector<1x16xi32>,
      %get3A_62 = vector.shape_cast %get3A_61 : vector<1x16xi32> to vector<16xi32>
      %add3A_63 = arith.addi %get3A_62, %broadcast_in_dim3A : vector<16xi32>
      %swap3A = arith.index_cast %add3A_59 : i32 to index
      %swap3A_64 = arith.constant 0 : index
      %swap3A_65 = tpu.vector_load %arg7[%swap3A, %swap3A_64] {strides = array<i32>} : memref<80x128xi32, #tpu.memory_space<vmem>>, vector<1x16xi32>,
      %swap3A_66 = vector.shape_cast %swap3A_65 : vector<1x16xi32> to vector<16xi32>
      %swap3A_67 = vector.shape_cast %add3A_63 : vector<16xi32> to vector<1x16xi32>
      tpu.vector_store %arg7[%swap3A, %swap3A_64], %swap3A_67 {strides = array<i32>} : memref<80x128xi32, #tpu.memory_space<vmem>>, vector<1x16xi32>,
      %get3A_68 = arith.index_cast %add3A_59 : i32 to index
      %get3A_69 = arith.constant 16 : index
      %get3A_70 = tpu.vector_load %arg7[%get3A_68, %get3A_69] {strides = array<i32>} : memref<80x128xi32, #tpu.memory_space<vmem>>, vector<1x16xi32>,
      %get3A_71 = vector.shape_cast %get3A_70 : vector<1x16xi32> to vector<16xi32>
      %add3A_72 = arith.addi %get3A_71, %broadcast_in_dim3A : vector<16xi32>
      %swap3A_73 = arith.index_cast %add3A_59 : i32 to index
      %swap3A_74 = arith.constant 16 : index
      %swap3A_75 = tpu.vector_load %arg7[%swap3A_73, %swap3A_74] {strides = array<i32>} : memref<80x128xi32, #tpu.memory_space<vmem>>, vector<1x16xi32>,
      %swap3A_76 = vector.shape_cast %swap3A_75 : vector<1x16xi32> to vector<16xi32>
      %swap3A_77 = vector.shape_cast %add3A_72 : vector<16xi32> to vector<1x16xi32>
      tpu.vector_store %arg7[%swap3A_73, %swap3A_74], %swap3A_77 {strides = array<i32>} : memref<80x128xi32, #tpu.memory_space<vmem>>, vector<1x16xi32>,
      %get3A_78 = arith.index_cast %add3A_59 : i32 to index
      %get3A_79 = arith.constant 32 : index
      %get3A_80 = tpu.vector_load %arg7[%get3A_78, %get3A_79] {strides = array<i32>} : memref<80x128xi32, #tpu.memory_space<vmem>>, vector<1x16xi32>,
      %get3A_81 = vector.shape_cast %get3A_80 : vector<1x16xi32> to vector<16xi32>
      %add3A_82 = arith.addi %get3A_81, %broadcast_in_dim3A : vector<16xi32>
      %swap3A_83 = arith.index_cast %add3A_59 : i32 to index
      %swap3A_84 = arith.constant 32 : index
      %swap3A_85 = tpu.vector_load %arg7[%swap3A_83, %swap3A_84] {strides = array<i32>} : memref<80x128xi32, #tpu.memory_space<vmem>>, vector<1x16xi32>,
      %swap3A_86 = vector.shape_cast %swap3A_85 : vector<1x16xi32> to vector<16xi32>
      %swap3A_87 = vector.shape_cast %add3A_82 : vector<16xi32> to vector<1x16xi32>
      tpu.vector_store %arg7[%swap3A_83, %swap3A_84], %swap3A_87 {strides = array<i32>} : memref<80x128xi32, #tpu.memory_space<vmem>>, vector<1x16xi32>,
      %get3A_88 = arith.index_cast %add3A_59 : i32 to index
      %get3A_89 = arith.constant 48 : index
      %get3A_90 = tpu.vector_load %arg7[%get3A_88, %get3A_89] {strides = array<i32>} : memref<80x128xi32, #tpu.memory_space<vmem>>, vector<1x16xi32>,
      %get3A_91 = vector.shape_cast %get3A_90 : vector<1x16xi32> to vector<16xi32>
      %add3A_92 = arith.addi %get3A_91, %broadcast_in_dim3A : vector<16xi32>
      %swap3A_93 = arith.index_cast %add3A_59 : i32 to index
      %swap3A_94 = arith.constant 48 : index
      %swap3A_95 = tpu.vector_load %arg7[%swap3A_93, %swap3A_94] {strides = array<i32>} : memref<80x128xi32, #tpu.memory_space<vmem>>, vector<1x16xi32>,
      %swap3A_96 = vector.shape_cast %swap3A_95 : vector<1x16xi32> to vector<16xi32>
      %swap3A_97 = vector.shape_cast %add3A_92 : vector<16xi32> to vector<1x16xi32>
      tpu.vector_store %arg7[%swap3A_93, %swap3A_94], %swap3A_97 {strides = array<i32>} : memref<80x128xi32, #tpu.memory_space<vmem>>, vector<1x16xi32>,
      %get3A_98 = arith.index_cast %add3A_59 : i32 to index
      %get3A_99 = arith.constant 64 : index
      %get3A_100 = tpu.vector_load %arg7[%get3A_98, %get3A_99] {strides = array<i32>} : memref<80x128xi32, #tpu.memory_space<vmem>>, vector<1x16xi32>,
      %get3A_101 = vector.shape_cast %get3A_100 : vector<1x16xi32> to vector<16xi32>
      %add3A_102 = arith.addi %get3A_101, %broadcast_in_dim3A : vector<16xi32>
      %swap3A_103 = arith.index_cast %add3A_59 : i32 to index
      %swap3A_104 = arith.constant 64 : index
      %swap3A_105 = tpu.vector_load %arg7[%swap3A_103, %swap3A_104] {strides = array<i32>} : memref<80x128xi32, #tpu.memory_space<vmem>>, vector<1x16xi32>,
      %swap3A_106 = vector.shape_cast %swap3A_105 : vector<1x16xi32> to vector<16xi32>
      %swap3A_107 = vector.shape_cast %add3A_102 : vector<16xi32> to vector<1x16xi32>
      tpu.vector_store %arg7[%swap3A_103, %swap3A_104], %swap3A_107 {strides = array<i32>} : memref<80x128xi32, #tpu.memory_space<vmem>>, vector<1x16xi32>,
      %get3A_108 = arith.index_cast %add3A_59 : i32 to index
      %get3A_109 = arith.constant 80 : index
      %get3A_110 = tpu.vector_load %arg7[%get3A_108, %get3A_109] {strides = array<i32>} : memref<80x128xi32, #tpu.memory_space<vmem>>, vector<1x16xi32>,
      %get3A_111 = vector.shape_cast %get3A_110 : vector<1x16xi32> to vector<16xi32>
      %add3A_112 = arith.addi %get3A_111, %broadcast_in_dim3A : vector<16xi32>
      %swap3A_113 = arith.index_cast %add3A_59 : i32 to index
      %swap3A_114 = arith.constant 80 : index
      %swap3A_115 = tpu.vector_load %arg7[%swap3A_113, %swap3A_114] {strides = array<i32>} : memref<80x128xi32, #tpu.memory_space<vmem>>, vector<1x16xi32>,
      %swap3A_116 = vector.shape_cast %swap3A_115 : vector<1x16xi32> to vector<16xi32>
      %swap3A_117 = vector.shape_cast %add3A_112 : vector<16xi32> to vector<1x16xi32>
      tpu.vector_store %arg7[%swap3A_113, %swap3A_114], %swap3A_117 {strides = array<i32>} : memref<80x128xi32, #tpu.memory_space<vmem>>, vector<1x16xi32>,
      %get3A_118 = arith.index_cast %add3A_59 : i32 to index
      %get3A_119 = arith.constant 96 : index
      %get3A_120 = tpu.vector_load %arg7[%get3A_118, %get3A_119] {strides = array<i32>} : memref<80x128xi32, #tpu.memory_space<vmem>>, vector<1x16xi32>,
      %get3A_121 = vector.shape_cast %get3A_120 : vector<1x16xi32> to vector<16xi32>
      %add3A_122 = arith.addi %get3A_121, %broadcast_in_dim3A : vector<16xi32>
      %swap3A_123 = arith.index_cast %add3A_59 : i32 to index
      %swap3A_124 = arith.constant 96 : index
      %swap3A_125 = tpu.vector_load %arg7[%swap3A_123, %swap3A_124] {strides = array<i32>} : memref<80x128xi32, #tpu.memory_space<vmem>>, vector<1x16xi32>,
      %swap3A_126 = vector.shape_cast %swap3A_125 : vector<1x16xi32> to vector<16xi32>
      %swap3A_127 = vector.shape_cast %add3A_122 : vector<16xi32> to vector<1x16xi32>
      tpu.vector_store %arg7[%swap3A_123, %swap3A_124], %swap3A_127 {strides = array<i32>} : memref<80x128xi32, #tpu.memory_space<vmem>>, vector<1x16xi32>,
      %get3A_128 = arith.index_cast %add3A_59 : i32 to index
      %get3A_129 = arith.constant 112 : index
      %get3A_130 = tpu.vector_load %arg7[%get3A_128, %get3A_129] {strides = array<i32>} : memref<80x128xi32, #tpu.memory_space<vmem>>, vector<1x16xi32>,
      %get3A_131 = vector.shape_cast %get3A_130 : vector<1x16xi32> to vector<16xi32>
      %add3A_132 = arith.addi %get3A_131, %broadcast_in_dim3A : vector<16xi32>
      %swap3A_133 = arith.index_cast %add3A_59 : i32 to index
      %swap3A_134 = arith.constant 112 : index
      %swap3A_135 = tpu.vector_load %arg7[%swap3A_133, %swap3A_134] {strides = array<i32>} : memref<80x128xi32, #tpu.memory_space<vmem>>, vector<1x16xi32>,
      %swap3A_136 = vector.shape_cast %swap3A_135 : vector<1x16xi32> to vector<16xi32>
      %swap3A_137 = vector.shape_cast %add3A_132 : vector<16xi32> to vector<1x16xi32>
      tpu.vector_store %arg7[%swap3A_133, %swap3A_134], %swap3A_137 {strides = array<i32>} : memref<80x128xi32, #tpu.memory_space<vmem>>, vector<1x16xi32>,
    }
    %scan3A_4 = arith.constant 80 : i32
    %scan3A_5 = arith.constant 0 : i32
    %scan3A_6 = arith.constant 128 : i32
    %scan3A_7 = arith.addi %scan3A_5, %scan3A_6 : i32
    %scan3A_8 = arith.constant 1 : i32
    scf.for %scan3A_55 = %scan3A_5 to %scan3A_7 step %scan3A_8  : i32 {
      %mul3A_56 = arith.constant 1 : i32
      %mul3A_57 = arith.muli %scan3A_55, %mul3A_56 : i32
      %add3A_58 = arith.constant 0 : i32
      %add3A_59 = arith.addi %add3A_58, %mul3A_57 : i32
      %broadcast_in_dim3A_60 = arith.constant 0.000000e+00 : f32
      %broadcast_in_dim3A_61 = vector.broadcast %broadcast_in_dim3A_60 : f32 to vector<16xf32>
      %swap3A = arith.index_cast %add3A_59 : i32 to index
      %swap3A_62 = arith.constant 0 : index
      %swap3A_63 = tpu.vector_load %arg10[%swap3A, %swap3A_62] {strides = array<i32>} : memref<128x128xf32, #tpu.memory_space<vmem>>, vector<1x16xf32>,
      %swap3A_64 = vector.shape_cast %swap3A_63 : vector<1x16xf32> to vector<16xf32>
      %swap3A_65 = vector.shape_cast %broadcast_in_dim3A_61 : vector<16xf32> to vector<1x16xf32>
      tpu.vector_store %arg10[%swap3A, %swap3A_62], %swap3A_65 {strides = array<i32>} : memref<128x128xf32, #tpu.memory_space<vmem>>, vector<1x16xf32>,
      %broadcast_in_dim3A_66 = arith.constant 0.000000e+00 : f32
      %broadcast_in_dim3A_67 = vector.broadcast %broadcast_in_dim3A_66 : f32 to vector<16xf32>
      %swap3A_68 = arith.index_cast %add3A_59 : i32 to index
      %swap3A_69 = arith.constant 16 : index
      %swap3A_70 = tpu.vector_load %arg10[%swap3A_68, %swap3A_69] {strides = array<i32>} : memref<128x128xf32, #tpu.memory_space<vmem>>, vector<1x16xf32>,
      %swap3A_71 = vector.shape_cast %swap3A_70 : vector<1x16xf32> to vector<16xf32>
      %swap3A_72 = vector.shape_cast %broadcast_in_dim3A_67 : vector<16xf32> to vector<1x16xf32>
      tpu.vector_store %arg10[%swap3A_68, %swap3A_69], %swap3A_72 {strides = array<i32>} : memref<128x128xf32, #tpu.memory_space<vmem>>, vector<1x16xf32>,
      %broadcast_in_dim3A_73 = arith.constant 0.000000e+00 : f32
      %broadcast_in_dim3A_74 = vector.broadcast %broadcast_in_dim3A_73 : f32 to vector<16xf32>
      %swap3A_75 = arith.index_cast %add3A_59 : i32 to index
      %swap3A_76 = arith.constant 32 : index
      %swap3A_77 = tpu.vector_load %arg10[%swap3A_75, %swap3A_76] {strides = array<i32>} : memref<128x128xf32, #tpu.memory_space<vmem>>, vector<1x16xf32>,
      %swap3A_78 = vector.shape_cast %swap3A_77 : vector<1x16xf32> to vector<16xf32>
      %swap3A_79 = vector.shape_cast %broadcast_in_dim3A_74 : vector<16xf32> to vector<1x16xf32>
      tpu.vector_store %arg10[%swap3A_75, %swap3A_76], %swap3A_79 {strides = array<i32>} : memref<128x128xf32, #tpu.memory_space<vmem>>, vector<1x16xf32>,
      %broadcast_in_dim3A_80 = arith.constant 0.000000e+00 : f32
      %broadcast_in_dim3A_81 = vector.broadcast %broadcast_in_dim3A_80 : f32 to vector<16xf32>
      %swap3A_82 = arith.index_cast %add3A_59 : i32 to index
      %swap3A_83 = arith.constant 48 : index
      %swap3A_84 = tpu.vector_load %arg10[%swap3A_82, %swap3A_83] {strides = array<i32>} : memref<128x128xf32, #tpu.memory_space<vmem>>, vector<1x16xf32>,
      %swap3A_85 = vector.shape_cast %swap3A_84 : vector<1x16xf32> to vector<16xf32>
      %swap3A_86 = vector.shape_cast %broadcast_in_dim3A_81 : vector<16xf32> to vector<1x16xf32>
      tpu.vector_store %arg10[%swap3A_82, %swap3A_83], %swap3A_86 {strides = array<i32>} : memref<128x128xf32, #tpu.memory_space<vmem>>, vector<1x16xf32>,
      %broadcast_in_dim3A_87 = arith.constant 0.000000e+00 : f32
      %broadcast_in_dim3A_88 = vector.broadcast %broadcast_in_dim3A_87 : f32 to vector<16xf32>
      %swap3A_89 = arith.index_cast %add3A_59 : i32 to index
      %swap3A_90 = arith.constant 64 : index
      %swap3A_91 = tpu.vector_load %arg10[%swap3A_89, %swap3A_90] {strides = array<i32>} : memref<128x128xf32, #tpu.memory_space<vmem>>, vector<1x16xf32>,
      %swap3A_92 = vector.shape_cast %swap3A_91 : vector<1x16xf32> to vector<16xf32>
      %swap3A_93 = vector.shape_cast %broadcast_in_dim3A_88 : vector<16xf32> to vector<1x16xf32>
      tpu.vector_store %arg10[%swap3A_89, %swap3A_90], %swap3A_93 {strides = array<i32>} : memref<128x128xf32, #tpu.memory_space<vmem>>, vector<1x16xf32>,
      %broadcast_in_dim3A_94 = arith.constant 0.000000e+00 : f32
      %broadcast_in_dim3A_95 = vector.broadcast %broadcast_in_dim3A_94 : f32 to vector<16xf32>
      %swap3A_96 = arith.index_cast %add3A_59 : i32 to index
      %swap3A_97 = arith.constant 80 : index
      %swap3A_98 = tpu.vector_load %arg10[%swap3A_96, %swap3A_97] {strides = array<i32>} : memref<128x128xf32, #tpu.memory_space<vmem>>, vector<1x16xf32>,
      %swap3A_99 = vector.shape_cast %swap3A_98 : vector<1x16xf32> to vector<16xf32>
      %swap3A_100 = vector.shape_cast %broadcast_in_dim3A_95 : vector<16xf32> to vector<1x16xf32>
      tpu.vector_store %arg10[%swap3A_96, %swap3A_97], %swap3A_100 {strides = array<i32>} : memref<128x128xf32, #tpu.memory_space<vmem>>, vector<1x16xf32>,
      %broadcast_in_dim3A_101 = arith.constant 0.000000e+00 : f32
      %broadcast_in_dim3A_102 = vector.broadcast %broadcast_in_dim3A_101 : f32 to vector<16xf32>
      %swap3A_103 = arith.index_cast %add3A_59 : i32 to index
      %swap3A_104 = arith.constant 96 : index
      %swap3A_105 = tpu.vector_load %arg10[%swap3A_103, %swap3A_104] {strides = array<i32>} : memref<128x128xf32, #tpu.memory_space<vmem>>, vector<1x16xf32>,
      %swap3A_106 = vector.shape_cast %swap3A_105 : vector<1x16xf32> to vector<16xf32>
      %swap3A_107 = vector.shape_cast %broadcast_in_dim3A_102 : vector<16xf32> to vector<1x16xf32>
      tpu.vector_store %arg10[%swap3A_103, %swap3A_104], %swap3A_107 {strides = array<i32>} : memref<128x128xf32, #tpu.memory_space<vmem>>, vector<1x16xf32>,
      %broadcast_in_dim3A_108 = arith.constant 0.000000e+00 : f32
      %broadcast_in_dim3A_109 = vector.broadcast %broadcast_in_dim3A_108 : f32 to vector<16xf32>
      %swap3A_110 = arith.index_cast %add3A_59 : i32 to index
      %swap3A_111 = arith.constant 112 : index
      %swap3A_112 = tpu.vector_load %arg10[%swap3A_110, %swap3A_111] {strides = array<i32>} : memref<128x128xf32, #tpu.memory_space<vmem>>, vector<1x16xf32>,
      %swap3A_113 = vector.shape_cast %swap3A_112 : vector<1x16xf32> to vector<16xf32>
      %swap3A_114 = vector.shape_cast %broadcast_in_dim3A_109 : vector<16xf32> to vector<1x16xf32>
      tpu.vector_store %arg10[%swap3A_110, %swap3A_111], %swap3A_114 {strides = array<i32>} : memref<128x128xf32, #tpu.memory_space<vmem>>, vector<1x16xf32>,
    }
    %scan3A_9 = arith.constant 128 : i32
    %mul3A_10 = arith.constant 640 : i32
    %mul3A_11 = arith.muli %arg1, %mul3A_10 : i32
    %add3A = arith.constant 0 : i32
    %add3A_12 = arith.addi %mul3A_11, %add3A : i32
    "tpu.region"() ({
      %run_scoped3A = tpu.sem_alloc : memref<!tpu.dma_semaphore, #tpu.memory_space<semaphore_mem>>
      %dma_start3A = arith.constant 0 : i32
      %dma_start3A_55 = tpu.memref_slice %arg11[%add3A_12, %dma_start3A] : memref<10240x128xf32, #tpu.memory_space<vmem_shared>> -> memref<128x128xf32, #tpu.memory_space<vmem_shared>>
      %dma_start3A_56 = arith.constant 0 : i32
      %dma_start3A_57 = tpu.memref_slice %arg11[%add3A_12, %dma_start3A_56] : memref<10240x128xf32, #tpu.memory_space<vmem_shared>> -> memref<128x128xf32, #tpu.memory_space<vmem_shared>>
      tpu.enqueue_dma source(%arg10 : memref<128x128xf32, #tpu.memory_space<vmem>>) target(%dma_start3A_57 : memref<128x128xf32, #tpu.memory_space<vmem_shared>>) target_semaphore(%run_scoped3A : memref<!tpu.dma_semaphore, #tpu.memory_space<semaphore_mem>>)
      %dma_wait3A = arith.constant 0 : i32
      %dma_wait3A_58 = tpu.memref_slice %arg11[%add3A_12, %dma_wait3A] : memref<10240x128xf32, #tpu.memory_space<vmem_shared>> -> memref<128x128xf32, #tpu.memory_space<vmem_shared>>
      %dma_wait3A_59 = arith.constant 0 : i32
      %dma_wait3A_60 = tpu.memref_slice %arg11[%add3A_12, %dma_wait3A_59] : memref<10240x128xf32, #tpu.memory_space<vmem_shared>> -> memref<128x128xf32, #tpu.memory_space<vmem_shared>>
      tpu.wait_dma2 semaphore(%run_scoped3A : memref<!tpu.dma_semaphore, #tpu.memory_space<semaphore_mem>>) src(%arg10 : memref<128x128xf32, #tpu.memory_space<vmem>>) dst(%dma_wait3A_60 : memref<128x128xf32, #tpu.memory_space<vmem_shared>>)
      tpu.yield
    }) : () -> ()
    %mul3A_13 = arith.constant 640 : i32
    %mul3A_14 = arith.muli %arg1, %mul3A_13 : i32
    %add3A_15 = arith.constant 128 : i32
    %add3A_16 = arith.addi %mul3A_14, %add3A_15 : i32
    "tpu.region"() ({
      %run_scoped3A = tpu.sem_alloc : memref<!tpu.dma_semaphore, #tpu.memory_space<semaphore_mem>>
      %dma_start3A = arith.constant 0 : i32
      %dma_start3A_55 = tpu.memref_slice %arg11[%add3A_16, %dma_start3A] : memref<10240x128xf32, #tpu.memory_space<vmem_shared>> -> memref<128x128xf32, #tpu.memory_space<vmem_shared>>
      %dma_start3A_56 = arith.constant 0 : i32
      %dma_start3A_57 = tpu.memref_slice %arg11[%add3A_16, %dma_start3A_56] : memref<10240x128xf32, #tpu.memory_space<vmem_shared>> -> memref<128x128xf32, #tpu.memory_space<vmem_shared>>
      tpu.enqueue_dma source(%arg10 : memref<128x128xf32, #tpu.memory_space<vmem>>) target(%dma_start3A_57 : memref<128x128xf32, #tpu.memory_space<vmem_shared>>) target_semaphore(%run_scoped3A : memref<!tpu.dma_semaphore, #tpu.memory_space<semaphore_mem>>)
      %dma_wait3A = arith.constant 0 : i32
      %dma_wait3A_58 = tpu.memref_slice %arg11[%add3A_16, %dma_wait3A] : memref<10240x128xf32, #tpu.memory_space<vmem_shared>> -> memref<128x128xf32, #tpu.memory_space<vmem_shared>>
      %dma_wait3A_59 = arith.constant 0 : i32
      %dma_wait3A_60 = tpu.memref_slice %arg11[%add3A_16, %dma_wait3A_59] : memref<10240x128xf32, #tpu.memory_space<vmem_shared>> -> memref<128x128xf32, #tpu.memory_space<vmem_shared>>
      tpu.wait_dma2 semaphore(%run_scoped3A : memref<!tpu.dma_semaphore, #tpu.memory_space<semaphore_mem>>) src(%arg10 : memref<128x128xf32, #tpu.memory_space<vmem>>) dst(%dma_wait3A_60 : memref<128x128xf32, #tpu.memory_space<vmem_shared>>)
      tpu.yield
    }) : () -> ()
    %mul3A_17 = arith.constant 640 : i32
    %mul3A_18 = arith.muli %arg1, %mul3A_17 : i32
    %add3A_19 = arith.constant 256 : i32
    %add3A_20 = arith.addi %mul3A_18, %add3A_19 : i32
    "tpu.region"() ({
      %run_scoped3A = tpu.sem_alloc : memref<!tpu.dma_semaphore, #tpu.memory_space<semaphore_mem>>
      %dma_start3A = arith.constant 0 : i32
      %dma_start3A_55 = tpu.memref_slice %arg11[%add3A_20, %dma_start3A] : memref<10240x128xf32, #tpu.memory_space<vmem_shared>> -> memref<128x128xf32, #tpu.memory_space<vmem_shared>>
      %dma_start3A_56 = arith.constant 0 : i32
      %dma_start3A_57 = tpu.memref_slice %arg11[%add3A_20, %dma_start3A_56] : memref<10240x128xf32, #tpu.memory_space<vmem_shared>> -> memref<128x128xf32, #tpu.memory_space<vmem_shared>>
      tpu.enqueue_dma source(%arg10 : memref<128x128xf32, #tpu.memory_space<vmem>>) target(%dma_start3A_57 : memref<128x128xf32, #tpu.memory_space<vmem_shared>>) target_semaphore(%run_scoped3A : memref<!tpu.dma_semaphore, #tpu.memory_space<semaphore_mem>>)
      %dma_wait3A = arith.constant 0 : i32
      %dma_wait3A_58 = tpu.memref_slice %arg11[%add3A_20, %dma_wait3A] : memref<10240x128xf32, #tpu.memory_space<vmem_shared>> -> memref<128x128xf32, #tpu.memory_space<vmem_shared>>
      %dma_wait3A_59 = arith.constant 0 : i32
      %dma_wait3A_60 = tpu.memref_slice %arg11[%add3A_20, %dma_wait3A_59] : memref<10240x128xf32, #tpu.memory_space<vmem_shared>> -> memref<128x128xf32, #tpu.memory_space<vmem_shared>>
      tpu.wait_dma2 semaphore(%run_scoped3A : memref<!tpu.dma_semaphore, #tpu.memory_space<semaphore_mem>>) src(%arg10 : memref<128x128xf32, #tpu.memory_space<vmem>>) dst(%dma_wait3A_60 : memref<128x128xf32, #tpu.memory_space<vmem_shared>>)
      tpu.yield
    }) : () -> ()
    %mul3A_21 = arith.constant 640 : i32
    %mul3A_22 = arith.muli %arg1, %mul3A_21 : i32
    %add3A_23 = arith.constant 384 : i32
    %add3A_24 = arith.addi %mul3A_22, %add3A_23 : i32
    "tpu.region"() ({
      %run_scoped3A = tpu.sem_alloc : memref<!tpu.dma_semaphore, #tpu.memory_space<semaphore_mem>>
      %dma_start3A = arith.constant 0 : i32
      %dma_start3A_55 = tpu.memref_slice %arg11[%add3A_24, %dma_start3A] : memref<10240x128xf32, #tpu.memory_space<vmem_shared>> -> memref<128x128xf32, #tpu.memory_space<vmem_shared>>
      %dma_start3A_56 = arith.constant 0 : i32
      %dma_start3A_57 = tpu.memref_slice %arg11[%add3A_24, %dma_start3A_56] : memref<10240x128xf32, #tpu.memory_space<vmem_shared>> -> memref<128x128xf32, #tpu.memory_space<vmem_shared>>
      tpu.enqueue_dma source(%arg10 : memref<128x128xf32, #tpu.memory_space<vmem>>) target(%dma_start3A_57 : memref<128x128xf32, #tpu.memory_space<vmem_shared>>) target_semaphore(%run_scoped3A : memref<!tpu.dma_semaphore, #tpu.memory_space<semaphore_mem>>)
      %dma_wait3A = arith.constant 0 : i32
      %dma_wait3A_58 = tpu.memref_slice %arg11[%add3A_24, %dma_wait3A] : memref<10240x128xf32, #tpu.memory_space<vmem_shared>> -> memref<128x128xf32, #tpu.memory_space<vmem_shared>>
      %dma_wait3A_59 = arith.constant 0 : i32
      %dma_wait3A_60 = tpu.memref_slice %arg11[%add3A_24, %dma_wait3A_59] : memref<10240x128xf32, #tpu.memory_space<vmem_shared>> -> memref<128x128xf32, #tpu.memory_space<vmem_shared>>
      tpu.wait_dma2 semaphore(%run_scoped3A : memref<!tpu.dma_semaphore, #tpu.memory_space<semaphore_mem>>) src(%arg10 : memref<128x128xf32, #tpu.memory_space<vmem>>) dst(%dma_wait3A_60 : memref<128x128xf32, #tpu.memory_space<vmem_shared>>)
      tpu.yield
    }) : () -> ()
    %mul3A_25 = arith.constant 640 : i32
    %mul3A_26 = arith.muli %arg1, %mul3A_25 : i32
    %add3A_27 = arith.constant 512 : i32
    %add3A_28 = arith.addi %mul3A_26, %add3A_27 : i32
    "tpu.region"() ({
      %run_scoped3A = tpu.sem_alloc : memref<!tpu.dma_semaphore, #tpu.memory_space<semaphore_mem>>
      %dma_start3A = arith.constant 0 : i32
      %dma_start3A_55 = tpu.memref_slice %arg11[%add3A_28, %dma_start3A] : memref<10240x128xf32, #tpu.memory_space<vmem_shared>> -> memref<128x128xf32, #tpu.memory_space<vmem_shared>>
      %dma_start3A_56 = arith.constant 0 : i32
      %dma_start3A_57 = tpu.memref_slice %arg11[%add3A_28, %dma_start3A_56] : memref<10240x128xf32, #tpu.memory_space<vmem_shared>> -> memref<128x128xf32, #tpu.memory_space<vmem_shared>>
      tpu.enqueue_dma source(%arg10 : memref<128x128xf32, #tpu.memory_space<vmem>>) target(%dma_start3A_57 : memref<128x128xf32, #tpu.memory_space<vmem_shared>>) target_semaphore(%run_scoped3A : memref<!tpu.dma_semaphore, #tpu.memory_space<semaphore_mem>>)
      %dma_wait3A = arith.constant 0 : i32
      %dma_wait3A_58 = tpu.memref_slice %arg11[%add3A_28, %dma_wait3A] : memref<10240x128xf32, #tpu.memory_space<vmem_shared>> -> memref<128x128xf32, #tpu.memory_space<vmem_shared>>
      %dma_wait3A_59 = arith.constant 0 : i32
      %dma_wait3A_60 = tpu.memref_slice %arg11[%add3A_28, %dma_wait3A_59] : memref<10240x128xf32, #tpu.memory_space<vmem_shared>> -> memref<128x128xf32, #tpu.memory_space<vmem_shared>>
      tpu.wait_dma2 semaphore(%run_scoped3A : memref<!tpu.dma_semaphore, #tpu.memory_space<semaphore_mem>>) src(%arg10 : memref<128x128xf32, #tpu.memory_space<vmem>>) dst(%dma_wait3A_60 : memref<128x128xf32, #tpu.memory_space<vmem_shared>>)
      tpu.yield
    }) : () -> ()
    %barrier3A = arith.constant 0 : index
    tpu.barrier barrier_id(%barrier3A)
    %scan3A_29 = arith.constant 0 : i32
    %scan3A_30 = arith.constant 80 : i32
    %scan3A_31 = arith.addi %scan3A_29, %scan3A_30 : i32
    %scan3A_32 = arith.constant 1 : i32
    scf.for %scan3A_55 = %scan3A_29 to %scan3A_31 step %scan3A_32  : i32 {
      %mul3A_56 = arith.constant 1 : i32
      %mul3A_57 = arith.muli %scan3A_55, %mul3A_56 : i32
      %add3A_58 = arith.constant 0 : i32
      %add3A_59 = arith.addi %add3A_58, %mul3A_57 : i32
      "tpu.region"() ({
        %run_scoped3A = tpu.sem_alloc : memref<!tpu.dma_semaphore, #tpu.memory_space<semaphore_mem>>
        %dma_start3A = arith.constant 0 : i32
        %dma_start3A_65 = tpu.memref_slice %arg7[%add3A_59, %dma_start3A] : memref<80x128xi32, #tpu.memory_space<vmem>> -> memref<1x128xi32, #tpu.memory_space<vmem>>
        %dma_start3A_66 = tpu.memref_squeeze %dma_start3A_65 : memref<1x128xi32, #tpu.memory_space<vmem>> -> memref<128xi32, #tpu.memory_space<vmem>>
        %dma_start3A_67 = arith.constant 0 : i32
        %dma_start3A_68 = arith.constant 0 : i32
        %dma_start3A_69 = tpu.memref_slice %arg2[%dma_start3A_67, %dma_start3A_68] : memref<20000x128xf32, #tpu.memory_space<hbm>> -> memref<20000x128xf32, #tpu.memory_space<hbm>>
        tpu.enqueue_indirect_dma source(%dma_start3A_69 : memref<20000x128xf32, #tpu.memory_space<hbm>>) target(%arg10 : memref<128x128xf32, #tpu.memory_space<vmem>>) offsets(%dma_start3A_66 : memref<128xi32, #tpu.memory_space<vmem>>) semaphore(%run_scoped3A : memref<!tpu.dma_semaphore, #tpu.memory_space<semaphore_mem>>)
        %dma_wait3A = arith.constant 0 : i32
        %dma_wait3A_70 = tpu.memref_slice %arg7[%add3A_59, %dma_wait3A] : memref<80x128xi32, #tpu.memory_space<vmem>> -> memref<1x128xi32, #tpu.memory_space<vmem>>
        %dma_wait3A_71 = tpu.memref_squeeze %dma_wait3A_70 : memref<1x128xi32, #tpu.memory_space<vmem>> -> memref<128xi32, #tpu.memory_space<vmem>>
        %dma_wait3A_72 = arith.constant 0 : i32
        %dma_wait3A_73 = arith.constant 0 : i32
        %dma_wait3A_74 = tpu.memref_slice %arg2[%dma_wait3A_72, %dma_wait3A_73] : memref<20000x128xf32, #tpu.memory_space<hbm>> -> memref<20000x128xf32, #tpu.memory_space<hbm>>
        tpu.wait_indirect_dma semaphore(%run_scoped3A : memref<!tpu.dma_semaphore, #tpu.memory_space<semaphore_mem>>) src(%dma_wait3A_74 : memref<20000x128xf32, #tpu.memory_space<hbm>>) dst(%arg10 : memref<128x128xf32, #tpu.memory_space<vmem>>)
        tpu.yield
      }) : () -> ()
      %scan3A_60 = arith.constant 0 : i32
      %scan3A_61 = arith.constant 8 : i32
      %scan3A_62 = arith.addi %scan3A_60, %scan3A_61 : i32
      %scan3A_63 = arith.constant 1 : i32
      scf.for %scan3A_65 = %scan3A_60 to %scan3A_62 step %scan3A_63  : i32 {
        %mul3A_66 = arith.constant 1 : i32
        %mul3A_67 = arith.muli %scan3A_65, %mul3A_66 : i32
        %add3A_68 = arith.constant 0 : i32
        %add3A_69 = arith.addi %add3A_68, %mul3A_67 : i32
        %mul3A_70 = arith.constant 16 : i32
        %mul3A_71 = arith.muli %add3A_69, %mul3A_70 : i32
        %get3A = arith.index_cast %add3A_59 : i32 to index
        %get3A_72 = arith.index_cast %mul3A_71 : i32 to index
        %get3A_73 = tpu.vector_load %arg9[%get3A, %get3A_72] {strides = array<i32>} : memref<80x128xf32, #tpu.memory_space<vmem>>, vector<1x16xf32>,
        %get3A_74 = vector.shape_cast %get3A_73 : vector<1x16xf32> to vector<16xf32>
        %slice3A = vector.extract_strided_slice %get3A_74 {offsets = [0], sizes = [1], strides = [1]} : vector<16xf32> to vector<1xf32>
        %squeeze3A = vector.extract %slice3A[0] : f32 from vector<1xf32>
        %broadcast_in_dim3A_75 = vector.broadcast %squeeze3A : f32 to vector<16xf32>
        %mul3A_76 = arith.constant 16 : i32
        %mul3A_77 = arith.muli %add3A_69, %mul3A_76 : i32
        %add3A_78 = arith.constant 0 : i32
        %add3A_79 = arith.addi %mul3A_77, %add3A_78 : i32
        %get3A_80 = arith.index_cast %add3A_79 : i32 to index
        %get3A_81 = arith.constant 0 : index
        %get3A_82 = tpu.vector_load %arg10[%get3A_80, %get3A_81] {strides = array<i32>} : memref<128x128xf32, #tpu.memory_space<vmem>>, vector<1x16xf32>,
        %get3A_83 = vector.shape_cast %get3A_82 : vector<1x16xf32> to vector<16xf32>
        %mul3A_84 = arith.mulf %get3A_83, %broadcast_in_dim3A_75 : vector<16xf32>
        %swap3A = arith.index_cast %add3A_79 : i32 to index
        %swap3A_85 = arith.constant 0 : index
        %swap3A_86 = tpu.vector_load %arg10[%swap3A, %swap3A_85] {strides = array<i32>} : memref<128x128xf32, #tpu.memory_space<vmem>>, vector<1x16xf32>,
        %swap3A_87 = vector.shape_cast %swap3A_86 : vector<1x16xf32> to vector<16xf32>
        %swap3A_88 = vector.shape_cast %mul3A_84 : vector<16xf32> to vector<1x16xf32>
        tpu.vector_store %arg10[%swap3A, %swap3A_85], %swap3A_88 {strides = array<i32>} : memref<128x128xf32, #tpu.memory_space<vmem>>, vector<1x16xf32>,
        %mul3A_89 = arith.constant 16 : i32
        %mul3A_90 = arith.muli %add3A_69, %mul3A_89 : i32
        %add3A_91 = arith.constant 0 : i32
        %add3A_92 = arith.addi %mul3A_90, %add3A_91 : i32
        %get3A_93 = arith.index_cast %add3A_92 : i32 to index
        %get3A_94 = arith.constant 16 : index
        %get3A_95 = tpu.vector_load %arg10[%get3A_93, %get3A_94] {strides = array<i32>} : memref<128x128xf32, #tpu.memory_space<vmem>>, vector<1x16xf32>,
        %get3A_96 = vector.shape_cast %get3A_95 : vector<1x16xf32> to vector<16xf32>
        %mul3A_97 = arith.mulf %get3A_96, %broadcast_in_dim3A_75 : vector<16xf32>
        %swap3A_98 = arith.index_cast %add3A_92 : i32 to index
        %swap3A_99 = arith.constant 16 : index
        %swap3A_100 = tpu.vector_load %arg10[%swap3A_98, %swap3A_99] {strides = array<i32>} : memref<128x128xf32, #tpu.memory_space<vmem>>, vector<1x16xf32>,
        %swap3A_101 = vector.shape_cast %swap3A_100 : vector<1x16xf32> to vector<16xf32>
        %swap3A_102 = vector.shape_cast %mul3A_97 : vector<16xf32> to vector<1x16xf32>
        tpu.vector_store %arg10[%swap3A_98, %swap3A_99], %swap3A_102 {strides = array<i32>} : memref<128x128xf32, #tpu.memory_space<vmem>>, vector<1x16xf32>,
        %mul3A_103 = arith.constant 16 : i32
        %mul3A_104 = arith.muli %add3A_69, %mul3A_103 : i32
        %add3A_105 = arith.constant 0 : i32
        %add3A_106 = arith.addi %mul3A_104, %add3A_105 : i32
        %get3A_107 = arith.index_cast %add3A_106 : i32 to index
        %get3A_108 = arith.constant 32 : index
        %get3A_109 = tpu.vector_load %arg10[%get3A_107, %get3A_108] {strides = array<i32>} : memref<128x128xf32, #tpu.memory_space<vmem>>, vector<1x16xf32>,
        %get3A_110 = vector.shape_cast %get3A_109 : vector<1x16xf32> to vector<16xf32>
        %mul3A_111 = arith.mulf %get3A_110, %broadcast_in_dim3A_75 : vector<16xf32>
        %swap3A_112 = arith.index_cast %add3A_106 : i32 to index
        %swap3A_113 = arith.constant 32 : index
        %swap3A_114 = tpu.vector_load %arg10[%swap3A_112, %swap3A_113] {strides = array<i32>} : memref<128x128xf32, #tpu.memory_space<vmem>>, vector<1x16xf32>,
        %swap3A_115 = vector.shape_cast %swap3A_114 : vector<1x16xf32> to vector<16xf32>
        %swap3A_116 = vector.shape_cast %mul3A_111 : vector<16xf32> to vector<1x16xf32>
        tpu.vector_store %arg10[%swap3A_112, %swap3A_113], %swap3A_116 {strides = array<i32>} : memref<128x128xf32, #tpu.memory_space<vmem>>, vector<1x16xf32>,
        %mul3A_117 = arith.constant 16 : i32
        %mul3A_118 = arith.muli %add3A_69, %mul3A_117 : i32
        %add3A_119 = arith.constant 0 : i32
        %add3A_120 = arith.addi %mul3A_118, %add3A_119 : i32
        %get3A_121 = arith.index_cast %add3A_120 : i32 to index
        %get3A_122 = arith.constant 48 : index
        %get3A_123 = tpu.vector_load %arg10[%get3A_121, %get3A_122] {strides = array<i32>} : memref<128x128xf32, #tpu.memory_space<vmem>>, vector<1x16xf32>,
        %get3A_124 = vector.shape_cast %get3A_123 : vector<1x16xf32> to vector<16xf32>
        %mul3A_125 = arith.mulf %get3A_124, %broadcast_in_dim3A_75 : vector<16xf32>
        %swap3A_126 = arith.index_cast %add3A_120 : i32 to index
        %swap3A_127 = arith.constant 48 : index
        %swap3A_128 = tpu.vector_load %arg10[%swap3A_126, %swap3A_127] {strides = array<i32>} : memref<128x128xf32, #tpu.memory_space<vmem>>, vector<1x16xf32>,
        %swap3A_129 = vector.shape_cast %swap3A_128 : vector<1x16xf32> to vector<16xf32>
        %swap3A_130 = vector.shape_cast %mul3A_125 : vector<16xf32> to vector<1x16xf32>
        tpu.vector_store %arg10[%swap3A_126, %swap3A_127], %swap3A_130 {strides = array<i32>} : memref<128x128xf32, #tpu.memory_space<vmem>>, vector<1x16xf32>,
        %mul3A_131 = arith.constant 16 : i32
        %mul3A_132 = arith.muli %add3A_69, %mul3A_131 : i32
        %add3A_133 = arith.constant 0 : i32
        %add3A_134 = arith.addi %mul3A_132, %add3A_133 : i32
        %get3A_135 = arith.index_cast %add3A_134 : i32 to index
        %get3A_136 = arith.constant 64 : index
        %get3A_137 = tpu.vector_load %arg10[%get3A_135, %get3A_136] {strides = array<i32>} : memref<128x128xf32, #tpu.memory_space<vmem>>, vector<1x16xf32>,
        %get3A_138 = vector.shape_cast %get3A_137 : vector<1x16xf32> to vector<16xf32>
        %mul3A_139 = arith.mulf %get3A_138, %broadcast_in_dim3A_75 : vector<16xf32>
        %swap3A_140 = arith.index_cast %add3A_134 : i32 to index
        %swap3A_141 = arith.constant 64 : index
        %swap3A_142 = tpu.vector_load %arg10[%swap3A_140, %swap3A_141] {strides = array<i32>} : memref<128x128xf32, #tpu.memory_space<vmem>>, vector<1x16xf32>,
        %swap3A_143 = vector.shape_cast %swap3A_142 : vector<1x16xf32> to vector<16xf32>
        %swap3A_144 = vector.shape_cast %mul3A_139 : vector<16xf32> to vector<1x16xf32>
        tpu.vector_store %arg10[%swap3A_140, %swap3A_141], %swap3A_144 {strides = array<i32>} : memref<128x128xf32, #tpu.memory_space<vmem>>, vector<1x16xf32>,
        %mul3A_145 = arith.constant 16 : i32
        %mul3A_146 = arith.muli %add3A_69, %mul3A_145 : i32
        %add3A_147 = arith.constant 0 : i32
        %add3A_148 = arith.addi %mul3A_146, %add3A_147 : i32
        %get3A_149 = arith.index_cast %add3A_148 : i32 to index
        %get3A_150 = arith.constant 80 : index
        %get3A_151 = tpu.vector_load %arg10[%get3A_149, %get3A_150] {strides = array<i32>} : memref<128x128xf32, #tpu.memory_space<vmem>>, vector<1x16xf32>,
        %get3A_152 = vector.shape_cast %get3A_151 : vector<1x16xf32> to vector<16xf32>
        %mul3A_153 = arith.mulf %get3A_152, %broadcast_in_dim3A_75 : vector<16xf32>
        %swap3A_154 = arith.index_cast %add3A_148 : i32 to index
        %swap3A_155 = arith.constant 80 : index
        %swap3A_156 = tpu.vector_load %arg10[%swap3A_154, %swap3A_155] {strides = array<i32>} : memref<128x128xf32, #tpu.memory_space<vmem>>, vector<1x16xf32>,
        %swap3A_157 = vector.shape_cast %swap3A_156 : vector<1x16xf32> to vector<16xf32>
        %swap3A_158 = vector.shape_cast %mul3A_153 : vector<16xf32> to vector<1x16xf32>
        tpu.vector_store %arg10[%swap3A_154, %swap3A_155], %swap3A_158 {strides = array<i32>} : memref<128x128xf32, #tpu.memory_space<vmem>>, vector<1x16xf32>,
        %mul3A_159 = arith.constant 16 : i32
        %mul3A_160 = arith.muli %add3A_69, %mul3A_159 : i32
        %add3A_161 = arith.constant 0 : i32
        %add3A_162 = arith.addi %mul3A_160, %add3A_161 : i32
        %get3A_163 = arith.index_cast %add3A_162 : i32 to index
        %get3A_164 = arith.constant 96 : index
        %get3A_165 = tpu.vector_load %arg10[%get3A_163, %get3A_164] {strides = array<i32>} : memref<128x128xf32, #tpu.memory_space<vmem>>, vector<1x16xf32>,
        %get3A_166 = vector.shape_cast %get3A_165 : vector<1x16xf32> to vector<16xf32>
        %mul3A_167 = arith.mulf %get3A_166, %broadcast_in_dim3A_75 : vector<16xf32>
        %swap3A_168 = arith.index_cast %add3A_162 : i32 to index
        %swap3A_169 = arith.constant 96 : index
        %swap3A_170 = tpu.vector_load %arg10[%swap3A_168, %swap3A_169] {strides = array<i32>} : memref<128x128xf32, #tpu.memory_space<vmem>>, vector<1x16xf32>,
        %swap3A_171 = vector.shape_cast %swap3A_170 : vector<1x16xf32> to vector<16xf32>
        %swap3A_172 = vector.shape_cast %mul3A_167 : vector<16xf32> to vector<1x16xf32>
        tpu.vector_store %arg10[%swap3A_168, %swap3A_169], %swap3A_172 {strides = array<i32>} : memref<128x128xf32, #tpu.memory_space<vmem>>, vector<1x16xf32>,
        %mul3A_173 = arith.constant 16 : i32
        %mul3A_174 = arith.muli %add3A_69, %mul3A_173 : i32
        %add3A_175 = arith.constant 0 : i32
        %add3A_176 = arith.addi %mul3A_174, %add3A_175 : i32
        %get3A_177 = arith.index_cast %add3A_176 : i32 to index
        %get3A_178 = arith.constant 112 : index
        %get3A_179 = tpu.vector_load %arg10[%get3A_177, %get3A_178] {strides = array<i32>} : memref<128x128xf32, #tpu.memory_space<vmem>>, vector<1x16xf32>,
        %get3A_180 = vector.shape_cast %get3A_179 : vector<1x16xf32> to vector<16xf32>
        %mul3A_181 = arith.mulf %get3A_180, %broadcast_in_dim3A_75 : vector<16xf32>
        %swap3A_182 = arith.index_cast %add3A_176 : i32 to index
        %swap3A_183 = arith.constant 112 : index
        %swap3A_184 = tpu.vector_load %arg10[%swap3A_182, %swap3A_183] {strides = array<i32>} : memref<128x128xf32, #tpu.memory_space<vmem>>, vector<1x16xf32>,
        %swap3A_185 = vector.shape_cast %swap3A_184 : vector<1x16xf32> to vector<16xf32>
        %swap3A_186 = vector.shape_cast %mul3A_181 : vector<16xf32> to vector<1x16xf32>
        tpu.vector_store %arg10[%swap3A_182, %swap3A_183], %swap3A_186 {strides = array<i32>} : memref<128x128xf32, #tpu.memory_space<vmem>>, vector<1x16xf32>,
        %slice3A_187 = vector.extract_strided_slice %get3A_74 {offsets = [1], sizes = [1], strides = [1]} : vector<16xf32> to vector<1xf32>
        %squeeze3A_188 = vector.extract %slice3A_187[0] : f32 from vector<1xf32>
        %broadcast_in_dim3A_189 = vector.broadcast %squeeze3A_188 : f32 to vector<16xf32>
        %mul3A_190 = arith.constant 16 : i32
        %mul3A_191 = arith.muli %add3A_69, %mul3A_190 : i32
        %add3A_192 = arith.constant 1 : i32
        %add3A_193 = arith.addi %mul3A_191, %add3A_192 : i32
        %get3A_194 = arith.index_cast %add3A_193 : i32 to index
        %get3A_195 = arith.constant 0 : index
        %get3A_196 = tpu.vector_load %arg10[%get3A_194, %get3A_195] {strides = array<i32>} : memref<128x128xf32, #tpu.memory_space<vmem>>, vector<1x16xf32>,
        %get3A_197 = vector.shape_cast %get3A_196 : vector<1x16xf32> to vector<16xf32>
        %mul3A_198 = arith.mulf %get3A_197, %broadcast_in_dim3A_189 : vector<16xf32>
        %swap3A_199 = arith.index_cast %add3A_193 : i32 to index
        %swap3A_200 = arith.constant 0 : index
        %swap3A_201 = tpu.vector_load %arg10[%swap3A_199, %swap3A_200] {strides = array<i32>} : memref<128x128xf32, #tpu.memory_space<vmem>>, vector<1x16xf32>,
        %swap3A_202 = vector.shape_cast %swap3A_201 : vector<1x16xf32> to vector<16xf32>
        %swap3A_203 = vector.shape_cast %mul3A_198 : vector<16xf32> to vector<1x16xf32>
        tpu.vector_store %arg10[%swap3A_199, %swap3A_200], %swap3A_203 {strides = array<i32>} : memref<128x128xf32, #tpu.memory_space<vmem>>, vector<1x16xf32>,
        %mul3A_204 = arith.constant 16 : i32
        %mul3A_205 = arith.muli %add3A_69, %mul3A_204 : i32
        %add3A_206 = arith.constant 1 : i32
        %add3A_207 = arith.addi %mul3A_205, %add3A_206 : i32
        %get3A_208 = arith.index_cast %add3A_207 : i32 to index
        %get3A_209 = arith.constant 16 : index
        %get3A_210 = tpu.vector_load %arg10[%get3A_208, %get3A_209] {strides = array<i32>} : memref<128x128xf32, #tpu.memory_space<vmem>>, vector<1x16xf32>,
        %get3A_211 = vector.shape_cast %get3A_210 : vector<1x16xf32> to vector<16xf32>
        %mul3A_212 = arith.mulf %get3A_211, %broadcast_in_dim3A_189 : vector<16xf32>
        %swap3A_213 = arith.index_cast %add3A_207 : i32 to index
        %swap3A_214 = arith.constant 16 : index
        %swap3A_215 = tpu.vector_load %arg10[%swap3A_213, %swap3A_214] {strides = array<i32>} : memref<128x128xf32, #tpu.memory_space<vmem>>, vector<1x16xf32>,
        %swap3A_216 = vector.shape_cast %swap3A_215 : vector<1x16xf32> to vector<16xf32>
        %swap3A_217 = vector.shape_cast %mul3A_212 : vector<16xf32> to vector<1x16xf32>
        tpu.vector_store %arg10[%swap3A_213, %swap3A_214], %swap3A_217 {strides = array<i32>} : memref<128x128xf32, #tpu.memory_space<vmem>>, vector<1x16xf32>,
        %mul3A_218 = arith.constant 16 : i32
        %mul3A_219 = arith.muli %add3A_69, %mul3A_218 : i32
        %add3A_220 = arith.constant 1 : i32
        %add3A_221 = arith.addi %mul3A_219, %add3A_220 : i32
        %get3A_222 = arith.index_cast %add3A_221 : i32 to index
        %get3A_223 = arith.constant 32 : index
        %get3A_224 = tpu.vector_load %arg10[%get3A_222, %get3A_223] {strides = array<i32>} : memref<128x128xf32, #tpu.memory_space<vmem>>, vector<1x16xf32>,
        %get3A_225 = vector.shape_cast %get3A_224 : vector<1x16xf32> to vector<16xf32>
        %mul3A_226 = arith.mulf %get3A_225, %broadcast_in_dim3A_189 : vector<16xf32>
        %swap3A_227 = arith.index_cast %add3A_221 : i32 to index
        %swap3A_228 = arith.constant 32 : index
        %swap3A_229 = tpu.vector_load %arg10[%swap3A_227, %swap3A_228] {strides = array<i32>} : memref<128x128xf32, #tpu.memory_space<vmem>>, vector<1x16xf32>,
        %swap3A_230 = vector.shape_cast %swap3A_229 : vector<1x16xf32> to vector<16xf32>
        %swap3A_231 = vector.shape_cast %mul3A_226 : vector<16xf32> to vector<1x16xf32>
        tpu.vector_store %arg10[%swap3A_227, %swap3A_228], %swap3A_231 {strides = array<i32>} : memref<128x128xf32, #tpu.memory_space<vmem>>, vector<1x16xf32>,
        %mul3A_232 = arith.constant 16 : i32
        %mul3A_233 = arith.muli %add3A_69, %mul3A_232 : i32
        %add3A_234 = arith.constant 1 : i32
        %add3A_235 = arith.addi %mul3A_233, %add3A_234 : i32
        %get3A_236 = arith.index_cast %add3A_235 : i32 to index
        %get3A_237 = arith.constant 48 : index
        %get3A_238 = tpu.vector_load %arg10[%get3A_236, %get3A_237] {strides = array<i32>} : memref<128x128xf32, #tpu.memory_space<vmem>>, vector<1x16xf32>,
        %get3A_239 = vector.shape_cast %get3A_238 : vector<1x16xf32> to vector<16xf32>
        %mul3A_240 = arith.mulf %get3A_239, %broadcast_in_dim3A_189 : vector<16xf32>
        %swap3A_241 = arith.index_cast %add3A_235 : i32 to index
        %swap3A_242 = arith.constant 48 : index
        %swap3A_243 = tpu.vector_load %arg10[%swap3A_241, %swap3A_242] {strides = array<i32>} : memref<128x128xf32, #tpu.memory_space<vmem>>, vector<1x16xf32>,
        %swap3A_244 = vector.shape_cast %swap3A_243 : vector<1x16xf32> to vector<16xf32>
        %swap3A_245 = vector.shape_cast %mul3A_240 : vector<16xf32> to vector<1x16xf32>
        tpu.vector_store %arg10[%swap3A_241, %swap3A_242], %swap3A_245 {strides = array<i32>} : memref<128x128xf32, #tpu.memory_space<vmem>>, vector<1x16xf32>,
        %mul3A_246 = arith.constant 16 : i32
        %mul3A_247 = arith.muli %add3A_69, %mul3A_246 : i32
        %add3A_248 = arith.constant 1 : i32
        %add3A_249 = arith.addi %mul3A_247, %add3A_248 : i32
        %get3A_250 = arith.index_cast %add3A_249 : i32 to index
        %get3A_251 = arith.constant 64 : index
        %get3A_252 = tpu.vector_load %arg10[%get3A_250, %get3A_251] {strides = array<i32>} : memref<128x128xf32, #tpu.memory_space<vmem>>, vector<1x16xf32>,
        %get3A_253 = vector.shape_cast %get3A_252 : vector<1x16xf32> to vector<16xf32>
        %mul3A_254 = arith.mulf %get3A_253, %broadcast_in_dim3A_189 : vector<16xf32>
        %swap3A_255 = arith.index_cast %add3A_249 : i32 to index
        %swap3A_256 = arith.constant 64 : index
        %swap3A_257 = tpu.vector_load %arg10[%swap3A_255, %swap3A_256] {strides = array<i32>} : memref<128x128xf32, #tpu.memory_space<vmem>>, vector<1x16xf32>,
        %swap3A_258 = vector.shape_cast %swap3A_257 : vector<1x16xf32> to vector<16xf32>
        %swap3A_259 = vector.shape_cast %mul3A_254 : vector<16xf32> to vector<1x16xf32>
        tpu.vector_store %arg10[%swap3A_255, %swap3A_256], %swap3A_259 {strides = array<i32>} : memref<128x128xf32, #tpu.memory_space<vmem>>, vector<1x16xf32>,
        %mul3A_260 = arith.constant 16 : i32
        %mul3A_261 = arith.muli %add3A_69, %mul3A_260 : i32
        %add3A_262 = arith.constant 1 : i32
        %add3A_263 = arith.addi %mul3A_261, %add3A_262 : i32
        %get3A_264 = arith.index_cast %add3A_263 : i32 to index
        %get3A_265 = arith.constant 80 : index
        %get3A_266 = tpu.vector_load %arg10[%get3A_264, %get3A_265] {strides = array<i32>} : memref<128x128xf32, #tpu.memory_space<vmem>>, vector<1x16xf32>,
        %get3A_267 = vector.shape_cast %get3A_266 : vector<1x16xf32> to vector<16xf32>
        %mul3A_268 = arith.mulf %get3A_267, %broadcast_in_dim3A_189 : vector<16xf32>
        %swap3A_269 = arith.index_cast %add3A_263 : i32 to index
        %swap3A_270 = arith.constant 80 : index
        %swap3A_271 = tpu.vector_load %arg10[%swap3A_269, %swap3A_270] {strides = array<i32>} : memref<128x128xf32, #tpu.memory_space<vmem>>, vector<1x16xf32>,
        %swap3A_272 = vector.shape_cast %swap3A_271 : vector<1x16xf32> to vector<16xf32>
        %swap3A_273 = vector.shape_cast %mul3A_268 : vector<16xf32> to vector<1x16xf32>
        tpu.vector_store %arg10[%swap3A_269, %swap3A_270], %swap3A_273 {strides = array<i32>} : memref<128x128xf32, #tpu.memory_space<vmem>>, vector<1x16xf32>,
        %mul3A_274 = arith.constant 16 : i32
        %mul3A_275 = arith.muli %add3A_69, %mul3A_274 : i32
        %add3A_276 = arith.constant 1 : i32
        %add3A_277 = arith.addi %mul3A_275, %add3A_276 : i32
        %get3A_278 = arith.index_cast %add3A_277 : i32 to index
        %get3A_279 = arith.constant 96 : index
        %get3A_280 = tpu.vector_load %arg10[%get3A_278, %get3A_279] {strides = array<i32>} : memref<128x128xf32, #tpu.memory_space<vmem>>, vector<1x16xf32>,
        %get3A_281 = vector.shape_cast %get3A_280 : vector<1x16xf32> to vector<16xf32>
        %mul3A_282 = arith.mulf %get3A_281, %broadcast_in_dim3A_189 : vector<16xf32>
        %swap3A_283 = arith.index_cast %add3A_277 : i32 to index
        %swap3A_284 = arith.constant 96 : index
        %swap3A_285 = tpu.vector_load %arg10[%swap3A_283, %swap3A_284] {strides = array<i32>} : memref<128x128xf32, #tpu.memory_space<vmem>>, vector<1x16xf32>,
        %swap3A_286 = vector.shape_cast %swap3A_285 : vector<1x16xf32> to vector<16xf32>
        %swap3A_287 = vector.shape_cast %mul3A_282 : vector<16xf32> to vector<1x16xf32>
        tpu.vector_store %arg10[%swap3A_283, %swap3A_284], %swap3A_287 {strides = array<i32>} : memref<128x128xf32, #tpu.memory_space<vmem>>, vector<1x16xf32>,
        %mul3A_288 = arith.constant 16 : i32
        %mul3A_289 = arith.muli %add3A_69, %mul3A_288 : i32
        %add3A_290 = arith.constant 1 : i32
        %add3A_291 = arith.addi %mul3A_289, %add3A_290 : i32
        %get3A_292 = arith.index_cast %add3A_291 : i32 to index
        %get3A_293 = arith.constant 112 : index
        %get3A_294 = tpu.vector_load %arg10[%get3A_292, %get3A_293] {strides = array<i32>} : memref<128x128xf32, #tpu.memory_space<vmem>>, vector<1x16xf32>,
        %get3A_295 = vector.shape_cast %get3A_294 : vector<1x16xf32> to vector<16xf32>
        %mul3A_296 = arith.mulf %get3A_295, %broadcast_in_dim3A_189 : vector<16xf32>
        %swap3A_297 = arith.index_cast %add3A_291 : i32 to index
        %swap3A_298 = arith.constant 112 : index
        %swap3A_299 = tpu.vector_load %arg10[%swap3A_297, %swap3A_298] {strides = array<i32>} : memref<128x128xf32, #tpu.memory_space<vmem>>, vector<1x16xf32>,
        %swap3A_300 = vector.shape_cast %swap3A_299 : vector<1x16xf32> to vector<16xf32>
        %swap3A_301 = vector.shape_cast %mul3A_296 : vector<16xf32> to vector<1x16xf32>
        tpu.vector_store %arg10[%swap3A_297, %swap3A_298], %swap3A_301 {strides = array<i32>} : memref<128x128xf32, #tpu.memory_space<vmem>>, vector<1x16xf32>,
        %slice3A_302 = vector.extract_strided_slice %get3A_74 {offsets = [2], sizes = [1], strides = [1]} : vector<16xf32> to vector<1xf32>
        %squeeze3A_303 = vector.extract %slice3A_302[0] : f32 from vector<1xf32>
        %broadcast_in_dim3A_304 = vector.broadcast %squeeze3A_303 : f32 to vector<16xf32>
        %mul3A_305 = arith.constant 16 : i32
        %mul3A_306 = arith.muli %add3A_69, %mul3A_305 : i32
        %add3A_307 = arith.constant 2 : i32
        %add3A_308 = arith.addi %mul3A_306, %add3A_307 : i32
        %get3A_309 = arith.index_cast %add3A_308 : i32 to index
        %get3A_310 = arith.constant 0 : index
        %get3A_311 = tpu.vector_load %arg10[%get3A_309, %get3A_310] {strides = array<i32>} : memref<128x128xf32, #tpu.memory_space<vmem>>, vector<1x16xf32>,
        %get3A_312 = vector.shape_cast %get3A_311 : vector<1x16xf32> to vector<16xf32>
        %mul3A_313 = arith.mulf %get3A_312, %broadcast_in_dim3A_304 : vector<16xf32>
        %swap3A_314 = arith.index_cast %add3A_308 : i32 to index
        %swap3A_315 = arith.constant 0 : index
        %swap3A_316 = tpu.vector_load %arg10[%swap3A_314, %swap3A_315] {strides = array<i32>} : memref<128x128xf32, #tpu.memory_space<vmem>>, vector<1x16xf32>,
        %swap3A_317 = vector.shape_cast %swap3A_316 : vector<1x16xf32> to vector<16xf32>
        %swap3A_318 = vector.shape_cast %mul3A_313 : vector<16xf32> to vector<1x16xf32>
        tpu.vector_store %arg10[%swap3A_314, %swap3A_315], %swap3A_318 {strides = array<i32>} : memref<128x128xf32, #tpu.memory_space<vmem>>, vector<1x16xf32>,
        %mul3A_319 = arith.constant 16 : i32
        %mul3A_320 = arith.muli %add3A_69, %mul3A_319 : i32
        %add3A_321 = arith.constant 2 : i32
        %add3A_322 = arith.addi %mul3A_320, %add3A_321 : i32
        %get3A_323 = arith.index_cast %add3A_322 : i32 to index
        %get3A_324 = arith.constant 16 : index
        %get3A_325 = tpu.vector_load %arg10[%get3A_323, %get3A_324] {strides = array<i32>} : memref<128x128xf32, #tpu.memory_space<vmem>>, vector<1x16xf32>,
        %get3A_326 = vector.shape_cast %get3A_325 : vector<1x16xf32> to vector<16xf32>
        %mul3A_327 = arith.mulf %get3A_326, %broadcast_in_dim3A_304 : vector<16xf32>
        %swap3A_328 = arith.index_cast %add3A_322 : i32 to index
        %swap3A_329 = arith.constant 16 : index
        %swap3A_330 = tpu.vector_load %arg10[%swap3A_328, %swap3A_329] {strides = array<i32>} : memref<128x128xf32, #tpu.memory_space<vmem>>, vector<1x16xf32>,
        %swap3A_331 = vector.shape_cast %swap3A_330 : vector<1x16xf32> to vector<16xf32>
        %swap3A_332 = vector.shape_cast %mul3A_327 : vector<16xf32> to vector<1x16xf32>
        tpu.vector_store %arg10[%swap3A_328, %swap3A_329], %swap3A_332 {strides = array<i32>} : memref<128x128xf32, #tpu.memory_space<vmem>>, vector<1x16xf32>,
        %mul3A_333 = arith.constant 16 : i32
        %mul3A_334 = arith.muli %add3A_69, %mul3A_333 : i32
        %add3A_335 = arith.constant 2 : i32
        %add3A_336 = arith.addi %mul3A_334, %add3A_335 : i32
        %get3A_337 = arith.index_cast %add3A_336 : i32 to index
        %get3A_338 = arith.constant 32 : index
        %get3A_339 = tpu.vector_load %arg10[%get3A_337, %get3A_338] {strides = array<i32>} : memref<128x128xf32, #tpu.memory_space<vmem>>, vector<1x16xf32>,
        %get3A_340 = vector.shape_cast %get3A_339 : vector<1x16xf32> to vector<16xf32>
        %mul3A_341 = arith.mulf %get3A_340, %broadcast_in_dim3A_304 : vector<16xf32>
        %swap3A_342 = arith.index_cast %add3A_336 : i32 to index
        %swap3A_343 = arith.constant 32 : index
        %swap3A_344 = tpu.vector_load %arg10[%swap3A_342, %swap3A_343] {strides = array<i32>} : memref<128x128xf32, #tpu.memory_space<vmem>>, vector<1x16xf32>,
        %swap3A_345 = vector.shape_cast %swap3A_344 : vector<1x16xf32> to vector<16xf32>
        %swap3A_346 = vector.shape_cast %mul3A_341 : vector<16xf32> to vector<1x16xf32>
        tpu.vector_store %arg10[%swap3A_342, %swap3A_343], %swap3A_346 {strides = array<i32>} : memref<128x128xf32, #tpu.memory_space<vmem>>, vector<1x16xf32>,
        %mul3A_347 = arith.constant 16 : i32
        %mul3A_348 = arith.muli %add3A_69, %mul3A_347 : i32
        %add3A_349 = arith.constant 2 : i32
        %add3A_350 = arith.addi %mul3A_348, %add3A_349 : i32
        %get3A_351 = arith.index_cast %add3A_350 : i32 to index
        %get3A_352 = arith.constant 48 : index
        %get3A_353 = tpu.vector_load %arg10[%get3A_351, %get3A_352] {strides = array<i32>} : memref<128x128xf32, #tpu.memory_space<vmem>>, vector<1x16xf32>,
        %get3A_354 = vector.shape_cast %get3A_353 : vector<1x16xf32> to vector<16xf32>
        %mul3A_355 = arith.mulf %get3A_354, %broadcast_in_dim3A_304 : vector<16xf32>
        %swap3A_356 = arith.index_cast %add3A_350 : i32 to index
        %swap3A_357 = arith.constant 48 : index
        %swap3A_358 = tpu.vector_load %arg10[%swap3A_356, %swap3A_357] {strides = array<i32>} : memref<128x128xf32, #tpu.memory_space<vmem>>, vector<1x16xf32>,
        %swap3A_359 = vector.shape_cast %swap3A_358 : vector<1x16xf32> to vector<16xf32>
        %swap3A_360 = vector.shape_cast %mul3A_355 : vector<16xf32> to vector<1x16xf32>
        tpu.vector_store %arg10[%swap3A_356, %swap3A_357], %swap3A_360 {strides = array<i32>} : memref<128x128xf32, #tpu.memory_space<vmem>>, vector<1x16xf32>,
        %mul3A_361 = arith.constant 16 : i32
        %mul3A_362 = arith.muli %add3A_69, %mul3A_361 : i32
        %add3A_363 = arith.constant 2 : i32
        %add3A_364 = arith.addi %mul3A_362, %add3A_363 : i32
        %get3A_365 = arith.index_cast %add3A_364 : i32 to index
        %get3A_366 = arith.constant 64 : index
        %get3A_367 = tpu.vector_load %arg10[%get3A_365, %get3A_366] {strides = array<i32>} : memref<128x128xf32, #tpu.memory_space<vmem>>, vector<1x16xf32>,
        %get3A_368 = vector.shape_cast %get3A_367 : vector<1x16xf32> to vector<16xf32>
        %mul3A_369 = arith.mulf %get3A_368, %broadcast_in_dim3A_304 : vector<16xf32>
        %swap3A_370 = arith.index_cast %add3A_364 : i32 to index
        %swap3A_371 = arith.constant 64 : index
        %swap3A_372 = tpu.vector_load %arg10[%swap3A_370, %swap3A_371] {strides = array<i32>} : memref<128x128xf32, #tpu.memory_space<vmem>>, vector<1x16xf32>,
        %swap3A_373 = vector.shape_cast %swap3A_372 : vector<1x16xf32> to vector<16xf32>
        %swap3A_374 = vector.shape_cast %mul3A_369 : vector<16xf32> to vector<1x16xf32>
        tpu.vector_store %arg10[%swap3A_370, %swap3A_371], %swap3A_374 {strides = array<i32>} : memref<128x128xf32, #tpu.memory_space<vmem>>, vector<1x16xf32>,
        %mul3A_375 = arith.constant 16 : i32
        %mul3A_376 = arith.muli %add3A_69, %mul3A_375 : i32
        %add3A_377 = arith.constant 2 : i32
        %add3A_378 = arith.addi %mul3A_376, %add3A_377 : i32
        %get3A_379 = arith.index_cast %add3A_378 : i32 to index
        %get3A_380 = arith.constant 80 : index
        %get3A_381 = tpu.vector_load %arg10[%get3A_379, %get3A_380] {strides = array<i32>} : memref<128x128xf32, #tpu.memory_space<vmem>>, vector<1x16xf32>,
        %get3A_382 = vector.shape_cast %get3A_381 : vector<1x16xf32> to vector<16xf32>
        %mul3A_383 = arith.mulf %get3A_382, %broadcast_in_dim3A_304 : vector<16xf32>
        %swap3A_384 = arith.index_cast %add3A_378 : i32 to index
        %swap3A_385 = arith.constant 80 : index
        %swap3A_386 = tpu.vector_load %arg10[%swap3A_384, %swap3A_385] {strides = array<i32>} : memref<128x128xf32, #tpu.memory_space<vmem>>, vector<1x16xf32>,
        %swap3A_387 = vector.shape_cast %swap3A_386 : vector<1x16xf32> to vector<16xf32>
        %swap3A_388 = vector.shape_cast %mul3A_383 : vector<16xf32> to vector<1x16xf32>
        tpu.vector_store %arg10[%swap3A_384, %swap3A_385], %swap3A_388 {strides = array<i32>} : memref<128x128xf32, #tpu.memory_space<vmem>>, vector<1x16xf32>,
        %mul3A_389 = arith.constant 16 : i32
        %mul3A_390 = arith.muli %add3A_69, %mul3A_389 : i32
        %add3A_391 = arith.constant 2 : i32
        %add3A_392 = arith.addi %mul3A_390, %add3A_391 : i32
        %get3A_393 = arith.index_cast %add3A_392 : i32 to index
        %get3A_394 = arith.constant 96 : index
        %get3A_395 = tpu.vector_load %arg10[%get3A_393, %get3A_394] {strides = array<i32>} : memref<128x128xf32, #tpu.memory_space<vmem>>, vector<1x16xf32>,
        %get3A_396 = vector.shape_cast %get3A_395 : vector<1x16xf32> to vector<16xf32>
        %mul3A_397 = arith.mulf %get3A_396, %broadcast_in_dim3A_304 : vector<16xf32>
        %swap3A_398 = arith.index_cast %add3A_392 : i32 to index
        %swap3A_399 = arith.constant 96 : index
        %swap3A_400 = tpu.vector_load %arg10[%swap3A_398, %swap3A_399] {strides = array<i32>} : memref<128x128xf32, #tpu.memory_space<vmem>>, vector<1x16xf32>,
        %swap3A_401 = vector.shape_cast %swap3A_400 : vector<1x16xf32> to vector<16xf32>
        %swap3A_402 = vector.shape_cast %mul3A_397 : vector<16xf32> to vector<1x16xf32>
        tpu.vector_store %arg10[%swap3A_398, %swap3A_399], %swap3A_402 {strides = array<i32>} : memref<128x128xf32, #tpu.memory_space<vmem>>, vector<1x16xf32>,
        %mul3A_403 = arith.constant 16 : i32
        %mul3A_404 = arith.muli %add3A_69, %mul3A_403 : i32
        %add3A_405 = arith.constant 2 : i32
        %add3A_406 = arith.addi %mul3A_404, %add3A_405 : i32
        %get3A_407 = arith.index_cast %add3A_406 : i32 to index
        %get3A_408 = arith.constant 112 : index
        %get3A_409 = tpu.vector_load %arg10[%get3A_407, %get3A_408] {strides = array<i32>} : memref<128x128xf32, #tpu.memory_space<vmem>>, vector<1x16xf32>,
        %get3A_410 = vector.shape_cast %get3A_409 : vector<1x16xf32> to vector<16xf32>
        %mul3A_411 = arith.mulf %get3A_410, %broadcast_in_dim3A_304 : vector<16xf32>
        %swap3A_412 = arith.index_cast %add3A_406 : i32 to index
        %swap3A_413 = arith.constant 112 : index
        %swap3A_414 = tpu.vector_load %arg10[%swap3A_412, %swap3A_413] {strides = array<i32>} : memref<128x128xf32, #tpu.memory_space<vmem>>, vector<1x16xf32>,
        %swap3A_415 = vector.shape_cast %swap3A_414 : vector<1x16xf32> to vector<16xf32>
        %swap3A_416 = vector.shape_cast %mul3A_411 : vector<16xf32> to vector<1x16xf32>
        tpu.vector_store %arg10[%swap3A_412, %swap3A_413], %swap3A_416 {strides = array<i32>} : memref<128x128xf32, #tpu.memory_space<vmem>>, vector<1x16xf32>,
        %slice3A_417 = vector.extract_strided_slice %get3A_74 {offsets = [3], sizes = [1], strides = [1]} : vector<16xf32> to vector<1xf32>
        %squeeze3A_418 = vector.extract %slice3A_417[0] : f32 from vector<1xf32>
        %broadcast_in_dim3A_419 = vector.broadcast %squeeze3A_418 : f32 to vector<16xf32>
        %mul3A_420 = arith.constant 16 : i32
        %mul3A_421 = arith.muli %add3A_69, %mul3A_420 : i32
        %add3A_422 = arith.constant 3 : i32
        %add3A_423 = arith.addi %mul3A_421, %add3A_422 : i32
        %get3A_424 = arith.index_cast %add3A_423 : i32 to index
        %get3A_425 = arith.constant 0 : index
        %get3A_426 = tpu.vector_load %arg10[%get3A_424, %get3A_425] {strides = array<i32>} : memref<128x128xf32, #tpu.memory_space<vmem>>, vector<1x16xf32>,
        %get3A_427 = vector.shape_cast %get3A_426 : vector<1x16xf32> to vector<16xf32>
        %mul3A_428 = arith.mulf %get3A_427, %broadcast_in_dim3A_419 : vector<16xf32>
        %swap3A_429 = arith.index_cast %add3A_423 : i32 to index
        %swap3A_430 = arith.constant 0 : index
        %swap3A_431 = tpu.vector_load %arg10[%swap3A_429, %swap3A_430] {strides = array<i32>} : memref<128x128xf32, #tpu.memory_space<vmem>>, vector<1x16xf32>,
        %swap3A_432 = vector.shape_cast %swap3A_431 : vector<1x16xf32> to vector<16xf32>
        %swap3A_433 = vector.shape_cast %mul3A_428 : vector<16xf32> to vector<1x16xf32>
        tpu.vector_store %arg10[%swap3A_429, %swap3A_430], %swap3A_433 {strides = array<i32>} : memref<128x128xf32, #tpu.memory_space<vmem>>, vector<1x16xf32>,
        %mul3A_434 = arith.constant 16 : i32
        %mul3A_435 = arith.muli %add3A_69, %mul3A_434 : i32
        %add3A_436 = arith.constant 3 : i32
        %add3A_437 = arith.addi %mul3A_435, %add3A_436 : i32
        %get3A_438 = arith.index_cast %add3A_437 : i32 to index
        %get3A_439 = arith.constant 16 : index
        %get3A_440 = tpu.vector_load %arg10[%get3A_438, %get3A_439] {strides = array<i32>} : memref<128x128xf32, #tpu.memory_space<vmem>>, vector<1x16xf32>,
        %get3A_441 = vector.shape_cast %get3A_440 : vector<1x16xf32> to vector<16xf32>
        %mul3A_442 = arith.mulf %get3A_441, %broadcast_in_dim3A_419 : vector<16xf32>
        %swap3A_443 = arith.index_cast %add3A_437 : i32 to index
        %swap3A_444 = arith.constant 16 : index
        %swap3A_445 = tpu.vector_load %arg10[%swap3A_443, %swap3A_444] {strides = array<i32>} : memref<128x128xf32, #tpu.memory_space<vmem>>, vector<1x16xf32>,
        %swap3A_446 = vector.shape_cast %swap3A_445 : vector<1x16xf32> to vector<16xf32>
        %swap3A_447 = vector.shape_cast %mul3A_442 : vector<16xf32> to vector<1x16xf32>
        tpu.vector_store %arg10[%swap3A_443, %swap3A_444], %swap3A_447 {strides = array<i32>} : memref<128x128xf32, #tpu.memory_space<vmem>>, vector<1x16xf32>,
        %mul3A_448 = arith.constant 16 : i32
        %mul3A_449 = arith.muli %add3A_69, %mul3A_448 : i32
        %add3A_450 = arith.constant 3 : i32
        %add3A_451 = arith.addi %mul3A_449, %add3A_450 : i32
        %get3A_452 = arith.index_cast %add3A_451 : i32 to index
        %get3A_453 = arith.constant 32 : index
        %get3A_454 = tpu.vector_load %arg10[%get3A_452, %get3A_453] {strides = array<i32>} : memref<128x128xf32, #tpu.memory_space<vmem>>, vector<1x16xf32>,
        %get3A_455 = vector.shape_cast %get3A_454 : vector<1x16xf32> to vector<16xf32>
        %mul3A_456 = arith.mulf %get3A_455, %broadcast_in_dim3A_419 : vector<16xf32>
        %swap3A_457 = arith.index_cast %add3A_451 : i32 to index
        %swap3A_458 = arith.constant 32 : index
        %swap3A_459 = tpu.vector_load %arg10[%swap3A_457, %swap3A_458] {strides = array<i32>} : memref<128x128xf32, #tpu.memory_space<vmem>>, vector<1x16xf32>,
        %swap3A_460 = vector.shape_cast %swap3A_459 : vector<1x16xf32> to vector<16xf32>
        %swap3A_461 = vector.shape_cast %mul3A_456 : vector<16xf32> to vector<1x16xf32>
        tpu.vector_store %arg10[%swap3A_457, %swap3A_458], %swap3A_461 {strides = array<i32>} : memref<128x128xf32, #tpu.memory_space<vmem>>, vector<1x16xf32>,
        %mul3A_462 = arith.constant 16 : i32
        %mul3A_463 = arith.muli %add3A_69, %mul3A_462 : i32
        %add3A_464 = arith.constant 3 : i32
        %add3A_465 = arith.addi %mul3A_463, %add3A_464 : i32
        %get3A_466 = arith.index_cast %add3A_465 : i32 to index
        %get3A_467 = arith.constant 48 : index
        %get3A_468 = tpu.vector_load %arg10[%get3A_466, %get3A_467] {strides = array<i32>} : memref<128x128xf32, #tpu.memory_space<vmem>>, vector<1x16xf32>,
        %get3A_469 = vector.shape_cast %get3A_468 : vector<1x16xf32> to vector<16xf32>
        %mul3A_470 = arith.mulf %get3A_469, %broadcast_in_dim3A_419 : vector<16xf32>
        %swap3A_471 = arith.index_cast %add3A_465 : i32 to index
        %swap3A_472 = arith.constant 48 : index
        %swap3A_473 = tpu.vector_load %arg10[%swap3A_471, %swap3A_472] {strides = array<i32>} : memref<128x128xf32, #tpu.memory_space<vmem>>, vector<1x16xf32>,
        %swap3A_474 = vector.shape_cast %swap3A_473 : vector<1x16xf32> to vector<16xf32>
        %swap3A_475 = vector.shape_cast %mul3A_470 : vector<16xf32> to vector<1x16xf32>
        tpu.vector_store %arg10[%swap3A_471, %swap3A_472], %swap3A_475 {strides = array<i32>} : memref<128x128xf32, #tpu.memory_space<vmem>>, vector<1x16xf32>,
        %mul3A_476 = arith.constant 16 : i32
        %mul3A_477 = arith.muli %add3A_69, %mul3A_476 : i32
        %add3A_478 = arith.constant 3 : i32
        %add3A_479 = arith.addi %mul3A_477, %add3A_478 : i32
        %get3A_480 = arith.index_cast %add3A_479 : i32 to index
        %get3A_481 = arith.constant 64 : index
        %get3A_482 = tpu.vector_load %arg10[%get3A_480, %get3A_481] {strides = array<i32>} : memref<128x128xf32, #tpu.memory_space<vmem>>, vector<1x16xf32>,
        %get3A_483 = vector.shape_cast %get3A_482 : vector<1x16xf32> to vector<16xf32>
        %mul3A_484 = arith.mulf %get3A_483, %broadcast_in_dim3A_419 : vector<16xf32>
        %swap3A_485 = arith.index_cast %add3A_479 : i32 to index
        %swap3A_486 = arith.constant 64 : index
        %swap3A_487 = tpu.vector_load %arg10[%swap3A_485, %swap3A_486] {strides = array<i32>} : memref<128x128xf32, #tpu.memory_space<vmem>>, vector<1x16xf32>,
        %swap3A_488 = vector.shape_cast %swap3A_487 : vector<1x16xf32> to vector<16xf32>
        %swap3A_489 = vector.shape_cast %mul3A_484 : vector<16xf32> to vector<1x16xf32>
        tpu.vector_store %arg10[%swap3A_485, %swap3A_486], %swap3A_489 {strides = array<i32>} : memref<128x128xf32, #tpu.memory_space<vmem>>, vector<1x16xf32>,
        %mul3A_490 = arith.constant 16 : i32
        %mul3A_491 = arith.muli %add3A_69, %mul3A_490 : i32
        %add3A_492 = arith.constant 3 : i32
        %add3A_493 = arith.addi %mul3A_491, %add3A_492 : i32
        %get3A_494 = arith.index_cast %add3A_493 : i32 to index
        %get3A_495 = arith.constant 80 : index
        %get3A_496 = tpu.vector_load %arg10[%get3A_494, %get3A_495] {strides = array<i32>} : memref<128x128xf32, #tpu.memory_space<vmem>>, vector<1x16xf32>,
        %get3A_497 = vector.shape_cast %get3A_496 : vector<1x16xf32> to vector<16xf32>
        %mul3A_498 = arith.mulf %get3A_497, %broadcast_in_dim3A_419 : vector<16xf32>
        %swap3A_499 = arith.index_cast %add3A_493 : i32 to index
        %swap3A_500 = arith.constant 80 : index
        %swap3A_501 = tpu.vector_load %arg10[%swap3A_499, %swap3A_500] {strides = array<i32>} : memref<128x128xf32, #tpu.memory_space<vmem>>, vector<1x16xf32>,
        %swap3A_502 = vector.shape_cast %swap3A_501 : vector<1x16xf32> to vector<16xf32>
        %swap3A_503 = vector.shape_cast %mul3A_498 : vector<16xf32> to vector<1x16xf32>
        tpu.vector_store %arg10[%swap3A_499, %swap3A_500], %swap3A_503 {strides = array<i32>} : memref<128x128xf32, #tpu.memory_space<vmem>>, vector<1x16xf32>,
        %mul3A_504 = arith.constant 16 : i32
        %mul3A_505 = arith.muli %add3A_69, %mul3A_504 : i32
        %add3A_506 = arith.constant 3 : i32
        %add3A_507 = arith.addi %mul3A_505, %add3A_506 : i32
        %get3A_508 = arith.index_cast %add3A_507 : i32 to index
        %get3A_509 = arith.constant 96 : index
        %get3A_510 = tpu.vector_load %arg10[%get3A_508, %get3A_509] {strides = array<i32>} : memref<128x128xf32, #tpu.memory_space<vmem>>, vector<1x16xf32>,
        %get3A_511 = vector.shape_cast %get3A_510 : vector<1x16xf32> to vector<16xf32>
        %mul3A_512 = arith.mulf %get3A_511, %broadcast_in_dim3A_419 : vector<16xf32>
        %swap3A_513 = arith.index_cast %add3A_507 : i32 to index
        %swap3A_514 = arith.constant 96 : index
        %swap3A_515 = tpu.vector_load %arg10[%swap3A_513, %swap3A_514] {strides = array<i32>} : memref<128x128xf32, #tpu.memory_space<vmem>>, vector<1x16xf32>,
        %swap3A_516 = vector.shape_cast %swap3A_515 : vector<1x16xf32> to vector<16xf32>
        %swap3A_517 = vector.shape_cast %mul3A_512 : vector<16xf32> to vector<1x16xf32>
        tpu.vector_store %arg10[%swap3A_513, %swap3A_514], %swap3A_517 {strides = array<i32>} : memref<128x128xf32, #tpu.memory_space<vmem>>, vector<1x16xf32>,
        %mul3A_518 = arith.constant 16 : i32
        %mul3A_519 = arith.muli %add3A_69, %mul3A_518 : i32
        %add3A_520 = arith.constant 3 : i32
        %add3A_521 = arith.addi %mul3A_519, %add3A_520 : i32
        %get3A_522 = arith.index_cast %add3A_521 : i32 to index
        %get3A_523 = arith.constant 112 : index
        %get3A_524 = tpu.vector_load %arg10[%get3A_522, %get3A_523] {strides = array<i32>} : memref<128x128xf32, #tpu.memory_space<vmem>>, vector<1x16xf32>,
        %get3A_525 = vector.shape_cast %get3A_524 : vector<1x16xf32> to vector<16xf32>
        %mul3A_526 = arith.mulf %get3A_525, %broadcast_in_dim3A_419 : vector<16xf32>
        %swap3A_527 = arith.index_cast %add3A_521 : i32 to index
        %swap3A_528 = arith.constant 112 : index
        %swap3A_529 = tpu.vector_load %arg10[%swap3A_527, %swap3A_528] {strides = array<i32>} : memref<128x128xf32, #tpu.memory_space<vmem>>, vector<1x16xf32>,
        %swap3A_530 = vector.shape_cast %swap3A_529 : vector<1x16xf32> to vector<16xf32>
        %swap3A_531 = vector.shape_cast %mul3A_526 : vector<16xf32> to vector<1x16xf32>
        tpu.vector_store %arg10[%swap3A_527, %swap3A_528], %swap3A_531 {strides = array<i32>} : memref<128x128xf32, #tpu.memory_space<vmem>>, vector<1x16xf32>,
        %slice3A_532 = vector.extract_strided_slice %get3A_74 {offsets = [4], sizes = [1], strides = [1]} : vector<16xf32> to vector<1xf32>
        %squeeze3A_533 = vector.extract %slice3A_532[0] : f32 from vector<1xf32>
        %broadcast_in_dim3A_534 = vector.broadcast %squeeze3A_533 : f32 to vector<16xf32>
        %mul3A_535 = arith.constant 16 : i32
        %mul3A_536 = arith.muli %add3A_69, %mul3A_535 : i32
        %add3A_537 = arith.constant 4 : i32
        %add3A_538 = arith.addi %mul3A_536, %add3A_537 : i32
        %get3A_539 = arith.index_cast %add3A_538 : i32 to index
        %get3A_540 = arith.constant 0 : index
        %get3A_541 = tpu.vector_load %arg10[%get3A_539, %get3A_540] {strides = array<i32>} : memref<128x128xf32, #tpu.memory_space<vmem>>, vector<1x16xf32>,
        %get3A_542 = vector.shape_cast %get3A_541 : vector<1x16xf32> to vector<16xf32>
        %mul3A_543 = arith.mulf %get3A_542, %broadcast_in_dim3A_534 : vector<16xf32>
        %swap3A_544 = arith.index_cast %add3A_538 : i32 to index
        %swap3A_545 = arith.constant 0 : index
        %swap3A_546 = tpu.vector_load %arg10[%swap3A_544, %swap3A_545] {strides = array<i32>} : memref<128x128xf32, #tpu.memory_space<vmem>>, vector<1x16xf32>,
        %swap3A_547 = vector.shape_cast %swap3A_546 : vector<1x16xf32> to vector<16xf32>
        %swap3A_548 = vector.shape_cast %mul3A_543 : vector<16xf32> to vector<1x16xf32>
        tpu.vector_store %arg10[%swap3A_544, %swap3A_545], %swap3A_548 {strides = array<i32>} : memref<128x128xf32, #tpu.memory_space<vmem>>, vector<1x16xf32>,
        %mul3A_549 = arith.constant 16 : i32
        %mul3A_550 = arith.muli %add3A_69, %mul3A_549 : i32
        %add3A_551 = arith.constant 4 : i32
        %add3A_552 = arith.addi %mul3A_550, %add3A_551 : i32
        %get3A_553 = arith.index_cast %add3A_552 : i32 to index
        %get3A_554 = arith.constant 16 : index
        %get3A_555 = tpu.vector_load %arg10[%get3A_553, %get3A_554] {strides = array<i32>} : memref<128x128xf32, #tpu.memory_space<vmem>>, vector<1x16xf32>,
        %get3A_556 = vector.shape_cast %get3A_555 : vector<1x16xf32> to vector<16xf32>
        %mul3A_557 = arith.mulf %get3A_556, %broadcast_in_dim3A_534 : vector<16xf32>
        %swap3A_558 = arith.index_cast %add3A_552 : i32 to index
        %swap3A_559 = arith.constant 16 : index
        %swap3A_560 = tpu.vector_load %arg10[%swap3A_558, %swap3A_559] {strides = array<i32>} : memref<128x128xf32, #tpu.memory_space<vmem>>, vector<1x16xf32>,
        %swap3A_561 = vector.shape_cast %swap3A_560 : vector<1x16xf32> to vector<16xf32>
        %swap3A_562 = vector.shape_cast %mul3A_557 : vector<16xf32> to vector<1x16xf32>
        tpu.vector_store %arg10[%swap3A_558, %swap3A_559], %swap3A_562 {strides = array<i32>} : memref<128x128xf32, #tpu.memory_space<vmem>>, vector<1x16xf32>,
        %mul3A_563 = arith.constant 16 : i32
        %mul3A_564 = arith.muli %add3A_69, %mul3A_563 : i32
        %add3A_565 = arith.constant 4 : i32
        %add3A_566 = arith.addi %mul3A_564, %add3A_565 : i32
        %get3A_567 = arith.index_cast %add3A_566 : i32 to index
        %get3A_568 = arith.constant 32 : index
        %get3A_569 = tpu.vector_load %arg10[%get3A_567, %get3A_568] {strides = array<i32>} : memref<128x128xf32, #tpu.memory_space<vmem>>, vector<1x16xf32>,
        %get3A_570 = vector.shape_cast %get3A_569 : vector<1x16xf32> to vector<16xf32>
        %mul3A_571 = arith.mulf %get3A_570, %broadcast_in_dim3A_534 : vector<16xf32>
        %swap3A_572 = arith.index_cast %add3A_566 : i32 to index
        %swap3A_573 = arith.constant 32 : index
        %swap3A_574 = tpu.vector_load %arg10[%swap3A_572, %swap3A_573] {strides = array<i32>} : memref<128x128xf32, #tpu.memory_space<vmem>>, vector<1x16xf32>,
        %swap3A_575 = vector.shape_cast %swap3A_574 : vector<1x16xf32> to vector<16xf32>
        %swap3A_576 = vector.shape_cast %mul3A_571 : vector<16xf32> to vector<1x16xf32>
        tpu.vector_store %arg10[%swap3A_572, %swap3A_573], %swap3A_576 {strides = array<i32>} : memref<128x128xf32, #tpu.memory_space<vmem>>, vector<1x16xf32>,
        %mul3A_577 = arith.constant 16 : i32
        %mul3A_578 = arith.muli %add3A_69, %mul3A_577 : i32
        %add3A_579 = arith.constant 4 : i32
        %add3A_580 = arith.addi %mul3A_578, %add3A_579 : i32
        %get3A_581 = arith.index_cast %add3A_580 : i32 to index
        %get3A_582 = arith.constant 48 : index
        %get3A_583 = tpu.vector_load %arg10[%get3A_581, %get3A_582] {strides = array<i32>} : memref<128x128xf32, #tpu.memory_space<vmem>>, vector<1x16xf32>,
        %get3A_584 = vector.shape_cast %get3A_583 : vector<1x16xf32> to vector<16xf32>
        %mul3A_585 = arith.mulf %get3A_584, %broadcast_in_dim3A_534 : vector<16xf32>
        %swap3A_586 = arith.index_cast %add3A_580 : i32 to index
        %swap3A_587 = arith.constant 48 : index
        %swap3A_588 = tpu.vector_load %arg10[%swap3A_586, %swap3A_587] {strides = array<i32>} : memref<128x128xf32, #tpu.memory_space<vmem>>, vector<1x16xf32>,
        %swap3A_589 = vector.shape_cast %swap3A_588 : vector<1x16xf32> to vector<16xf32>
        %swap3A_590 = vector.shape_cast %mul3A_585 : vector<16xf32> to vector<1x16xf32>
        tpu.vector_store %arg10[%swap3A_586, %swap3A_587], %swap3A_590 {strides = array<i32>} : memref<128x128xf32, #tpu.memory_space<vmem>>, vector<1x16xf32>,
        %mul3A_591 = arith.constant 16 : i32
        %mul3A_592 = arith.muli %add3A_69, %mul3A_591 : i32
        %add3A_593 = arith.constant 4 : i32
        %add3A_594 = arith.addi %mul3A_592, %add3A_593 : i32
        %get3A_595 = arith.index_cast %add3A_594 : i32 to index
        %get3A_596 = arith.constant 64 : index
        %get3A_597 = tpu.vector_load %arg10[%get3A_595, %get3A_596] {strides = array<i32>} : memref<128x128xf32, #tpu.memory_space<vmem>>, vector<1x16xf32>,
        %get3A_598 = vector.shape_cast %get3A_597 : vector<1x16xf32> to vector<16xf32>
        %mul3A_599 = arith.mulf %get3A_598, %broadcast_in_dim3A_534 : vector<16xf32>
        %swap3A_600 = arith.index_cast %add3A_594 : i32 to index
        %swap3A_601 = arith.constant 64 : index
        %swap3A_602 = tpu.vector_load %arg10[%swap3A_600, %swap3A_601] {strides = array<i32>} : memref<128x128xf32, #tpu.memory_space<vmem>>, vector<1x16xf32>,
        %swap3A_603 = vector.shape_cast %swap3A_602 : vector<1x16xf32> to vector<16xf32>
        %swap3A_604 = vector.shape_cast %mul3A_599 : vector<16xf32> to vector<1x16xf32>
        tpu.vector_store %arg10[%swap3A_600, %swap3A_601], %swap3A_604 {strides = array<i32>} : memref<128x128xf32, #tpu.memory_space<vmem>>, vector<1x16xf32>,
        %mul3A_605 = arith.constant 16 : i32
        %mul3A_606 = arith.muli %add3A_69, %mul3A_605 : i32
        %add3A_607 = arith.constant 4 : i32
        %add3A_608 = arith.addi %mul3A_606, %add3A_607 : i32
        %get3A_609 = arith.index_cast %add3A_608 : i32 to index
        %get3A_610 = arith.constant 80 : index
        %get3A_611 = tpu.vector_load %arg10[%get3A_609, %get3A_610] {strides = array<i32>} : memref<128x128xf32, #tpu.memory_space<vmem>>, vector<1x16xf32>,
        %get3A_612 = vector.shape_cast %get3A_611 : vector<1x16xf32> to vector<16xf32>
        %mul3A_613 = arith.mulf %get3A_612, %broadcast_in_dim3A_534 : vector<16xf32>
        %swap3A_614 = arith.index_cast %add3A_608 : i32 to index
        %swap3A_615 = arith.constant 80 : index
        %swap3A_616 = tpu.vector_load %arg10[%swap3A_614, %swap3A_615] {strides = array<i32>} : memref<128x128xf32, #tpu.memory_space<vmem>>, vector<1x16xf32>,
        %swap3A_617 = vector.shape_cast %swap3A_616 : vector<1x16xf32> to vector<16xf32>
        %swap3A_618 = vector.shape_cast %mul3A_613 : vector<16xf32> to vector<1x16xf32>
        tpu.vector_store %arg10[%swap3A_614, %swap3A_615], %swap3A_618 {strides = array<i32>} : memref<128x128xf32, #tpu.memory_space<vmem>>, vector<1x16xf32>,
        %mul3A_619 = arith.constant 16 : i32
        %mul3A_620 = arith.muli %add3A_69, %mul3A_619 : i32
        %add3A_621 = arith.constant 4 : i32
        %add3A_622 = arith.addi %mul3A_620, %add3A_621 : i32
        %get3A_623 = arith.index_cast %add3A_622 : i32 to index
        %get3A_624 = arith.constant 96 : index
        %get3A_625 = tpu.vector_load %arg10[%get3A_623, %get3A_624] {strides = array<i32>} : memref<128x128xf32, #tpu.memory_space<vmem>>, vector<1x16xf32>,
        %get3A_626 = vector.shape_cast %get3A_625 : vector<1x16xf32> to vector<16xf32>
        %mul3A_627 = arith.mulf %get3A_626, %broadcast_in_dim3A_534 : vector<16xf32>
        %swap3A_628 = arith.index_cast %add3A_622 : i32 to index
        %swap3A_629 = arith.constant 96 : index
        %swap3A_630 = tpu.vector_load %arg10[%swap3A_628, %swap3A_629] {strides = array<i32>} : memref<128x128xf32, #tpu.memory_space<vmem>>, vector<1x16xf32>,
        %swap3A_631 = vector.shape_cast %swap3A_630 : vector<1x16xf32> to vector<16xf32>
        %swap3A_632 = vector.shape_cast %mul3A_627 : vector<16xf32> to vector<1x16xf32>
        tpu.vector_store %arg10[%swap3A_628, %swap3A_629], %swap3A_632 {strides = array<i32>} : memref<128x128xf32, #tpu.memory_space<vmem>>, vector<1x16xf32>,
        %mul3A_633 = arith.constant 16 : i32
        %mul3A_634 = arith.muli %add3A_69, %mul3A_633 : i32
        %add3A_635 = arith.constant 4 : i32
        %add3A_636 = arith.addi %mul3A_634, %add3A_635 : i32
        %get3A_637 = arith.index_cast %add3A_636 : i32 to index
        %get3A_638 = arith.constant 112 : index
        %get3A_639 = tpu.vector_load %arg10[%get3A_637, %get3A_638] {strides = array<i32>} : memref<128x128xf32, #tpu.memory_space<vmem>>, vector<1x16xf32>,
        %get3A_640 = vector.shape_cast %get3A_639 : vector<1x16xf32> to vector<16xf32>
        %mul3A_641 = arith.mulf %get3A_640, %broadcast_in_dim3A_534 : vector<16xf32>
        %swap3A_642 = arith.index_cast %add3A_636 : i32 to index
        %swap3A_643 = arith.constant 112 : index
        %swap3A_644 = tpu.vector_load %arg10[%swap3A_642, %swap3A_643] {strides = array<i32>} : memref<128x128xf32, #tpu.memory_space<vmem>>, vector<1x16xf32>,
        %swap3A_645 = vector.shape_cast %swap3A_644 : vector<1x16xf32> to vector<16xf32>
        %swap3A_646 = vector.shape_cast %mul3A_641 : vector<16xf32> to vector<1x16xf32>
        tpu.vector_store %arg10[%swap3A_642, %swap3A_643], %swap3A_646 {strides = array<i32>} : memref<128x128xf32, #tpu.memory_space<vmem>>, vector<1x16xf32>,
        %slice3A_647 = vector.extract_strided_slice %get3A_74 {offsets = [5], sizes = [1], strides = [1]} : vector<16xf32> to vector<1xf32>
        %squeeze3A_648 = vector.extract %slice3A_647[0] : f32 from vector<1xf32>
        %broadcast_in_dim3A_649 = vector.broadcast %squeeze3A_648 : f32 to vector<16xf32>
        %mul3A_650 = arith.constant 16 : i32
        %mul3A_651 = arith.muli %add3A_69, %mul3A_650 : i32
        %add3A_652 = arith.constant 5 : i32
        %add3A_653 = arith.addi %mul3A_651, %add3A_652 : i32
        %get3A_654 = arith.index_cast %add3A_653 : i32 to index
        %get3A_655 = arith.constant 0 : index
        %get3A_656 = tpu.vector_load %arg10[%get3A_654, %get3A_655] {strides = array<i32>} : memref<128x128xf32, #tpu.memory_space<vmem>>, vector<1x16xf32>,
        %get3A_657 = vector.shape_cast %get3A_656 : vector<1x16xf32> to vector<16xf32>
        %mul3A_658 = arith.mulf %get3A_657, %broadcast_in_dim3A_649 : vector<16xf32>
        %swap3A_659 = arith.index_cast %add3A_653 : i32 to index
        %swap3A_660 = arith.constant 0 : index
        %swap3A_661 = tpu.vector_load %arg10[%swap3A_659, %swap3A_660] {strides = array<i32>} : memref<128x128xf32, #tpu.memory_space<vmem>>, vector<1x16xf32>,
        %swap3A_662 = vector.shape_cast %swap3A_661 : vector<1x16xf32> to vector<16xf32>
        %swap3A_663 = vector.shape_cast %mul3A_658 : vector<16xf32> to vector<1x16xf32>
        tpu.vector_store %arg10[%swap3A_659, %swap3A_660], %swap3A_663 {strides = array<i32>} : memref<128x128xf32, #tpu.memory_space<vmem>>, vector<1x16xf32>,
        %mul3A_664 = arith.constant 16 : i32
        %mul3A_665 = arith.muli %add3A_69, %mul3A_664 : i32
        %add3A_666 = arith.constant 5 : i32
        %add3A_667 = arith.addi %mul3A_665, %add3A_666 : i32
        %get3A_668 = arith.index_cast %add3A_667 : i32 to index
        %get3A_669 = arith.constant 16 : index
        %get3A_670 = tpu.vector_load %arg10[%get3A_668, %get3A_669] {strides = array<i32>} : memref<128x128xf32, #tpu.memory_space<vmem>>, vector<1x16xf32>,
        %get3A_671 = vector.shape_cast %get3A_670 : vector<1x16xf32> to vector<16xf32>
        %mul3A_672 = arith.mulf %get3A_671, %broadcast_in_dim3A_649 : vector<16xf32>
        %swap3A_673 = arith.index_cast %add3A_667 : i32 to index
        %swap3A_674 = arith.constant 16 : index
        %swap3A_675 = tpu.vector_load %arg10[%swap3A_673, %swap3A_674] {strides = array<i32>} : memref<128x128xf32, #tpu.memory_space<vmem>>, vector<1x16xf32>,
        %swap3A_676 = vector.shape_cast %swap3A_675 : vector<1x16xf32> to vector<16xf32>
        %swap3A_677 = vector.shape_cast %mul3A_672 : vector<16xf32> to vector<1x16xf32>
        tpu.vector_store %arg10[%swap3A_673, %swap3A_674], %swap3A_677 {strides = array<i32>} : memref<128x128xf32, #tpu.memory_space<vmem>>, vector<1x16xf32>,
        %mul3A_678 = arith.constant 16 : i32
        %mul3A_679 = arith.muli %add3A_69, %mul3A_678 : i32
        %add3A_680 = arith.constant 5 : i32
        %add3A_681 = arith.addi %mul3A_679, %add3A_680 : i32
        %get3A_682 = arith.index_cast %add3A_681 : i32 to index
        %get3A_683 = arith.constant 32 : index
        %get3A_684 = tpu.vector_load %arg10[%get3A_682, %get3A_683] {strides = array<i32>} : memref<128x128xf32, #tpu.memory_space<vmem>>, vector<1x16xf32>,
        %get3A_685 = vector.shape_cast %get3A_684 : vector<1x16xf32> to vector<16xf32>
        %mul3A_686 = arith.mulf %get3A_685, %broadcast_in_dim3A_649 : vector<16xf32>
        %swap3A_687 = arith.index_cast %add3A_681 : i32 to index
        %swap3A_688 = arith.constant 32 : index
        %swap3A_689 = tpu.vector_load %arg10[%swap3A_687, %swap3A_688] {strides = array<i32>} : memref<128x128xf32, #tpu.memory_space<vmem>>, vector<1x16xf32>,
        %swap3A_690 = vector.shape_cast %swap3A_689 : vector<1x16xf32> to vector<16xf32>
        %swap3A_691 = vector.shape_cast %mul3A_686 : vector<16xf32> to vector<1x16xf32>
        tpu.vector_store %arg10[%swap3A_687, %swap3A_688], %swap3A_691 {strides = array<i32>} : memref<128x128xf32, #tpu.memory_space<vmem>>, vector<1x16xf32>,
        %mul3A_692 = arith.constant 16 : i32
        %mul3A_693 = arith.muli %add3A_69, %mul3A_692 : i32
        %add3A_694 = arith.constant 5 : i32
        %add3A_695 = arith.addi %mul3A_693, %add3A_694 : i32
        %get3A_696 = arith.index_cast %add3A_695 : i32 to index
        %get3A_697 = arith.constant 48 : index
        %get3A_698 = tpu.vector_load %arg10[%get3A_696, %get3A_697] {strides = array<i32>} : memref<128x128xf32, #tpu.memory_space<vmem>>, vector<1x16xf32>,
        %get3A_699 = vector.shape_cast %get3A_698 : vector<1x16xf32> to vector<16xf32>
        %mul3A_700 = arith.mulf %get3A_699, %broadcast_in_dim3A_649 : vector<16xf32>
        %swap3A_701 = arith.index_cast %add3A_695 : i32 to index
        %swap3A_702 = arith.constant 48 : index
        %swap3A_703 = tpu.vector_load %arg10[%swap3A_701, %swap3A_702] {strides = array<i32>} : memref<128x128xf32, #tpu.memory_space<vmem>>, vector<1x16xf32>,
        %swap3A_704 = vector.shape_cast %swap3A_703 : vector<1x16xf32> to vector<16xf32>
        %swap3A_705 = vector.shape_cast %mul3A_700 : vector<16xf32> to vector<1x16xf32>
        tpu.vector_store %arg10[%swap3A_701, %swap3A_702], %swap3A_705 {strides = array<i32>} : memref<128x128xf32, #tpu.memory_space<vmem>>, vector<1x16xf32>,
        %mul3A_706 = arith.constant 16 : i32
        %mul3A_707 = arith.muli %add3A_69, %mul3A_706 : i32
        %add3A_708 = arith.constant 5 : i32
        %add3A_709 = arith.addi %mul3A_707, %add3A_708 : i32
        %get3A_710 = arith.index_cast %add3A_709 : i32 to index
        %get3A_711 = arith.constant 64 : index
        %get3A_712 = tpu.vector_load %arg10[%get3A_710, %get3A_711] {strides = array<i32>} : memref<128x128xf32, #tpu.memory_space<vmem>>, vector<1x16xf32>,
        %get3A_713 = vector.shape_cast %get3A_712 : vector<1x16xf32> to vector<16xf32>
        %mul3A_714 = arith.mulf %get3A_713, %broadcast_in_dim3A_649 : vector<16xf32>
        %swap3A_715 = arith.index_cast %add3A_709 : i32 to index
        %swap3A_716 = arith.constant 64 : index
        %swap3A_717 = tpu.vector_load %arg10[%swap3A_715, %swap3A_716] {strides = array<i32>} : memref<128x128xf32, #tpu.memory_space<vmem>>, vector<1x16xf32>,
        %swap3A_718 = vector.shape_cast %swap3A_717 : vector<1x16xf32> to vector<16xf32>
        %swap3A_719 = vector.shape_cast %mul3A_714 : vector<16xf32> to vector<1x16xf32>
        tpu.vector_store %arg10[%swap3A_715, %swap3A_716], %swap3A_719 {strides = array<i32>} : memref<128x128xf32, #tpu.memory_space<vmem>>, vector<1x16xf32>,
        %mul3A_720 = arith.constant 16 : i32
        %mul3A_721 = arith.muli %add3A_69, %mul3A_720 : i32
        %add3A_722 = arith.constant 5 : i32
        %add3A_723 = arith.addi %mul3A_721, %add3A_722 : i32
        %get3A_724 = arith.index_cast %add3A_723 : i32 to index
        %get3A_725 = arith.constant 80 : index
        %get3A_726 = tpu.vector_load %arg10[%get3A_724, %get3A_725] {strides = array<i32>} : memref<128x128xf32, #tpu.memory_space<vmem>>, vector<1x16xf32>,
        %get3A_727 = vector.shape_cast %get3A_726 : vector<1x16xf32> to vector<16xf32>
        %mul3A_728 = arith.mulf %get3A_727, %broadcast_in_dim3A_649 : vector<16xf32>
        %swap3A_729 = arith.index_cast %add3A_723 : i32 to index
        %swap3A_730 = arith.constant 80 : index
        %swap3A_731 = tpu.vector_load %arg10[%swap3A_729, %swap3A_730] {strides = array<i32>} : memref<128x128xf32, #tpu.memory_space<vmem>>, vector<1x16xf32>,
        %swap3A_732 = vector.shape_cast %swap3A_731 : vector<1x16xf32> to vector<16xf32>
        %swap3A_733 = vector.shape_cast %mul3A_728 : vector<16xf32> to vector<1x16xf32>
        tpu.vector_store %arg10[%swap3A_729, %swap3A_730], %swap3A_733 {strides = array<i32>} : memref<128x128xf32, #tpu.memory_space<vmem>>, vector<1x16xf32>,
        %mul3A_734 = arith.constant 16 : i32
        %mul3A_735 = arith.muli %add3A_69, %mul3A_734 : i32
        %add3A_736 = arith.constant 5 : i32
        %add3A_737 = arith.addi %mul3A_735, %add3A_736 : i32
        %get3A_738 = arith.index_cast %add3A_737 : i32 to index
        %get3A_739 = arith.constant 96 : index
        %get3A_740 = tpu.vector_load %arg10[%get3A_738, %get3A_739] {strides = array<i32>} : memref<128x128xf32, #tpu.memory_space<vmem>>, vector<1x16xf32>,
        %get3A_741 = vector.shape_cast %get3A_740 : vector<1x16xf32> to vector<16xf32>
        %mul3A_742 = arith.mulf %get3A_741, %broadcast_in_dim3A_649 : vector<16xf32>
        %swap3A_743 = arith.index_cast %add3A_737 : i32 to index
        %swap3A_744 = arith.constant 96 : index
        %swap3A_745 = tpu.vector_load %arg10[%swap3A_743, %swap3A_744] {strides = array<i32>} : memref<128x128xf32, #tpu.memory_space<vmem>>, vector<1x16xf32>,
        %swap3A_746 = vector.shape_cast %swap3A_745 : vector<1x16xf32> to vector<16xf32>
        %swap3A_747 = vector.shape_cast %mul3A_742 : vector<16xf32> to vector<1x16xf32>
        tpu.vector_store %arg10[%swap3A_743, %swap3A_744], %swap3A_747 {strides = array<i32>} : memref<128x128xf32, #tpu.memory_space<vmem>>, vector<1x16xf32>,
        %mul3A_748 = arith.constant 16 : i32
        %mul3A_749 = arith.muli %add3A_69, %mul3A_748 : i32
        %add3A_750 = arith.constant 5 : i32
        %add3A_751 = arith.addi %mul3A_749, %add3A_750 : i32
        %get3A_752 = arith.index_cast %add3A_751 : i32 to index
        %get3A_753 = arith.constant 112 : index
        %get3A_754 = tpu.vector_load %arg10[%get3A_752, %get3A_753] {strides = array<i32>} : memref<128x128xf32, #tpu.memory_space<vmem>>, vector<1x16xf32>,
        %get3A_755 = vector.shape_cast %get3A_754 : vector<1x16xf32> to vector<16xf32>
        %mul3A_756 = arith.mulf %get3A_755, %broadcast_in_dim3A_649 : vector<16xf32>
        %swap3A_757 = arith.index_cast %add3A_751 : i32 to index
        %swap3A_758 = arith.constant 112 : index
        %swap3A_759 = tpu.vector_load %arg10[%swap3A_757, %swap3A_758] {strides = array<i32>} : memref<128x128xf32, #tpu.memory_space<vmem>>, vector<1x16xf32>,
        %swap3A_760 = vector.shape_cast %swap3A_759 : vector<1x16xf32> to vector<16xf32>
        %swap3A_761 = vector.shape_cast %mul3A_756 : vector<16xf32> to vector<1x16xf32>
        tpu.vector_store %arg10[%swap3A_757, %swap3A_758], %swap3A_761 {strides = array<i32>} : memref<128x128xf32, #tpu.memory_space<vmem>>, vector<1x16xf32>,
        %slice3A_762 = vector.extract_strided_slice %get3A_74 {offsets = [6], sizes = [1], strides = [1]} : vector<16xf32> to vector<1xf32>
        %squeeze3A_763 = vector.extract %slice3A_762[0] : f32 from vector<1xf32>
        %broadcast_in_dim3A_764 = vector.broadcast %squeeze3A_763 : f32 to vector<16xf32>
        %mul3A_765 = arith.constant 16 : i32
        %mul3A_766 = arith.muli %add3A_69, %mul3A_765 : i32
        %add3A_767 = arith.constant 6 : i32
        %add3A_768 = arith.addi %mul3A_766, %add3A_767 : i32
        %get3A_769 = arith.index_cast %add3A_768 : i32 to index
        %get3A_770 = arith.constant 0 : index
        %get3A_771 = tpu.vector_load %arg10[%get3A_769, %get3A_770] {strides = array<i32>} : memref<128x128xf32, #tpu.memory_space<vmem>>, vector<1x16xf32>,
        %get3A_772 = vector.shape_cast %get3A_771 : vector<1x16xf32> to vector<16xf32>
        %mul3A_773 = arith.mulf %get3A_772, %broadcast_in_dim3A_764 : vector<16xf32>
        %swap3A_774 = arith.index_cast %add3A_768 : i32 to index
        %swap3A_775 = arith.constant 0 : index
        %swap3A_776 = tpu.vector_load %arg10[%swap3A_774, %swap3A_775] {strides = array<i32>} : memref<128x128xf32, #tpu.memory_space<vmem>>, vector<1x16xf32>,
        %swap3A_777 = vector.shape_cast %swap3A_776 : vector<1x16xf32> to vector<16xf32>
        %swap3A_778 = vector.shape_cast %mul3A_773 : vector<16xf32> to vector<1x16xf32>
        tpu.vector_store %arg10[%swap3A_774, %swap3A_775], %swap3A_778 {strides = array<i32>} : memref<128x128xf32, #tpu.memory_space<vmem>>, vector<1x16xf32>,
        %mul3A_779 = arith.constant 16 : i32
        %mul3A_780 = arith.muli %add3A_69, %mul3A_779 : i32
        %add3A_781 = arith.constant 6 : i32
        %add3A_782 = arith.addi %mul3A_780, %add3A_781 : i32
        %get3A_783 = arith.index_cast %add3A_782 : i32 to index
        %get3A_784 = arith.constant 16 : index
        %get3A_785 = tpu.vector_load %arg10[%get3A_783, %get3A_784] {strides = array<i32>} : memref<128x128xf32, #tpu.memory_space<vmem>>, vector<1x16xf32>,
        %get3A_786 = vector.shape_cast %get3A_785 : vector<1x16xf32> to vector<16xf32>
        %mul3A_787 = arith.mulf %get3A_786, %broadcast_in_dim3A_764 : vector<16xf32>
        %swap3A_788 = arith.index_cast %add3A_782 : i32 to index
        %swap3A_789 = arith.constant 16 : index
        %swap3A_790 = tpu.vector_load %arg10[%swap3A_788, %swap3A_789] {strides = array<i32>} : memref<128x128xf32, #tpu.memory_space<vmem>>, vector<1x16xf32>,
        %swap3A_791 = vector.shape_cast %swap3A_790 : vector<1x16xf32> to vector<16xf32>
        %swap3A_792 = vector.shape_cast %mul3A_787 : vector<16xf32> to vector<1x16xf32>
        tpu.vector_store %arg10[%swap3A_788, %swap3A_789], %swap3A_792 {strides = array<i32>} : memref<128x128xf32, #tpu.memory_space<vmem>>, vector<1x16xf32>,
        %mul3A_793 = arith.constant 16 : i32
        %mul3A_794 = arith.muli %add3A_69, %mul3A_793 : i32
        %add3A_795 = arith.constant 6 : i32
        %add3A_796 = arith.addi %mul3A_794, %add3A_795 : i32
        %get3A_797 = arith.index_cast %add3A_796 : i32 to index
        %get3A_798 = arith.constant 32 : index
        %get3A_799 = tpu.vector_load %arg10[%get3A_797, %get3A_798] {strides = array<i32>} : memref<128x128xf32, #tpu.memory_space<vmem>>, vector<1x16xf32>,
        %get3A_800 = vector.shape_cast %get3A_799 : vector<1x16xf32> to vector<16xf32>
        %mul3A_801 = arith.mulf %get3A_800, %broadcast_in_dim3A_764 : vector<16xf32>
        %swap3A_802 = arith.index_cast %add3A_796 : i32 to index
        %swap3A_803 = arith.constant 32 : index
        %swap3A_804 = tpu.vector_load %arg10[%swap3A_802, %swap3A_803] {strides = array<i32>} : memref<128x128xf32, #tpu.memory_space<vmem>>, vector<1x16xf32>,
        %swap3A_805 = vector.shape_cast %swap3A_804 : vector<1x16xf32> to vector<16xf32>
        %swap3A_806 = vector.shape_cast %mul3A_801 : vector<16xf32> to vector<1x16xf32>
        tpu.vector_store %arg10[%swap3A_802, %swap3A_803], %swap3A_806 {strides = array<i32>} : memref<128x128xf32, #tpu.memory_space<vmem>>, vector<1x16xf32>,
        %mul3A_807 = arith.constant 16 : i32
        %mul3A_808 = arith.muli %add3A_69, %mul3A_807 : i32
        %add3A_809 = arith.constant 6 : i32
        %add3A_810 = arith.addi %mul3A_808, %add3A_809 : i32
        %get3A_811 = arith.index_cast %add3A_810 : i32 to index
        %get3A_812 = arith.constant 48 : index
        %get3A_813 = tpu.vector_load %arg10[%get3A_811, %get3A_812] {strides = array<i32>} : memref<128x128xf32, #tpu.memory_space<vmem>>, vector<1x16xf32>,
        %get3A_814 = vector.shape_cast %get3A_813 : vector<1x16xf32> to vector<16xf32>
        %mul3A_815 = arith.mulf %get3A_814, %broadcast_in_dim3A_764 : vector<16xf32>
        %swap3A_816 = arith.index_cast %add3A_810 : i32 to index
        %swap3A_817 = arith.constant 48 : index
        %swap3A_818 = tpu.vector_load %arg10[%swap3A_816, %swap3A_817] {strides = array<i32>} : memref<128x128xf32, #tpu.memory_space<vmem>>, vector<1x16xf32>,
        %swap3A_819 = vector.shape_cast %swap3A_818 : vector<1x16xf32> to vector<16xf32>
        %swap3A_820 = vector.shape_cast %mul3A_815 : vector<16xf32> to vector<1x16xf32>
        tpu.vector_store %arg10[%swap3A_816, %swap3A_817], %swap3A_820 {strides = array<i32>} : memref<128x128xf32, #tpu.memory_space<vmem>>, vector<1x16xf32>,
        %mul3A_821 = arith.constant 16 : i32
        %mul3A_822 = arith.muli %add3A_69, %mul3A_821 : i32
        %add3A_823 = arith.constant 6 : i32
        %add3A_824 = arith.addi %mul3A_822, %add3A_823 : i32
        %get3A_825 = arith.index_cast %add3A_824 : i32 to index
        %get3A_826 = arith.constant 64 : index
        %get3A_827 = tpu.vector_load %arg10[%get3A_825, %get3A_826] {strides = array<i32>} : memref<128x128xf32, #tpu.memory_space<vmem>>, vector<1x16xf32>,
        %get3A_828 = vector.shape_cast %get3A_827 : vector<1x16xf32> to vector<16xf32>
        %mul3A_829 = arith.mulf %get3A_828, %broadcast_in_dim3A_764 : vector<16xf32>
        %swap3A_830 = arith.index_cast %add3A_824 : i32 to index
        %swap3A_831 = arith.constant 64 : index
        %swap3A_832 = tpu.vector_load %arg10[%swap3A_830, %swap3A_831] {strides = array<i32>} : memref<128x128xf32, #tpu.memory_space<vmem>>, vector<1x16xf32>,
        %swap3A_833 = vector.shape_cast %swap3A_832 : vector<1x16xf32> to vector<16xf32>
        %swap3A_834 = vector.shape_cast %mul3A_829 : vector<16xf32> to vector<1x16xf32>
        tpu.vector_store %arg10[%swap3A_830, %swap3A_831], %swap3A_834 {strides = array<i32>} : memref<128x128xf32, #tpu.memory_space<vmem>>, vector<1x16xf32>,
        %mul3A_835 = arith.constant 16 : i32
        %mul3A_836 = arith.muli %add3A_69, %mul3A_835 : i32
        %add3A_837 = arith.constant 6 : i32
        %add3A_838 = arith.addi %mul3A_836, %add3A_837 : i32
        %get3A_839 = arith.index_cast %add3A_838 : i32 to index
        %get3A_840 = arith.constant 80 : index
        %get3A_841 = tpu.vector_load %arg10[%get3A_839, %get3A_840] {strides = array<i32>} : memref<128x128xf32, #tpu.memory_space<vmem>>, vector<1x16xf32>,
        %get3A_842 = vector.shape_cast %get3A_841 : vector<1x16xf32> to vector<16xf32>
        %mul3A_843 = arith.mulf %get3A_842, %broadcast_in_dim3A_764 : vector<16xf32>
        %swap3A_844 = arith.index_cast %add3A_838 : i32 to index
        %swap3A_845 = arith.constant 80 : index
        %swap3A_846 = tpu.vector_load %arg10[%swap3A_844, %swap3A_845] {strides = array<i32>} : memref<128x128xf32, #tpu.memory_space<vmem>>, vector<1x16xf32>,
        %swap3A_847 = vector.shape_cast %swap3A_846 : vector<1x16xf32> to vector<16xf32>
        %swap3A_848 = vector.shape_cast %mul3A_843 : vector<16xf32> to vector<1x16xf32>
        tpu.vector_store %arg10[%swap3A_844, %swap3A_845], %swap3A_848 {strides = array<i32>} : memref<128x128xf32, #tpu.memory_space<vmem>>, vector<1x16xf32>,
        %mul3A_849 = arith.constant 16 : i32
        %mul3A_850 = arith.muli %add3A_69, %mul3A_849 : i32
        %add3A_851 = arith.constant 6 : i32
        %add3A_852 = arith.addi %mul3A_850, %add3A_851 : i32
        %get3A_853 = arith.index_cast %add3A_852 : i32 to index
        %get3A_854 = arith.constant 96 : index
        %get3A_855 = tpu.vector_load %arg10[%get3A_853, %get3A_854] {strides = array<i32>} : memref<128x128xf32, #tpu.memory_space<vmem>>, vector<1x16xf32>,
        %get3A_856 = vector.shape_cast %get3A_855 : vector<1x16xf32> to vector<16xf32>
        %mul3A_857 = arith.mulf %get3A_856, %broadcast_in_dim3A_764 : vector<16xf32>
        %swap3A_858 = arith.index_cast %add3A_852 : i32 to index
        %swap3A_859 = arith.constant 96 : index
        %swap3A_860 = tpu.vector_load %arg10[%swap3A_858, %swap3A_859] {strides = array<i32>} : memref<128x128xf32, #tpu.memory_space<vmem>>, vector<1x16xf32>,
        %swap3A_861 = vector.shape_cast %swap3A_860 : vector<1x16xf32> to vector<16xf32>
        %swap3A_862 = vector.shape_cast %mul3A_857 : vector<16xf32> to vector<1x16xf32>
        tpu.vector_store %arg10[%swap3A_858, %swap3A_859], %swap3A_862 {strides = array<i32>} : memref<128x128xf32, #tpu.memory_space<vmem>>, vector<1x16xf32>,
        %mul3A_863 = arith.constant 16 : i32
        %mul3A_864 = arith.muli %add3A_69, %mul3A_863 : i32
        %add3A_865 = arith.constant 6 : i32
        %add3A_866 = arith.addi %mul3A_864, %add3A_865 : i32
        %get3A_867 = arith.index_cast %add3A_866 : i32 to index
        %get3A_868 = arith.constant 112 : index
        %get3A_869 = tpu.vector_load %arg10[%get3A_867, %get3A_868] {strides = array<i32>} : memref<128x128xf32, #tpu.memory_space<vmem>>, vector<1x16xf32>,
        %get3A_870 = vector.shape_cast %get3A_869 : vector<1x16xf32> to vector<16xf32>
        %mul3A_871 = arith.mulf %get3A_870, %broadcast_in_dim3A_764 : vector<16xf32>
        %swap3A_872 = arith.index_cast %add3A_866 : i32 to index
        %swap3A_873 = arith.constant 112 : index
        %swap3A_874 = tpu.vector_load %arg10[%swap3A_872, %swap3A_873] {strides = array<i32>} : memref<128x128xf32, #tpu.memory_space<vmem>>, vector<1x16xf32>,
        %swap3A_875 = vector.shape_cast %swap3A_874 : vector<1x16xf32> to vector<16xf32>
        %swap3A_876 = vector.shape_cast %mul3A_871 : vector<16xf32> to vector<1x16xf32>
        tpu.vector_store %arg10[%swap3A_872, %swap3A_873], %swap3A_876 {strides = array<i32>} : memref<128x128xf32, #tpu.memory_space<vmem>>, vector<1x16xf32>,
        %slice3A_877 = vector.extract_strided_slice %get3A_74 {offsets = [7], sizes = [1], strides = [1]} : vector<16xf32> to vector<1xf32>
        %squeeze3A_878 = vector.extract %slice3A_877[0] : f32 from vector<1xf32>
        %broadcast_in_dim3A_879 = vector.broadcast %squeeze3A_878 : f32 to vector<16xf32>
        %mul3A_880 = arith.constant 16 : i32
        %mul3A_881 = arith.muli %add3A_69, %mul3A_880 : i32
        %add3A_882 = arith.constant 7 : i32
        %add3A_883 = arith.addi %mul3A_881, %add3A_882 : i32
        %get3A_884 = arith.index_cast %add3A_883 : i32 to index
        %get3A_885 = arith.constant 0 : index
        %get3A_886 = tpu.vector_load %arg10[%get3A_884, %get3A_885] {strides = array<i32>} : memref<128x128xf32, #tpu.memory_space<vmem>>, vector<1x16xf32>,
        %get3A_887 = vector.shape_cast %get3A_886 : vector<1x16xf32> to vector<16xf32>
        %mul3A_888 = arith.mulf %get3A_887, %broadcast_in_dim3A_879 : vector<16xf32>
        %swap3A_889 = arith.index_cast %add3A_883 : i32 to index
        %swap3A_890 = arith.constant 0 : index
        %swap3A_891 = tpu.vector_load %arg10[%swap3A_889, %swap3A_890] {strides = array<i32>} : memref<128x128xf32, #tpu.memory_space<vmem>>, vector<1x16xf32>,
        %swap3A_892 = vector.shape_cast %swap3A_891 : vector<1x16xf32> to vector<16xf32>
        %swap3A_893 = vector.shape_cast %mul3A_888 : vector<16xf32> to vector<1x16xf32>
        tpu.vector_store %arg10[%swap3A_889, %swap3A_890], %swap3A_893 {strides = array<i32>} : memref<128x128xf32, #tpu.memory_space<vmem>>, vector<1x16xf32>,
        %mul3A_894 = arith.constant 16 : i32
        %mul3A_895 = arith.muli %add3A_69, %mul3A_894 : i32
        %add3A_896 = arith.constant 7 : i32
        %add3A_897 = arith.addi %mul3A_895, %add3A_896 : i32
        %get3A_898 = arith.index_cast %add3A_897 : i32 to index
        %get3A_899 = arith.constant 16 : index
        %get3A_900 = tpu.vector_load %arg10[%get3A_898, %get3A_899] {strides = array<i32>} : memref<128x128xf32, #tpu.memory_space<vmem>>, vector<1x16xf32>,
        %get3A_901 = vector.shape_cast %get3A_900 : vector<1x16xf32> to vector<16xf32>
        %mul3A_902 = arith.mulf %get3A_901, %broadcast_in_dim3A_879 : vector<16xf32>
        %swap3A_903 = arith.index_cast %add3A_897 : i32 to index
        %swap3A_904 = arith.constant 16 : index
        %swap3A_905 = tpu.vector_load %arg10[%swap3A_903, %swap3A_904] {strides = array<i32>} : memref<128x128xf32, #tpu.memory_space<vmem>>, vector<1x16xf32>,
        %swap3A_906 = vector.shape_cast %swap3A_905 : vector<1x16xf32> to vector<16xf32>
        %swap3A_907 = vector.shape_cast %mul3A_902 : vector<16xf32> to vector<1x16xf32>
        tpu.vector_store %arg10[%swap3A_903, %swap3A_904], %swap3A_907 {strides = array<i32>} : memref<128x128xf32, #tpu.memory_space<vmem>>, vector<1x16xf32>,
        %mul3A_908 = arith.constant 16 : i32
        %mul3A_909 = arith.muli %add3A_69, %mul3A_908 : i32
        %add3A_910 = arith.constant 7 : i32
        %add3A_911 = arith.addi %mul3A_909, %add3A_910 : i32
        %get3A_912 = arith.index_cast %add3A_911 : i32 to index
        %get3A_913 = arith.constant 32 : index
        %get3A_914 = tpu.vector_load %arg10[%get3A_912, %get3A_913] {strides = array<i32>} : memref<128x128xf32, #tpu.memory_space<vmem>>, vector<1x16xf32>,
        %get3A_915 = vector.shape_cast %get3A_914 : vector<1x16xf32> to vector<16xf32>
        %mul3A_916 = arith.mulf %get3A_915, %broadcast_in_dim3A_879 : vector<16xf32>
        %swap3A_917 = arith.index_cast %add3A_911 : i32 to index
        %swap3A_918 = arith.constant 32 : index
        %swap3A_919 = tpu.vector_load %arg10[%swap3A_917, %swap3A_918] {strides = array<i32>} : memref<128x128xf32, #tpu.memory_space<vmem>>, vector<1x16xf32>,
        %swap3A_920 = vector.shape_cast %swap3A_919 : vector<1x16xf32> to vector<16xf32>
        %swap3A_921 = vector.shape_cast %mul3A_916 : vector<16xf32> to vector<1x16xf32>
        tpu.vector_store %arg10[%swap3A_917, %swap3A_918], %swap3A_921 {strides = array<i32>} : memref<128x128xf32, #tpu.memory_space<vmem>>, vector<1x16xf32>,
        %mul3A_922 = arith.constant 16 : i32
        %mul3A_923 = arith.muli %add3A_69, %mul3A_922 : i32
        %add3A_924 = arith.constant 7 : i32
        %add3A_925 = arith.addi %mul3A_923, %add3A_924 : i32
        %get3A_926 = arith.index_cast %add3A_925 : i32 to index
        %get3A_927 = arith.constant 48 : index
        %get3A_928 = tpu.vector_load %arg10[%get3A_926, %get3A_927] {strides = array<i32>} : memref<128x128xf32, #tpu.memory_space<vmem>>, vector<1x16xf32>,
        %get3A_929 = vector.shape_cast %get3A_928 : vector<1x16xf32> to vector<16xf32>
        %mul3A_930 = arith.mulf %get3A_929, %broadcast_in_dim3A_879 : vector<16xf32>
        %swap3A_931 = arith.index_cast %add3A_925 : i32 to index
        %swap3A_932 = arith.constant 48 : index
        %swap3A_933 = tpu.vector_load %arg10[%swap3A_931, %swap3A_932] {strides = array<i32>} : memref<128x128xf32, #tpu.memory_space<vmem>>, vector<1x16xf32>,
        %swap3A_934 = vector.shape_cast %swap3A_933 : vector<1x16xf32> to vector<16xf32>
        %swap3A_935 = vector.shape_cast %mul3A_930 : vector<16xf32> to vector<1x16xf32>
        tpu.vector_store %arg10[%swap3A_931, %swap3A_932], %swap3A_935 {strides = array<i32>} : memref<128x128xf32, #tpu.memory_space<vmem>>, vector<1x16xf32>,
        %mul3A_936 = arith.constant 16 : i32
        %mul3A_937 = arith.muli %add3A_69, %mul3A_936 : i32
        %add3A_938 = arith.constant 7 : i32
        %add3A_939 = arith.addi %mul3A_937, %add3A_938 : i32
        %get3A_940 = arith.index_cast %add3A_939 : i32 to index
        %get3A_941 = arith.constant 64 : index
        %get3A_942 = tpu.vector_load %arg10[%get3A_940, %get3A_941] {strides = array<i32>} : memref<128x128xf32, #tpu.memory_space<vmem>>, vector<1x16xf32>,
        %get3A_943 = vector.shape_cast %get3A_942 : vector<1x16xf32> to vector<16xf32>
        %mul3A_944 = arith.mulf %get3A_943, %broadcast_in_dim3A_879 : vector<16xf32>
        %swap3A_945 = arith.index_cast %add3A_939 : i32 to index
        %swap3A_946 = arith.constant 64 : index
        %swap3A_947 = tpu.vector_load %arg10[%swap3A_945, %swap3A_946] {strides = array<i32>} : memref<128x128xf32, #tpu.memory_space<vmem>>, vector<1x16xf32>,
        %swap3A_948 = vector.shape_cast %swap3A_947 : vector<1x16xf32> to vector<16xf32>
        %swap3A_949 = vector.shape_cast %mul3A_944 : vector<16xf32> to vector<1x16xf32>
        tpu.vector_store %arg10[%swap3A_945, %swap3A_946], %swap3A_949 {strides = array<i32>} : memref<128x128xf32, #tpu.memory_space<vmem>>, vector<1x16xf32>,
        %mul3A_950 = arith.constant 16 : i32
        %mul3A_951 = arith.muli %add3A_69, %mul3A_950 : i32
        %add3A_952 = arith.constant 7 : i32
        %add3A_953 = arith.addi %mul3A_951, %add3A_952 : i32
        %get3A_954 = arith.index_cast %add3A_953 : i32 to index
        %get3A_955 = arith.constant 80 : index
        %get3A_956 = tpu.vector_load %arg10[%get3A_954, %get3A_955] {strides = array<i32>} : memref<128x128xf32, #tpu.memory_space<vmem>>, vector<1x16xf32>,
        %get3A_957 = vector.shape_cast %get3A_956 : vector<1x16xf32> to vector<16xf32>
        %mul3A_958 = arith.mulf %get3A_957, %broadcast_in_dim3A_879 : vector<16xf32>
        %swap3A_959 = arith.index_cast %add3A_953 : i32 to index
        %swap3A_960 = arith.constant 80 : index
        %swap3A_961 = tpu.vector_load %arg10[%swap3A_959, %swap3A_960] {strides = array<i32>} : memref<128x128xf32, #tpu.memory_space<vmem>>, vector<1x16xf32>,
        %swap3A_962 = vector.shape_cast %swap3A_961 : vector<1x16xf32> to vector<16xf32>
        %swap3A_963 = vector.shape_cast %mul3A_958 : vector<16xf32> to vector<1x16xf32>
        tpu.vector_store %arg10[%swap3A_959, %swap3A_960], %swap3A_963 {strides = array<i32>} : memref<128x128xf32, #tpu.memory_space<vmem>>, vector<1x16xf32>,
        %mul3A_964 = arith.constant 16 : i32
        %mul3A_965 = arith.muli %add3A_69, %mul3A_964 : i32
        %add3A_966 = arith.constant 7 : i32
        %add3A_967 = arith.addi %mul3A_965, %add3A_966 : i32
        %get3A_968 = arith.index_cast %add3A_967 : i32 to index
        %get3A_969 = arith.constant 96 : index
        %get3A_970 = tpu.vector_load %arg10[%get3A_968, %get3A_969] {strides = array<i32>} : memref<128x128xf32, #tpu.memory_space<vmem>>, vector<1x16xf32>,
        %get3A_971 = vector.shape_cast %get3A_970 : vector<1x16xf32> to vector<16xf32>
        %mul3A_972 = arith.mulf %get3A_971, %broadcast_in_dim3A_879 : vector<16xf32>
        %swap3A_973 = arith.index_cast %add3A_967 : i32 to index
        %swap3A_974 = arith.constant 96 : index
        %swap3A_975 = tpu.vector_load %arg10[%swap3A_973, %swap3A_974] {strides = array<i32>} : memref<128x128xf32, #tpu.memory_space<vmem>>, vector<1x16xf32>,
        %swap3A_976 = vector.shape_cast %swap3A_975 : vector<1x16xf32> to vector<16xf32>
        %swap3A_977 = vector.shape_cast %mul3A_972 : vector<16xf32> to vector<1x16xf32>
        tpu.vector_store %arg10[%swap3A_973, %swap3A_974], %swap3A_977 {strides = array<i32>} : memref<128x128xf32, #tpu.memory_space<vmem>>, vector<1x16xf32>,
        %mul3A_978 = arith.constant 16 : i32
        %mul3A_979 = arith.muli %add3A_69, %mul3A_978 : i32
        %add3A_980 = arith.constant 7 : i32
        %add3A_981 = arith.addi %mul3A_979, %add3A_980 : i32
        %get3A_982 = arith.index_cast %add3A_981 : i32 to index
        %get3A_983 = arith.constant 112 : index
        %get3A_984 = tpu.vector_load %arg10[%get3A_982, %get3A_983] {strides = array<i32>} : memref<128x128xf32, #tpu.memory_space<vmem>>, vector<1x16xf32>,
        %get3A_985 = vector.shape_cast %get3A_984 : vector<1x16xf32> to vector<16xf32>
        %mul3A_986 = arith.mulf %get3A_985, %broadcast_in_dim3A_879 : vector<16xf32>
        %swap3A_987 = arith.index_cast %add3A_981 : i32 to index
        %swap3A_988 = arith.constant 112 : index
        %swap3A_989 = tpu.vector_load %arg10[%swap3A_987, %swap3A_988] {strides = array<i32>} : memref<128x128xf32, #tpu.memory_space<vmem>>, vector<1x16xf32>,
        %swap3A_990 = vector.shape_cast %swap3A_989 : vector<1x16xf32> to vector<16xf32>
        %swap3A_991 = vector.shape_cast %mul3A_986 : vector<16xf32> to vector<1x16xf32>
        tpu.vector_store %arg10[%swap3A_987, %swap3A_988], %swap3A_991 {strides = array<i32>} : memref<128x128xf32, #tpu.memory_space<vmem>>, vector<1x16xf32>,
        %slice3A_992 = vector.extract_strided_slice %get3A_74 {offsets = [8], sizes = [1], strides = [1]} : vector<16xf32> to vector<1xf32>
        %squeeze3A_993 = vector.extract %slice3A_992[0] : f32 from vector<1xf32>
        %broadcast_in_dim3A_994 = vector.broadcast %squeeze3A_993 : f32 to vector<16xf32>
        %mul3A_995 = arith.constant 16 : i32
        %mul3A_996 = arith.muli %add3A_69, %mul3A_995 : i32
        %add3A_997 = arith.constant 8 : i32
        %add3A_998 = arith.addi %mul3A_996, %add3A_997 : i32
        %get3A_999 = arith.index_cast %add3A_998 : i32 to index
        %get3A_1000 = arith.constant 0 : index
        %get3A_1001 = tpu.vector_load %arg10[%get3A_999, %get3A_1000] {strides = array<i32>} : memref<128x128xf32, #tpu.memory_space<vmem>>, vector<1x16xf32>,
        %get3A_1002 = vector.shape_cast %get3A_1001 : vector<1x16xf32> to vector<16xf32>
        %mul3A_1003 = arith.mulf %get3A_1002, %broadcast_in_dim3A_994 : vector<16xf32>
        %swap3A_1004 = arith.index_cast %add3A_998 : i32 to index
        %swap3A_1005 = arith.constant 0 : index
        %swap3A_1006 = tpu.vector_load %arg10[%swap3A_1004, %swap3A_1005] {strides = array<i32>} : memref<128x128xf32, #tpu.memory_space<vmem>>, vector<1x16xf32>,
        %swap3A_1007 = vector.shape_cast %swap3A_1006 : vector<1x16xf32> to vector<16xf32>
        %swap3A_1008 = vector.shape_cast %mul3A_1003 : vector<16xf32> to vector<1x16xf32>
        tpu.vector_store %arg10[%swap3A_1004, %swap3A_1005], %swap3A_1008 {strides = array<i32>} : memref<128x128xf32, #tpu.memory_space<vmem>>, vector<1x16xf32>,
        %mul3A_1009 = arith.constant 16 : i32
        %mul3A_1010 = arith.muli %add3A_69, %mul3A_1009 : i32
        %add3A_1011 = arith.constant 8 : i32
        %add3A_1012 = arith.addi %mul3A_1010, %add3A_1011 : i32
        %get3A_1013 = arith.index_cast %add3A_1012 : i32 to index
        %get3A_1014 = arith.constant 16 : index
        %get3A_1015 = tpu.vector_load %arg10[%get3A_1013, %get3A_1014] {strides = array<i32>} : memref<128x128xf32, #tpu.memory_space<vmem>>, vector<1x16xf32>,
        %get3A_1016 = vector.shape_cast %get3A_1015 : vector<1x16xf32> to vector<16xf32>
        %mul3A_1017 = arith.mulf %get3A_1016, %broadcast_in_dim3A_994 : vector<16xf32>
        %swap3A_1018 = arith.index_cast %add3A_1012 : i32 to index
        %swap3A_1019 = arith.constant 16 : index
        %swap3A_1020 = tpu.vector_load %arg10[%swap3A_1018, %swap3A_1019] {strides = array<i32>} : memref<128x128xf32, #tpu.memory_space<vmem>>, vector<1x16xf32>,
        %swap3A_1021 = vector.shape_cast %swap3A_1020 : vector<1x16xf32> to vector<16xf32>
        %swap3A_1022 = vector.shape_cast %mul3A_1017 : vector<16xf32> to vector<1x16xf32>
        tpu.vector_store %arg10[%swap3A_1018, %swap3A_1019], %swap3A_1022 {strides = array<i32>} : memref<128x128xf32, #tpu.memory_space<vmem>>, vector<1x16xf32>,
        %mul3A_1023 = arith.constant 16 : i32
        %mul3A_1024 = arith.muli %add3A_69, %mul3A_1023 : i32
        %add3A_1025 = arith.constant 8 : i32
        %add3A_1026 = arith.addi %mul3A_1024, %add3A_1025 : i32
        %get3A_1027 = arith.index_cast %add3A_1026 : i32 to index
        %get3A_1028 = arith.constant 32 : index
        %get3A_1029 = tpu.vector_load %arg10[%get3A_1027, %get3A_1028] {strides = array<i32>} : memref<128x128xf32, #tpu.memory_space<vmem>>, vector<1x16xf32>,
        %get3A_1030 = vector.shape_cast %get3A_1029 : vector<1x16xf32> to vector<16xf32>
        %mul3A_1031 = arith.mulf %get3A_1030, %broadcast_in_dim3A_994 : vector<16xf32>
        %swap3A_1032 = arith.index_cast %add3A_1026 : i32 to index
        %swap3A_1033 = arith.constant 32 : index
        %swap3A_1034 = tpu.vector_load %arg10[%swap3A_1032, %swap3A_1033] {strides = array<i32>} : memref<128x128xf32, #tpu.memory_space<vmem>>, vector<1x16xf32>,
        %swap3A_1035 = vector.shape_cast %swap3A_1034 : vector<1x16xf32> to vector<16xf32>
        %swap3A_1036 = vector.shape_cast %mul3A_1031 : vector<16xf32> to vector<1x16xf32>
        tpu.vector_store %arg10[%swap3A_1032, %swap3A_1033], %swap3A_1036 {strides = array<i32>} : memref<128x128xf32, #tpu.memory_space<vmem>>, vector<1x16xf32>,
        %mul3A_1037 = arith.constant 16 : i32
        %mul3A_1038 = arith.muli %add3A_69, %mul3A_1037 : i32
        %add3A_1039 = arith.constant 8 : i32
        %add3A_1040 = arith.addi %mul3A_1038, %add3A_1039 : i32
        %get3A_1041 = arith.index_cast %add3A_1040 : i32 to index
        %get3A_1042 = arith.constant 48 : index
        %get3A_1043 = tpu.vector_load %arg10[%get3A_1041, %get3A_1042] {strides = array<i32>} : memref<128x128xf32, #tpu.memory_space<vmem>>, vector<1x16xf32>,
        %get3A_1044 = vector.shape_cast %get3A_1043 : vector<1x16xf32> to vector<16xf32>
        %mul3A_1045 = arith.mulf %get3A_1044, %broadcast_in_dim3A_994 : vector<16xf32>
        %swap3A_1046 = arith.index_cast %add3A_1040 : i32 to index
        %swap3A_1047 = arith.constant 48 : index
        %swap3A_1048 = tpu.vector_load %arg10[%swap3A_1046, %swap3A_1047] {strides = array<i32>} : memref<128x128xf32, #tpu.memory_space<vmem>>, vector<1x16xf32>,
        %swap3A_1049 = vector.shape_cast %swap3A_1048 : vector<1x16xf32> to vector<16xf32>
        %swap3A_1050 = vector.shape_cast %mul3A_1045 : vector<16xf32> to vector<1x16xf32>
        tpu.vector_store %arg10[%swap3A_1046, %swap3A_1047], %swap3A_1050 {strides = array<i32>} : memref<128x128xf32, #tpu.memory_space<vmem>>, vector<1x16xf32>,
        %mul3A_1051 = arith.constant 16 : i32
        %mul3A_1052 = arith.muli %add3A_69, %mul3A_1051 : i32
        %add3A_1053 = arith.constant 8 : i32
        %add3A_1054 = arith.addi %mul3A_1052, %add3A_1053 : i32
        %get3A_1055 = arith.index_cast %add3A_1054 : i32 to index
        %get3A_1056 = arith.constant 64 : index
        %get3A_1057 = tpu.vector_load %arg10[%get3A_1055, %get3A_1056] {strides = array<i32>} : memref<128x128xf32, #tpu.memory_space<vmem>>, vector<1x16xf32>,
        %get3A_1058 = vector.shape_cast %get3A_1057 : vector<1x16xf32> to vector<16xf32>
        %mul3A_1059 = arith.mulf %get3A_1058, %broadcast_in_dim3A_994 : vector<16xf32>
        %swap3A_1060 = arith.index_cast %add3A_1054 : i32 to index
        %swap3A_1061 = arith.constant 64 : index
        %swap3A_1062 = tpu.vector_load %arg10[%swap3A_1060, %swap3A_1061] {strides = array<i32>} : memref<128x128xf32, #tpu.memory_space<vmem>>, vector<1x16xf32>,
        %swap3A_1063 = vector.shape_cast %swap3A_1062 : vector<1x16xf32> to vector<16xf32>
        %swap3A_1064 = vector.shape_cast %mul3A_1059 : vector<16xf32> to vector<1x16xf32>
        tpu.vector_store %arg10[%swap3A_1060, %swap3A_1061], %swap3A_1064 {strides = array<i32>} : memref<128x128xf32, #tpu.memory_space<vmem>>, vector<1x16xf32>,
        %mul3A_1065 = arith.constant 16 : i32
        %mul3A_1066 = arith.muli %add3A_69, %mul3A_1065 : i32
        %add3A_1067 = arith.constant 8 : i32
        %add3A_1068 = arith.addi %mul3A_1066, %add3A_1067 : i32
        %get3A_1069 = arith.index_cast %add3A_1068 : i32 to index
        %get3A_1070 = arith.constant 80 : index
        %get3A_1071 = tpu.vector_load %arg10[%get3A_1069, %get3A_1070] {strides = array<i32>} : memref<128x128xf32, #tpu.memory_space<vmem>>, vector<1x16xf32>,
        %get3A_1072 = vector.shape_cast %get3A_1071 : vector<1x16xf32> to vector<16xf32>
        %mul3A_1073 = arith.mulf %get3A_1072, %broadcast_in_dim3A_994 : vector<16xf32>
        %swap3A_1074 = arith.index_cast %add3A_1068 : i32 to index
        %swap3A_1075 = arith.constant 80 : index
        %swap3A_1076 = tpu.vector_load %arg10[%swap3A_1074, %swap3A_1075] {strides = array<i32>} : memref<128x128xf32, #tpu.memory_space<vmem>>, vector<1x16xf32>,
        %swap3A_1077 = vector.shape_cast %swap3A_1076 : vector<1x16xf32> to vector<16xf32>
        %swap3A_1078 = vector.shape_cast %mul3A_1073 : vector<16xf32> to vector<1x16xf32>
        tpu.vector_store %arg10[%swap3A_1074, %swap3A_1075], %swap3A_1078 {strides = array<i32>} : memref<128x128xf32, #tpu.memory_space<vmem>>, vector<1x16xf32>,
        %mul3A_1079 = arith.constant 16 : i32
        %mul3A_1080 = arith.muli %add3A_69, %mul3A_1079 : i32
        %add3A_1081 = arith.constant 8 : i32
        %add3A_1082 = arith.addi %mul3A_1080, %add3A_1081 : i32
        %get3A_1083 = arith.index_cast %add3A_1082 : i32 to index
        %get3A_1084 = arith.constant 96 : index
        %get3A_1085 = tpu.vector_load %arg10[%get3A_1083, %get3A_1084] {strides = array<i32>} : memref<128x128xf32, #tpu.memory_space<vmem>>, vector<1x16xf32>,
        %get3A_1086 = vector.shape_cast %get3A_1085 : vector<1x16xf32> to vector<16xf32>
        %mul3A_1087 = arith.mulf %get3A_1086, %broadcast_in_dim3A_994 : vector<16xf32>
        %swap3A_1088 = arith.index_cast %add3A_1082 : i32 to index
        %swap3A_1089 = arith.constant 96 : index
        %swap3A_1090 = tpu.vector_load %arg10[%swap3A_1088, %swap3A_1089] {strides = array<i32>} : memref<128x128xf32, #tpu.memory_space<vmem>>, vector<1x16xf32>,
        %swap3A_1091 = vector.shape_cast %swap3A_1090 : vector<1x16xf32> to vector<16xf32>
        %swap3A_1092 = vector.shape_cast %mul3A_1087 : vector<16xf32> to vector<1x16xf32>
        tpu.vector_store %arg10[%swap3A_1088, %swap3A_1089], %swap3A_1092 {strides = array<i32>} : memref<128x128xf32, #tpu.memory_space<vmem>>, vector<1x16xf32>,
        %mul3A_1093 = arith.constant 16 : i32
        %mul3A_1094 = arith.muli %add3A_69, %mul3A_1093 : i32
        %add3A_1095 = arith.constant 8 : i32
        %add3A_1096 = arith.addi %mul3A_1094, %add3A_1095 : i32
        %get3A_1097 = arith.index_cast %add3A_1096 : i32 to index
        %get3A_1098 = arith.constant 112 : index
        %get3A_1099 = tpu.vector_load %arg10[%get3A_1097, %get3A_1098] {strides = array<i32>} : memref<128x128xf32, #tpu.memory_space<vmem>>, vector<1x16xf32>,
        %get3A_1100 = vector.shape_cast %get3A_1099 : vector<1x16xf32> to vector<16xf32>
        %mul3A_1101 = arith.mulf %get3A_1100, %broadcast_in_dim3A_994 : vector<16xf32>
        %swap3A_1102 = arith.index_cast %add3A_1096 : i32 to index
        %swap3A_1103 = arith.constant 112 : index
        %swap3A_1104 = tpu.vector_load %arg10[%swap3A_1102, %swap3A_1103] {strides = array<i32>} : memref<128x128xf32, #tpu.memory_space<vmem>>, vector<1x16xf32>,
        %swap3A_1105 = vector.shape_cast %swap3A_1104 : vector<1x16xf32> to vector<16xf32>
        %swap3A_1106 = vector.shape_cast %mul3A_1101 : vector<16xf32> to vector<1x16xf32>
        tpu.vector_store %arg10[%swap3A_1102, %swap3A_1103], %swap3A_1106 {strides = array<i32>} : memref<128x128xf32, #tpu.memory_space<vmem>>, vector<1x16xf32>,
        %slice3A_1107 = vector.extract_strided_slice %get3A_74 {offsets = [9], sizes = [1], strides = [1]} : vector<16xf32> to vector<1xf32>
        %squeeze3A_1108 = vector.extract %slice3A_1107[0] : f32 from vector<1xf32>
        %broadcast_in_dim3A_1109 = vector.broadcast %squeeze3A_1108 : f32 to vector<16xf32>
        %mul3A_1110 = arith.constant 16 : i32
        %mul3A_1111 = arith.muli %add3A_69, %mul3A_1110 : i32
        %add3A_1112 = arith.constant 9 : i32
        %add3A_1113 = arith.addi %mul3A_1111, %add3A_1112 : i32
        %get3A_1114 = arith.index_cast %add3A_1113 : i32 to index
        %get3A_1115 = arith.constant 0 : index
        %get3A_1116 = tpu.vector_load %arg10[%get3A_1114, %get3A_1115] {strides = array<i32>} : memref<128x128xf32, #tpu.memory_space<vmem>>, vector<1x16xf32>,
        %get3A_1117 = vector.shape_cast %get3A_1116 : vector<1x16xf32> to vector<16xf32>
        %mul3A_1118 = arith.mulf %get3A_1117, %broadcast_in_dim3A_1109 : vector<16xf32>
        %swap3A_1119 = arith.index_cast %add3A_1113 : i32 to index
        %swap3A_1120 = arith.constant 0 : index
        %swap3A_1121 = tpu.vector_load %arg10[%swap3A_1119, %swap3A_1120] {strides = array<i32>} : memref<128x128xf32, #tpu.memory_space<vmem>>, vector<1x16xf32>,
        %swap3A_1122 = vector.shape_cast %swap3A_1121 : vector<1x16xf32> to vector<16xf32>
        %swap3A_1123 = vector.shape_cast %mul3A_1118 : vector<16xf32> to vector<1x16xf32>
        tpu.vector_store %arg10[%swap3A_1119, %swap3A_1120], %swap3A_1123 {strides = array<i32>} : memref<128x128xf32, #tpu.memory_space<vmem>>, vector<1x16xf32>,
        %mul3A_1124 = arith.constant 16 : i32
        %mul3A_1125 = arith.muli %add3A_69, %mul3A_1124 : i32
        %add3A_1126 = arith.constant 9 : i32
        %add3A_1127 = arith.addi %mul3A_1125, %add3A_1126 : i32
        %get3A_1128 = arith.index_cast %add3A_1127 : i32 to index
        %get3A_1129 = arith.constant 16 : index
        %get3A_1130 = tpu.vector_load %arg10[%get3A_1128, %get3A_1129] {strides = array<i32>} : memref<128x128xf32, #tpu.memory_space<vmem>>, vector<1x16xf32>,
        %get3A_1131 = vector.shape_cast %get3A_1130 : vector<1x16xf32> to vector<16xf32>
        %mul3A_1132 = arith.mulf %get3A_1131, %broadcast_in_dim3A_1109 : vector<16xf32>
        %swap3A_1133 = arith.index_cast %add3A_1127 : i32 to index
        %swap3A_1134 = arith.constant 16 : index
        %swap3A_1135 = tpu.vector_load %arg10[%swap3A_1133, %swap3A_1134] {strides = array<i32>} : memref<128x128xf32, #tpu.memory_space<vmem>>, vector<1x16xf32>,
        %swap3A_1136 = vector.shape_cast %swap3A_1135 : vector<1x16xf32> to vector<16xf32>
        %swap3A_1137 = vector.shape_cast %mul3A_1132 : vector<16xf32> to vector<1x16xf32>
        tpu.vector_store %arg10[%swap3A_1133, %swap3A_1134], %swap3A_1137 {strides = array<i32>} : memref<128x128xf32, #tpu.memory_space<vmem>>, vector<1x16xf32>,
        %mul3A_1138 = arith.constant 16 : i32
        %mul3A_1139 = arith.muli %add3A_69, %mul3A_1138 : i32
        %add3A_1140 = arith.constant 9 : i32
        %add3A_1141 = arith.addi %mul3A_1139, %add3A_1140 : i32
        %get3A_1142 = arith.index_cast %add3A_1141 : i32 to index
        %get3A_1143 = arith.constant 32 : index
        %get3A_1144 = tpu.vector_load %arg10[%get3A_1142, %get3A_1143] {strides = array<i32>} : memref<128x128xf32, #tpu.memory_space<vmem>>, vector<1x16xf32>,
        %get3A_1145 = vector.shape_cast %get3A_1144 : vector<1x16xf32> to vector<16xf32>
        %mul3A_1146 = arith.mulf %get3A_1145, %broadcast_in_dim3A_1109 : vector<16xf32>
        %swap3A_1147 = arith.index_cast %add3A_1141 : i32 to index
        %swap3A_1148 = arith.constant 32 : index
        %swap3A_1149 = tpu.vector_load %arg10[%swap3A_1147, %swap3A_1148] {strides = array<i32>} : memref<128x128xf32, #tpu.memory_space<vmem>>, vector<1x16xf32>,
        %swap3A_1150 = vector.shape_cast %swap3A_1149 : vector<1x16xf32> to vector<16xf32>
        %swap3A_1151 = vector.shape_cast %mul3A_1146 : vector<16xf32> to vector<1x16xf32>
        tpu.vector_store %arg10[%swap3A_1147, %swap3A_1148], %swap3A_1151 {strides = array<i32>} : memref<128x128xf32, #tpu.memory_space<vmem>>, vector<1x16xf32>,
        %mul3A_1152 = arith.constant 16 : i32
        %mul3A_1153 = arith.muli %add3A_69, %mul3A_1152 : i32
        %add3A_1154 = arith.constant 9 : i32
        %add3A_1155 = arith.addi %mul3A_1153, %add3A_1154 : i32
        %get3A_1156 = arith.index_cast %add3A_1155 : i32 to index
        %get3A_1157 = arith.constant 48 : index
        %get3A_1158 = tpu.vector_load %arg10[%get3A_1156, %get3A_1157] {strides = array<i32>} : memref<128x128xf32, #tpu.memory_space<vmem>>, vector<1x16xf32>,
        %get3A_1159 = vector.shape_cast %get3A_1158 : vector<1x16xf32> to vector<16xf32>
        %mul3A_1160 = arith.mulf %get3A_1159, %broadcast_in_dim3A_1109 : vector<16xf32>
        %swap3A_1161 = arith.index_cast %add3A_1155 : i32 to index
        %swap3A_1162 = arith.constant 48 : index
        %swap3A_1163 = tpu.vector_load %arg10[%swap3A_1161, %swap3A_1162] {strides = array<i32>} : memref<128x128xf32, #tpu.memory_space<vmem>>, vector<1x16xf32>,
        %swap3A_1164 = vector.shape_cast %swap3A_1163 : vector<1x16xf32> to vector<16xf32>
        %swap3A_1165 = vector.shape_cast %mul3A_1160 : vector<16xf32> to vector<1x16xf32>
        tpu.vector_store %arg10[%swap3A_1161, %swap3A_1162], %swap3A_1165 {strides = array<i32>} : memref<128x128xf32, #tpu.memory_space<vmem>>, vector<1x16xf32>,
        %mul3A_1166 = arith.constant 16 : i32
        %mul3A_1167 = arith.muli %add3A_69, %mul3A_1166 : i32
        %add3A_1168 = arith.constant 9 : i32
        %add3A_1169 = arith.addi %mul3A_1167, %add3A_1168 : i32
        %get3A_1170 = arith.index_cast %add3A_1169 : i32 to index
        %get3A_1171 = arith.constant 64 : index
        %get3A_1172 = tpu.vector_load %arg10[%get3A_1170, %get3A_1171] {strides = array<i32>} : memref<128x128xf32, #tpu.memory_space<vmem>>, vector<1x16xf32>,
        %get3A_1173 = vector.shape_cast %get3A_1172 : vector<1x16xf32> to vector<16xf32>
        %mul3A_1174 = arith.mulf %get3A_1173, %broadcast_in_dim3A_1109 : vector<16xf32>
        %swap3A_1175 = arith.index_cast %add3A_1169 : i32 to index
        %swap3A_1176 = arith.constant 64 : index
        %swap3A_1177 = tpu.vector_load %arg10[%swap3A_1175, %swap3A_1176] {strides = array<i32>} : memref<128x128xf32, #tpu.memory_space<vmem>>, vector<1x16xf32>,
        %swap3A_1178 = vector.shape_cast %swap3A_1177 : vector<1x16xf32> to vector<16xf32>
        %swap3A_1179 = vector.shape_cast %mul3A_1174 : vector<16xf32> to vector<1x16xf32>
        tpu.vector_store %arg10[%swap3A_1175, %swap3A_1176], %swap3A_1179 {strides = array<i32>} : memref<128x128xf32, #tpu.memory_space<vmem>>, vector<1x16xf32>,
        %mul3A_1180 = arith.constant 16 : i32
        %mul3A_1181 = arith.muli %add3A_69, %mul3A_1180 : i32
        %add3A_1182 = arith.constant 9 : i32
        %add3A_1183 = arith.addi %mul3A_1181, %add3A_1182 : i32
        %get3A_1184 = arith.index_cast %add3A_1183 : i32 to index
        %get3A_1185 = arith.constant 80 : index
        %get3A_1186 = tpu.vector_load %arg10[%get3A_1184, %get3A_1185] {strides = array<i32>} : memref<128x128xf32, #tpu.memory_space<vmem>>, vector<1x16xf32>,
        %get3A_1187 = vector.shape_cast %get3A_1186 : vector<1x16xf32> to vector<16xf32>
        %mul3A_1188 = arith.mulf %get3A_1187, %broadcast_in_dim3A_1109 : vector<16xf32>
        %swap3A_1189 = arith.index_cast %add3A_1183 : i32 to index
        %swap3A_1190 = arith.constant 80 : index
        %swap3A_1191 = tpu.vector_load %arg10[%swap3A_1189, %swap3A_1190] {strides = array<i32>} : memref<128x128xf32, #tpu.memory_space<vmem>>, vector<1x16xf32>,
        %swap3A_1192 = vector.shape_cast %swap3A_1191 : vector<1x16xf32> to vector<16xf32>
        %swap3A_1193 = vector.shape_cast %mul3A_1188 : vector<16xf32> to vector<1x16xf32>
        tpu.vector_store %arg10[%swap3A_1189, %swap3A_1190], %swap3A_1193 {strides = array<i32>} : memref<128x128xf32, #tpu.memory_space<vmem>>, vector<1x16xf32>,
        %mul3A_1194 = arith.constant 16 : i32
        %mul3A_1195 = arith.muli %add3A_69, %mul3A_1194 : i32
        %add3A_1196 = arith.constant 9 : i32
        %add3A_1197 = arith.addi %mul3A_1195, %add3A_1196 : i32
        %get3A_1198 = arith.index_cast %add3A_1197 : i32 to index
        %get3A_1199 = arith.constant 96 : index
        %get3A_1200 = tpu.vector_load %arg10[%get3A_1198, %get3A_1199] {strides = array<i32>} : memref<128x128xf32, #tpu.memory_space<vmem>>, vector<1x16xf32>,
        %get3A_1201 = vector.shape_cast %get3A_1200 : vector<1x16xf32> to vector<16xf32>
        %mul3A_1202 = arith.mulf %get3A_1201, %broadcast_in_dim3A_1109 : vector<16xf32>
        %swap3A_1203 = arith.index_cast %add3A_1197 : i32 to index
        %swap3A_1204 = arith.constant 96 : index
        %swap3A_1205 = tpu.vector_load %arg10[%swap3A_1203, %swap3A_1204] {strides = array<i32>} : memref<128x128xf32, #tpu.memory_space<vmem>>, vector<1x16xf32>,
        %swap3A_1206 = vector.shape_cast %swap3A_1205 : vector<1x16xf32> to vector<16xf32>
        %swap3A_1207 = vector.shape_cast %mul3A_1202 : vector<16xf32> to vector<1x16xf32>
        tpu.vector_store %arg10[%swap3A_1203, %swap3A_1204], %swap3A_1207 {strides = array<i32>} : memref<128x128xf32, #tpu.memory_space<vmem>>, vector<1x16xf32>,
        %mul3A_1208 = arith.constant 16 : i32
        %mul3A_1209 = arith.muli %add3A_69, %mul3A_1208 : i32
        %add3A_1210 = arith.constant 9 : i32
        %add3A_1211 = arith.addi %mul3A_1209, %add3A_1210 : i32
        %get3A_1212 = arith.index_cast %add3A_1211 : i32 to index
        %get3A_1213 = arith.constant 112 : index
        %get3A_1214 = tpu.vector_load %arg10[%get3A_1212, %get3A_1213] {strides = array<i32>} : memref<128x128xf32, #tpu.memory_space<vmem>>, vector<1x16xf32>,
        %get3A_1215 = vector.shape_cast %get3A_1214 : vector<1x16xf32> to vector<16xf32>
        %mul3A_1216 = arith.mulf %get3A_1215, %broadcast_in_dim3A_1109 : vector<16xf32>
        %swap3A_1217 = arith.index_cast %add3A_1211 : i32 to index
        %swap3A_1218 = arith.constant 112 : index
        %swap3A_1219 = tpu.vector_load %arg10[%swap3A_1217, %swap3A_1218] {strides = array<i32>} : memref<128x128xf32, #tpu.memory_space<vmem>>, vector<1x16xf32>,
        %swap3A_1220 = vector.shape_cast %swap3A_1219 : vector<1x16xf32> to vector<16xf32>
        %swap3A_1221 = vector.shape_cast %mul3A_1216 : vector<16xf32> to vector<1x16xf32>
        tpu.vector_store %arg10[%swap3A_1217, %swap3A_1218], %swap3A_1221 {strides = array<i32>} : memref<128x128xf32, #tpu.memory_space<vmem>>, vector<1x16xf32>,
        %slice3A_1222 = vector.extract_strided_slice %get3A_74 {offsets = [10], sizes = [1], strides = [1]} : vector<16xf32> to vector<1xf32>
        %squeeze3A_1223 = vector.extract %slice3A_1222[0] : f32 from vector<1xf32>
        %broadcast_in_dim3A_1224 = vector.broadcast %squeeze3A_1223 : f32 to vector<16xf32>
        %mul3A_1225 = arith.constant 16 : i32
        %mul3A_1226 = arith.muli %add3A_69, %mul3A_1225 : i32
        %add3A_1227 = arith.constant 10 : i32
        %add3A_1228 = arith.addi %mul3A_1226, %add3A_1227 : i32
        %get3A_1229 = arith.index_cast %add3A_1228 : i32 to index
        %get3A_1230 = arith.constant 0 : index
        %get3A_1231 = tpu.vector_load %arg10[%get3A_1229, %get3A_1230] {strides = array<i32>} : memref<128x128xf32, #tpu.memory_space<vmem>>, vector<1x16xf32>,
        %get3A_1232 = vector.shape_cast %get3A_1231 : vector<1x16xf32> to vector<16xf32>
        %mul3A_1233 = arith.mulf %get3A_1232, %broadcast_in_dim3A_1224 : vector<16xf32>
        %swap3A_1234 = arith.index_cast %add3A_1228 : i32 to index
        %swap3A_1235 = arith.constant 0 : index
        %swap3A_1236 = tpu.vector_load %arg10[%swap3A_1234, %swap3A_1235] {strides = array<i32>} : memref<128x128xf32, #tpu.memory_space<vmem>>, vector<1x16xf32>,
        %swap3A_1237 = vector.shape_cast %swap3A_1236 : vector<1x16xf32> to vector<16xf32>
        %swap3A_1238 = vector.shape_cast %mul3A_1233 : vector<16xf32> to vector<1x16xf32>
        tpu.vector_store %arg10[%swap3A_1234, %swap3A_1235], %swap3A_1238 {strides = array<i32>} : memref<128x128xf32, #tpu.memory_space<vmem>>, vector<1x16xf32>,
        %mul3A_1239 = arith.constant 16 : i32
        %mul3A_1240 = arith.muli %add3A_69, %mul3A_1239 : i32
        %add3A_1241 = arith.constant 10 : i32
        %add3A_1242 = arith.addi %mul3A_1240, %add3A_1241 : i32
        %get3A_1243 = arith.index_cast %add3A_1242 : i32 to index
        %get3A_1244 = arith.constant 16 : index
        %get3A_1245 = tpu.vector_load %arg10[%get3A_1243, %get3A_1244] {strides = array<i32>} : memref<128x128xf32, #tpu.memory_space<vmem>>, vector<1x16xf32>,
        %get3A_1246 = vector.shape_cast %get3A_1245 : vector<1x16xf32> to vector<16xf32>
        %mul3A_1247 = arith.mulf %get3A_1246, %broadcast_in_dim3A_1224 : vector<16xf32>
        %swap3A_1248 = arith.index_cast %add3A_1242 : i32 to index
        %swap3A_1249 = arith.constant 16 : index
        %swap3A_1250 = tpu.vector_load %arg10[%swap3A_1248, %swap3A_1249] {strides = array<i32>} : memref<128x128xf32, #tpu.memory_space<vmem>>, vector<1x16xf32>,
        %swap3A_1251 = vector.shape_cast %swap3A_1250 : vector<1x16xf32> to vector<16xf32>
        %swap3A_1252 = vector.shape_cast %mul3A_1247 : vector<16xf32> to vector<1x16xf32>
        tpu.vector_store %arg10[%swap3A_1248, %swap3A_1249], %swap3A_1252 {strides = array<i32>} : memref<128x128xf32, #tpu.memory_space<vmem>>, vector<1x16xf32>,
        %mul3A_1253 = arith.constant 16 : i32
        %mul3A_1254 = arith.muli %add3A_69, %mul3A_1253 : i32
        %add3A_1255 = arith.constant 10 : i32
        %add3A_1256 = arith.addi %mul3A_1254, %add3A_1255 : i32
        %get3A_1257 = arith.index_cast %add3A_1256 : i32 to index
        %get3A_1258 = arith.constant 32 : index
        %get3A_1259 = tpu.vector_load %arg10[%get3A_1257, %get3A_1258] {strides = array<i32>} : memref<128x128xf32, #tpu.memory_space<vmem>>, vector<1x16xf32>,
        %get3A_1260 = vector.shape_cast %get3A_1259 : vector<1x16xf32> to vector<16xf32>
        %mul3A_1261 = arith.mulf %get3A_1260, %broadcast_in_dim3A_1224 : vector<16xf32>
        %swap3A_1262 = arith.index_cast %add3A_1256 : i32 to index
        %swap3A_1263 = arith.constant 32 : index
        %swap3A_1264 = tpu.vector_load %arg10[%swap3A_1262, %swap3A_1263] {strides = array<i32>} : memref<128x128xf32, #tpu.memory_space<vmem>>, vector<1x16xf32>,
        %swap3A_1265 = vector.shape_cast %swap3A_1264 : vector<1x16xf32> to vector<16xf32>
        %swap3A_1266 = vector.shape_cast %mul3A_1261 : vector<16xf32> to vector<1x16xf32>
        tpu.vector_store %arg10[%swap3A_1262, %swap3A_1263], %swap3A_1266 {strides = array<i32>} : memref<128x128xf32, #tpu.memory_space<vmem>>, vector<1x16xf32>,
        %mul3A_1267 = arith.constant 16 : i32
        %mul3A_1268 = arith.muli %add3A_69, %mul3A_1267 : i32
        %add3A_1269 = arith.constant 10 : i32
        %add3A_1270 = arith.addi %mul3A_1268, %add3A_1269 : i32
        %get3A_1271 = arith.index_cast %add3A_1270 : i32 to index
        %get3A_1272 = arith.constant 48 : index
        %get3A_1273 = tpu.vector_load %arg10[%get3A_1271, %get3A_1272] {strides = array<i32>} : memref<128x128xf32, #tpu.memory_space<vmem>>, vector<1x16xf32>,
        %get3A_1274 = vector.shape_cast %get3A_1273 : vector<1x16xf32> to vector<16xf32>
        %mul3A_1275 = arith.mulf %get3A_1274, %broadcast_in_dim3A_1224 : vector<16xf32>
        %swap3A_1276 = arith.index_cast %add3A_1270 : i32 to index
        %swap3A_1277 = arith.constant 48 : index
        %swap3A_1278 = tpu.vector_load %arg10[%swap3A_1276, %swap3A_1277] {strides = array<i32>} : memref<128x128xf32, #tpu.memory_space<vmem>>, vector<1x16xf32>,
        %swap3A_1279 = vector.shape_cast %swap3A_1278 : vector<1x16xf32> to vector<16xf32>
        %swap3A_1280 = vector.shape_cast %mul3A_1275 : vector<16xf32> to vector<1x16xf32>
        tpu.vector_store %arg10[%swap3A_1276, %swap3A_1277], %swap3A_1280 {strides = array<i32>} : memref<128x128xf32, #tpu.memory_space<vmem>>, vector<1x16xf32>,
        %mul3A_1281 = arith.constant 16 : i32
        %mul3A_1282 = arith.muli %add3A_69, %mul3A_1281 : i32
        %add3A_1283 = arith.constant 10 : i32
        %add3A_1284 = arith.addi %mul3A_1282, %add3A_1283 : i32
        %get3A_1285 = arith.index_cast %add3A_1284 : i32 to index
        %get3A_1286 = arith.constant 64 : index
        %get3A_1287 = tpu.vector_load %arg10[%get3A_1285, %get3A_1286] {strides = array<i32>} : memref<128x128xf32, #tpu.memory_space<vmem>>, vector<1x16xf32>,
        %get3A_1288 = vector.shape_cast %get3A_1287 : vector<1x16xf32> to vector<16xf32>
        %mul3A_1289 = arith.mulf %get3A_1288, %broadcast_in_dim3A_1224 : vector<16xf32>
        %swap3A_1290 = arith.index_cast %add3A_1284 : i32 to index
        %swap3A_1291 = arith.constant 64 : index
        %swap3A_1292 = tpu.vector_load %arg10[%swap3A_1290, %swap3A_1291] {strides = array<i32>} : memref<128x128xf32, #tpu.memory_space<vmem>>, vector<1x16xf32>,
        %swap3A_1293 = vector.shape_cast %swap3A_1292 : vector<1x16xf32> to vector<16xf32>
        %swap3A_1294 = vector.shape_cast %mul3A_1289 : vector<16xf32> to vector<1x16xf32>
        tpu.vector_store %arg10[%swap3A_1290, %swap3A_1291], %swap3A_1294 {strides = array<i32>} : memref<128x128xf32, #tpu.memory_space<vmem>>, vector<1x16xf32>,
        %mul3A_1295 = arith.constant 16 : i32
        %mul3A_1296 = arith.muli %add3A_69, %mul3A_1295 : i32
        %add3A_1297 = arith.constant 10 : i32
        %add3A_1298 = arith.addi %mul3A_1296, %add3A_1297 : i32
        %get3A_1299 = arith.index_cast %add3A_1298 : i32 to index
        %get3A_1300 = arith.constant 80 : index
        %get3A_1301 = tpu.vector_load %arg10[%get3A_1299, %get3A_1300] {strides = array<i32>} : memref<128x128xf32, #tpu.memory_space<vmem>>, vector<1x16xf32>,
        %get3A_1302 = vector.shape_cast %get3A_1301 : vector<1x16xf32> to vector<16xf32>
        %mul3A_1303 = arith.mulf %get3A_1302, %broadcast_in_dim3A_1224 : vector<16xf32>
        %swap3A_1304 = arith.index_cast %add3A_1298 : i32 to index
        %swap3A_1305 = arith.constant 80 : index
        %swap3A_1306 = tpu.vector_load %arg10[%swap3A_1304, %swap3A_1305] {strides = array<i32>} : memref<128x128xf32, #tpu.memory_space<vmem>>, vector<1x16xf32>,
        %swap3A_1307 = vector.shape_cast %swap3A_1306 : vector<1x16xf32> to vector<16xf32>
        %swap3A_1308 = vector.shape_cast %mul3A_1303 : vector<16xf32> to vector<1x16xf32>
        tpu.vector_store %arg10[%swap3A_1304, %swap3A_1305], %swap3A_1308 {strides = array<i32>} : memref<128x128xf32, #tpu.memory_space<vmem>>, vector<1x16xf32>,
        %mul3A_1309 = arith.constant 16 : i32
        %mul3A_1310 = arith.muli %add3A_69, %mul3A_1309 : i32
        %add3A_1311 = arith.constant 10 : i32
        %add3A_1312 = arith.addi %mul3A_1310, %add3A_1311 : i32
        %get3A_1313 = arith.index_cast %add3A_1312 : i32 to index
        %get3A_1314 = arith.constant 96 : index
        %get3A_1315 = tpu.vector_load %arg10[%get3A_1313, %get3A_1314] {strides = array<i32>} : memref<128x128xf32, #tpu.memory_space<vmem>>, vector<1x16xf32>,
        %get3A_1316 = vector.shape_cast %get3A_1315 : vector<1x16xf32> to vector<16xf32>
        %mul3A_1317 = arith.mulf %get3A_1316, %broadcast_in_dim3A_1224 : vector<16xf32>
        %swap3A_1318 = arith.index_cast %add3A_1312 : i32 to index
        %swap3A_1319 = arith.constant 96 : index
        %swap3A_1320 = tpu.vector_load %arg10[%swap3A_1318, %swap3A_1319] {strides = array<i32>} : memref<128x128xf32, #tpu.memory_space<vmem>>, vector<1x16xf32>,
        %swap3A_1321 = vector.shape_cast %swap3A_1320 : vector<1x16xf32> to vector<16xf32>
        %swap3A_1322 = vector.shape_cast %mul3A_1317 : vector<16xf32> to vector<1x16xf32>
        tpu.vector_store %arg10[%swap3A_1318, %swap3A_1319], %swap3A_1322 {strides = array<i32>} : memref<128x128xf32, #tpu.memory_space<vmem>>, vector<1x16xf32>,
        %mul3A_1323 = arith.constant 16 : i32
        %mul3A_1324 = arith.muli %add3A_69, %mul3A_1323 : i32
        %add3A_1325 = arith.constant 10 : i32
        %add3A_1326 = arith.addi %mul3A_1324, %add3A_1325 : i32
        %get3A_1327 = arith.index_cast %add3A_1326 : i32 to index
        %get3A_1328 = arith.constant 112 : index
        %get3A_1329 = tpu.vector_load %arg10[%get3A_1327, %get3A_1328] {strides = array<i32>} : memref<128x128xf32, #tpu.memory_space<vmem>>, vector<1x16xf32>,
        %get3A_1330 = vector.shape_cast %get3A_1329 : vector<1x16xf32> to vector<16xf32>
        %mul3A_1331 = arith.mulf %get3A_1330, %broadcast_in_dim3A_1224 : vector<16xf32>
        %swap3A_1332 = arith.index_cast %add3A_1326 : i32 to index
        %swap3A_1333 = arith.constant 112 : index
        %swap3A_1334 = tpu.vector_load %arg10[%swap3A_1332, %swap3A_1333] {strides = array<i32>} : memref<128x128xf32, #tpu.memory_space<vmem>>, vector<1x16xf32>,
        %swap3A_1335 = vector.shape_cast %swap3A_1334 : vector<1x16xf32> to vector<16xf32>
        %swap3A_1336 = vector.shape_cast %mul3A_1331 : vector<16xf32> to vector<1x16xf32>
        tpu.vector_store %arg10[%swap3A_1332, %swap3A_1333], %swap3A_1336 {strides = array<i32>} : memref<128x128xf32, #tpu.memory_space<vmem>>, vector<1x16xf32>,
        %slice3A_1337 = vector.extract_strided_slice %get3A_74 {offsets = [11], sizes = [1], strides = [1]} : vector<16xf32> to vector<1xf32>
        %squeeze3A_1338 = vector.extract %slice3A_1337[0] : f32 from vector<1xf32>
        %broadcast_in_dim3A_1339 = vector.broadcast %squeeze3A_1338 : f32 to vector<16xf32>
        %mul3A_1340 = arith.constant 16 : i32
        %mul3A_1341 = arith.muli %add3A_69, %mul3A_1340 : i32
        %add3A_1342 = arith.constant 11 : i32
        %add3A_1343 = arith.addi %mul3A_1341, %add3A_1342 : i32
        %get3A_1344 = arith.index_cast %add3A_1343 : i32 to index
        %get3A_1345 = arith.constant 0 : index
        %get3A_1346 = tpu.vector_load %arg10[%get3A_1344, %get3A_1345] {strides = array<i32>} : memref<128x128xf32, #tpu.memory_space<vmem>>, vector<1x16xf32>,
        %get3A_1347 = vector.shape_cast %get3A_1346 : vector<1x16xf32> to vector<16xf32>
        %mul3A_1348 = arith.mulf %get3A_1347, %broadcast_in_dim3A_1339 : vector<16xf32>
        %swap3A_1349 = arith.index_cast %add3A_1343 : i32 to index
        %swap3A_1350 = arith.constant 0 : index
        %swap3A_1351 = tpu.vector_load %arg10[%swap3A_1349, %swap3A_1350] {strides = array<i32>} : memref<128x128xf32, #tpu.memory_space<vmem>>, vector<1x16xf32>,
        %swap3A_1352 = vector.shape_cast %swap3A_1351 : vector<1x16xf32> to vector<16xf32>
        %swap3A_1353 = vector.shape_cast %mul3A_1348 : vector<16xf32> to vector<1x16xf32>
        tpu.vector_store %arg10[%swap3A_1349, %swap3A_1350], %swap3A_1353 {strides = array<i32>} : memref<128x128xf32, #tpu.memory_space<vmem>>, vector<1x16xf32>,
        %mul3A_1354 = arith.constant 16 : i32
        %mul3A_1355 = arith.muli %add3A_69, %mul3A_1354 : i32
        %add3A_1356 = arith.constant 11 : i32
        %add3A_1357 = arith.addi %mul3A_1355, %add3A_1356 : i32
        %get3A_1358 = arith.index_cast %add3A_1357 : i32 to index
        %get3A_1359 = arith.constant 16 : index
        %get3A_1360 = tpu.vector_load %arg10[%get3A_1358, %get3A_1359] {strides = array<i32>} : memref<128x128xf32, #tpu.memory_space<vmem>>, vector<1x16xf32>,
        %get3A_1361 = vector.shape_cast %get3A_1360 : vector<1x16xf32> to vector<16xf32>
        %mul3A_1362 = arith.mulf %get3A_1361, %broadcast_in_dim3A_1339 : vector<16xf32>
        %swap3A_1363 = arith.index_cast %add3A_1357 : i32 to index
        %swap3A_1364 = arith.constant 16 : index
        %swap3A_1365 = tpu.vector_load %arg10[%swap3A_1363, %swap3A_1364] {strides = array<i32>} : memref<128x128xf32, #tpu.memory_space<vmem>>, vector<1x16xf32>,
        %swap3A_1366 = vector.shape_cast %swap3A_1365 : vector<1x16xf32> to vector<16xf32>
        %swap3A_1367 = vector.shape_cast %mul3A_1362 : vector<16xf32> to vector<1x16xf32>
        tpu.vector_store %arg10[%swap3A_1363, %swap3A_1364], %swap3A_1367 {strides = array<i32>} : memref<128x128xf32, #tpu.memory_space<vmem>>, vector<1x16xf32>,
        %mul3A_1368 = arith.constant 16 : i32
        %mul3A_1369 = arith.muli %add3A_69, %mul3A_1368 : i32
        %add3A_1370 = arith.constant 11 : i32
        %add3A_1371 = arith.addi %mul3A_1369, %add3A_1370 : i32
        %get3A_1372 = arith.index_cast %add3A_1371 : i32 to index
        %get3A_1373 = arith.constant 32 : index
        %get3A_1374 = tpu.vector_load %arg10[%get3A_1372, %get3A_1373] {strides = array<i32>} : memref<128x128xf32, #tpu.memory_space<vmem>>, vector<1x16xf32>,
        %get3A_1375 = vector.shape_cast %get3A_1374 : vector<1x16xf32> to vector<16xf32>
        %mul3A_1376 = arith.mulf %get3A_1375, %broadcast_in_dim3A_1339 : vector<16xf32>
        %swap3A_1377 = arith.index_cast %add3A_1371 : i32 to index
        %swap3A_1378 = arith.constant 32 : index
        %swap3A_1379 = tpu.vector_load %arg10[%swap3A_1377, %swap3A_1378] {strides = array<i32>} : memref<128x128xf32, #tpu.memory_space<vmem>>, vector<1x16xf32>,
        %swap3A_1380 = vector.shape_cast %swap3A_1379 : vector<1x16xf32> to vector<16xf32>
        %swap3A_1381 = vector.shape_cast %mul3A_1376 : vector<16xf32> to vector<1x16xf32>
        tpu.vector_store %arg10[%swap3A_1377, %swap3A_1378], %swap3A_1381 {strides = array<i32>} : memref<128x128xf32, #tpu.memory_space<vmem>>, vector<1x16xf32>,
        %mul3A_1382 = arith.constant 16 : i32
        %mul3A_1383 = arith.muli %add3A_69, %mul3A_1382 : i32
        %add3A_1384 = arith.constant 11 : i32
        %add3A_1385 = arith.addi %mul3A_1383, %add3A_1384 : i32
        %get3A_1386 = arith.index_cast %add3A_1385 : i32 to index
        %get3A_1387 = arith.constant 48 : index
        %get3A_1388 = tpu.vector_load %arg10[%get3A_1386, %get3A_1387] {strides = array<i32>} : memref<128x128xf32, #tpu.memory_space<vmem>>, vector<1x16xf32>,
        %get3A_1389 = vector.shape_cast %get3A_1388 : vector<1x16xf32> to vector<16xf32>
        %mul3A_1390 = arith.mulf %get3A_1389, %broadcast_in_dim3A_1339 : vector<16xf32>
        %swap3A_1391 = arith.index_cast %add3A_1385 : i32 to index
        %swap3A_1392 = arith.constant 48 : index
        %swap3A_1393 = tpu.vector_load %arg10[%swap3A_1391, %swap3A_1392] {strides = array<i32>} : memref<128x128xf32, #tpu.memory_space<vmem>>, vector<1x16xf32>,
        %swap3A_1394 = vector.shape_cast %swap3A_1393 : vector<1x16xf32> to vector<16xf32>
        %swap3A_1395 = vector.shape_cast %mul3A_1390 : vector<16xf32> to vector<1x16xf32>
        tpu.vector_store %arg10[%swap3A_1391, %swap3A_1392], %swap3A_1395 {strides = array<i32>} : memref<128x128xf32, #tpu.memory_space<vmem>>, vector<1x16xf32>,
        %mul3A_1396 = arith.constant 16 : i32
        %mul3A_1397 = arith.muli %add3A_69, %mul3A_1396 : i32
        %add3A_1398 = arith.constant 11 : i32
        %add3A_1399 = arith.addi %mul3A_1397, %add3A_1398 : i32
        %get3A_1400 = arith.index_cast %add3A_1399 : i32 to index
        %get3A_1401 = arith.constant 64 : index
        %get3A_1402 = tpu.vector_load %arg10[%get3A_1400, %get3A_1401] {strides = array<i32>} : memref<128x128xf32, #tpu.memory_space<vmem>>, vector<1x16xf32>,
        %get3A_1403 = vector.shape_cast %get3A_1402 : vector<1x16xf32> to vector<16xf32>
        %mul3A_1404 = arith.mulf %get3A_1403, %broadcast_in_dim3A_1339 : vector<16xf32>
        %swap3A_1405 = arith.index_cast %add3A_1399 : i32 to index
        %swap3A_1406 = arith.constant 64 : index
        %swap3A_1407 = tpu.vector_load %arg10[%swap3A_1405, %swap3A_1406] {strides = array<i32>} : memref<128x128xf32, #tpu.memory_space<vmem>>, vector<1x16xf32>,
        %swap3A_1408 = vector.shape_cast %swap3A_1407 : vector<1x16xf32> to vector<16xf32>
        %swap3A_1409 = vector.shape_cast %mul3A_1404 : vector<16xf32> to vector<1x16xf32>
        tpu.vector_store %arg10[%swap3A_1405, %swap3A_1406], %swap3A_1409 {strides = array<i32>} : memref<128x128xf32, #tpu.memory_space<vmem>>, vector<1x16xf32>,
        %mul3A_1410 = arith.constant 16 : i32
        %mul3A_1411 = arith.muli %add3A_69, %mul3A_1410 : i32
        %add3A_1412 = arith.constant 11 : i32
        %add3A_1413 = arith.addi %mul3A_1411, %add3A_1412 : i32
        %get3A_1414 = arith.index_cast %add3A_1413 : i32 to index
        %get3A_1415 = arith.constant 80 : index
        %get3A_1416 = tpu.vector_load %arg10[%get3A_1414, %get3A_1415] {strides = array<i32>} : memref<128x128xf32, #tpu.memory_space<vmem>>, vector<1x16xf32>,
        %get3A_1417 = vector.shape_cast %get3A_1416 : vector<1x16xf32> to vector<16xf32>
        %mul3A_1418 = arith.mulf %get3A_1417, %broadcast_in_dim3A_1339 : vector<16xf32>
        %swap3A_1419 = arith.index_cast %add3A_1413 : i32 to index
        %swap3A_1420 = arith.constant 80 : index
        %swap3A_1421 = tpu.vector_load %arg10[%swap3A_1419, %swap3A_1420] {strides = array<i32>} : memref<128x128xf32, #tpu.memory_space<vmem>>, vector<1x16xf32>,
        %swap3A_1422 = vector.shape_cast %swap3A_1421 : vector<1x16xf32> to vector<16xf32>
        %swap3A_1423 = vector.shape_cast %mul3A_1418 : vector<16xf32> to vector<1x16xf32>
        tpu.vector_store %arg10[%swap3A_1419, %swap3A_1420], %swap3A_1423 {strides = array<i32>} : memref<128x128xf32, #tpu.memory_space<vmem>>, vector<1x16xf32>,
        %mul3A_1424 = arith.constant 16 : i32
        %mul3A_1425 = arith.muli %add3A_69, %mul3A_1424 : i32
        %add3A_1426 = arith.constant 11 : i32
        %add3A_1427 = arith.addi %mul3A_1425, %add3A_1426 : i32
        %get3A_1428 = arith.index_cast %add3A_1427 : i32 to index
        %get3A_1429 = arith.constant 96 : index
        %get3A_1430 = tpu.vector_load %arg10[%get3A_1428, %get3A_1429] {strides = array<i32>} : memref<128x128xf32, #tpu.memory_space<vmem>>, vector<1x16xf32>,
        %get3A_1431 = vector.shape_cast %get3A_1430 : vector<1x16xf32> to vector<16xf32>
        %mul3A_1432 = arith.mulf %get3A_1431, %broadcast_in_dim3A_1339 : vector<16xf32>
        %swap3A_1433 = arith.index_cast %add3A_1427 : i32 to index
        %swap3A_1434 = arith.constant 96 : index
        %swap3A_1435 = tpu.vector_load %arg10[%swap3A_1433, %swap3A_1434] {strides = array<i32>} : memref<128x128xf32, #tpu.memory_space<vmem>>, vector<1x16xf32>,
        %swap3A_1436 = vector.shape_cast %swap3A_1435 : vector<1x16xf32> to vector<16xf32>
        %swap3A_1437 = vector.shape_cast %mul3A_1432 : vector<16xf32> to vector<1x16xf32>
        tpu.vector_store %arg10[%swap3A_1433, %swap3A_1434], %swap3A_1437 {strides = array<i32>} : memref<128x128xf32, #tpu.memory_space<vmem>>, vector<1x16xf32>,
        %mul3A_1438 = arith.constant 16 : i32
        %mul3A_1439 = arith.muli %add3A_69, %mul3A_1438 : i32
        %add3A_1440 = arith.constant 11 : i32
        %add3A_1441 = arith.addi %mul3A_1439, %add3A_1440 : i32
        %get3A_1442 = arith.index_cast %add3A_1441 : i32 to index
        %get3A_1443 = arith.constant 112 : index
        %get3A_1444 = tpu.vector_load %arg10[%get3A_1442, %get3A_1443] {strides = array<i32>} : memref<128x128xf32, #tpu.memory_space<vmem>>, vector<1x16xf32>,
        %get3A_1445 = vector.shape_cast %get3A_1444 : vector<1x16xf32> to vector<16xf32>
        %mul3A_1446 = arith.mulf %get3A_1445, %broadcast_in_dim3A_1339 : vector<16xf32>
        %swap3A_1447 = arith.index_cast %add3A_1441 : i32 to index
        %swap3A_1448 = arith.constant 112 : index
        %swap3A_1449 = tpu.vector_load %arg10[%swap3A_1447, %swap3A_1448] {strides = array<i32>} : memref<128x128xf32, #tpu.memory_space<vmem>>, vector<1x16xf32>,
        %swap3A_1450 = vector.shape_cast %swap3A_1449 : vector<1x16xf32> to vector<16xf32>
        %swap3A_1451 = vector.shape_cast %mul3A_1446 : vector<16xf32> to vector<1x16xf32>
        tpu.vector_store %arg10[%swap3A_1447, %swap3A_1448], %swap3A_1451 {strides = array<i32>} : memref<128x128xf32, #tpu.memory_space<vmem>>, vector<1x16xf32>,
        %slice3A_1452 = vector.extract_strided_slice %get3A_74 {offsets = [12], sizes = [1], strides = [1]} : vector<16xf32> to vector<1xf32>
        %squeeze3A_1453 = vector.extract %slice3A_1452[0] : f32 from vector<1xf32>
        %broadcast_in_dim3A_1454 = vector.broadcast %squeeze3A_1453 : f32 to vector<16xf32>
        %mul3A_1455 = arith.constant 16 : i32
        %mul3A_1456 = arith.muli %add3A_69, %mul3A_1455 : i32
        %add3A_1457 = arith.constant 12 : i32
        %add3A_1458 = arith.addi %mul3A_1456, %add3A_1457 : i32
        %get3A_1459 = arith.index_cast %add3A_1458 : i32 to index
        %get3A_1460 = arith.constant 0 : index
        %get3A_1461 = tpu.vector_load %arg10[%get3A_1459, %get3A_1460] {strides = array<i32>} : memref<128x128xf32, #tpu.memory_space<vmem>>, vector<1x16xf32>,
        %get3A_1462 = vector.shape_cast %get3A_1461 : vector<1x16xf32> to vector<16xf32>
        %mul3A_1463 = arith.mulf %get3A_1462, %broadcast_in_dim3A_1454 : vector<16xf32>
        %swap3A_1464 = arith.index_cast %add3A_1458 : i32 to index
        %swap3A_1465 = arith.constant 0 : index
        %swap3A_1466 = tpu.vector_load %arg10[%swap3A_1464, %swap3A_1465] {strides = array<i32>} : memref<128x128xf32, #tpu.memory_space<vmem>>, vector<1x16xf32>,
        %swap3A_1467 = vector.shape_cast %swap3A_1466 : vector<1x16xf32> to vector<16xf32>
        %swap3A_1468 = vector.shape_cast %mul3A_1463 : vector<16xf32> to vector<1x16xf32>
        tpu.vector_store %arg10[%swap3A_1464, %swap3A_1465], %swap3A_1468 {strides = array<i32>} : memref<128x128xf32, #tpu.memory_space<vmem>>, vector<1x16xf32>,
        %mul3A_1469 = arith.constant 16 : i32
        %mul3A_1470 = arith.muli %add3A_69, %mul3A_1469 : i32
        %add3A_1471 = arith.constant 12 : i32
        %add3A_1472 = arith.addi %mul3A_1470, %add3A_1471 : i32
        %get3A_1473 = arith.index_cast %add3A_1472 : i32 to index
        %get3A_1474 = arith.constant 16 : index
        %get3A_1475 = tpu.vector_load %arg10[%get3A_1473, %get3A_1474] {strides = array<i32>} : memref<128x128xf32, #tpu.memory_space<vmem>>, vector<1x16xf32>,
        %get3A_1476 = vector.shape_cast %get3A_1475 : vector<1x16xf32> to vector<16xf32>
        %mul3A_1477 = arith.mulf %get3A_1476, %broadcast_in_dim3A_1454 : vector<16xf32>
        %swap3A_1478 = arith.index_cast %add3A_1472 : i32 to index
        %swap3A_1479 = arith.constant 16 : index
        %swap3A_1480 = tpu.vector_load %arg10[%swap3A_1478, %swap3A_1479] {strides = array<i32>} : memref<128x128xf32, #tpu.memory_space<vmem>>, vector<1x16xf32>,
        %swap3A_1481 = vector.shape_cast %swap3A_1480 : vector<1x16xf32> to vector<16xf32>
        %swap3A_1482 = vector.shape_cast %mul3A_1477 : vector<16xf32> to vector<1x16xf32>
        tpu.vector_store %arg10[%swap3A_1478, %swap3A_1479], %swap3A_1482 {strides = array<i32>} : memref<128x128xf32, #tpu.memory_space<vmem>>, vector<1x16xf32>,
        %mul3A_1483 = arith.constant 16 : i32
        %mul3A_1484 = arith.muli %add3A_69, %mul3A_1483 : i32
        %add3A_1485 = arith.constant 12 : i32
        %add3A_1486 = arith.addi %mul3A_1484, %add3A_1485 : i32
        %get3A_1487 = arith.index_cast %add3A_1486 : i32 to index
        %get3A_1488 = arith.constant 32 : index
        %get3A_1489 = tpu.vector_load %arg10[%get3A_1487, %get3A_1488] {strides = array<i32>} : memref<128x128xf32, #tpu.memory_space<vmem>>, vector<1x16xf32>,
        %get3A_1490 = vector.shape_cast %get3A_1489 : vector<1x16xf32> to vector<16xf32>
        %mul3A_1491 = arith.mulf %get3A_1490, %broadcast_in_dim3A_1454 : vector<16xf32>
        %swap3A_1492 = arith.index_cast %add3A_1486 : i32 to index
        %swap3A_1493 = arith.constant 32 : index
        %swap3A_1494 = tpu.vector_load %arg10[%swap3A_1492, %swap3A_1493] {strides = array<i32>} : memref<128x128xf32, #tpu.memory_space<vmem>>, vector<1x16xf32>,
        %swap3A_1495 = vector.shape_cast %swap3A_1494 : vector<1x16xf32> to vector<16xf32>
        %swap3A_1496 = vector.shape_cast %mul3A_1491 : vector<16xf32> to vector<1x16xf32>
        tpu.vector_store %arg10[%swap3A_1492, %swap3A_1493], %swap3A_1496 {strides = array<i32>} : memref<128x128xf32, #tpu.memory_space<vmem>>, vector<1x16xf32>,
        %mul3A_1497 = arith.constant 16 : i32
        %mul3A_1498 = arith.muli %add3A_69, %mul3A_1497 : i32
        %add3A_1499 = arith.constant 12 : i32
        %add3A_1500 = arith.addi %mul3A_1498, %add3A_1499 : i32
        %get3A_1501 = arith.index_cast %add3A_1500 : i32 to index
        %get3A_1502 = arith.constant 48 : index
        %get3A_1503 = tpu.vector_load %arg10[%get3A_1501, %get3A_1502] {strides = array<i32>} : memref<128x128xf32, #tpu.memory_space<vmem>>, vector<1x16xf32>,
        %get3A_1504 = vector.shape_cast %get3A_1503 : vector<1x16xf32> to vector<16xf32>
        %mul3A_1505 = arith.mulf %get3A_1504, %broadcast_in_dim3A_1454 : vector<16xf32>
        %swap3A_1506 = arith.index_cast %add3A_1500 : i32 to index
        %swap3A_1507 = arith.constant 48 : index
        %swap3A_1508 = tpu.vector_load %arg10[%swap3A_1506, %swap3A_1507] {strides = array<i32>} : memref<128x128xf32, #tpu.memory_space<vmem>>, vector<1x16xf32>,
        %swap3A_1509 = vector.shape_cast %swap3A_1508 : vector<1x16xf32> to vector<16xf32>
        %swap3A_1510 = vector.shape_cast %mul3A_1505 : vector<16xf32> to vector<1x16xf32>
        tpu.vector_store %arg10[%swap3A_1506, %swap3A_1507], %swap3A_1510 {strides = array<i32>} : memref<128x128xf32, #tpu.memory_space<vmem>>, vector<1x16xf32>,
        %mul3A_1511 = arith.constant 16 : i32
        %mul3A_1512 = arith.muli %add3A_69, %mul3A_1511 : i32
        %add3A_1513 = arith.constant 12 : i32
        %add3A_1514 = arith.addi %mul3A_1512, %add3A_1513 : i32
        %get3A_1515 = arith.index_cast %add3A_1514 : i32 to index
        %get3A_1516 = arith.constant 64 : index
        %get3A_1517 = tpu.vector_load %arg10[%get3A_1515, %get3A_1516] {strides = array<i32>} : memref<128x128xf32, #tpu.memory_space<vmem>>, vector<1x16xf32>,
        %get3A_1518 = vector.shape_cast %get3A_1517 : vector<1x16xf32> to vector<16xf32>
        %mul3A_1519 = arith.mulf %get3A_1518, %broadcast_in_dim3A_1454 : vector<16xf32>
        %swap3A_1520 = arith.index_cast %add3A_1514 : i32 to index
        %swap3A_1521 = arith.constant 64 : index
        %swap3A_1522 = tpu.vector_load %arg10[%swap3A_1520, %swap3A_1521] {strides = array<i32>} : memref<128x128xf32, #tpu.memory_space<vmem>>, vector<1x16xf32>,
        %swap3A_1523 = vector.shape_cast %swap3A_1522 : vector<1x16xf32> to vector<16xf32>
        %swap3A_1524 = vector.shape_cast %mul3A_1519 : vector<16xf32> to vector<1x16xf32>
        tpu.vector_store %arg10[%swap3A_1520, %swap3A_1521], %swap3A_1524 {strides = array<i32>} : memref<128x128xf32, #tpu.memory_space<vmem>>, vector<1x16xf32>,
        %mul3A_1525 = arith.constant 16 : i32
        %mul3A_1526 = arith.muli %add3A_69, %mul3A_1525 : i32
        %add3A_1527 = arith.constant 12 : i32
        %add3A_1528 = arith.addi %mul3A_1526, %add3A_1527 : i32
        %get3A_1529 = arith.index_cast %add3A_1528 : i32 to index
        %get3A_1530 = arith.constant 80 : index
        %get3A_1531 = tpu.vector_load %arg10[%get3A_1529, %get3A_1530] {strides = array<i32>} : memref<128x128xf32, #tpu.memory_space<vmem>>, vector<1x16xf32>,
        %get3A_1532 = vector.shape_cast %get3A_1531 : vector<1x16xf32> to vector<16xf32>
        %mul3A_1533 = arith.mulf %get3A_1532, %broadcast_in_dim3A_1454 : vector<16xf32>
        %swap3A_1534 = arith.index_cast %add3A_1528 : i32 to index
        %swap3A_1535 = arith.constant 80 : index
        %swap3A_1536 = tpu.vector_load %arg10[%swap3A_1534, %swap3A_1535] {strides = array<i32>} : memref<128x128xf32, #tpu.memory_space<vmem>>, vector<1x16xf32>,
        %swap3A_1537 = vector.shape_cast %swap3A_1536 : vector<1x16xf32> to vector<16xf32>
        %swap3A_1538 = vector.shape_cast %mul3A_1533 : vector<16xf32> to vector<1x16xf32>
        tpu.vector_store %arg10[%swap3A_1534, %swap3A_1535], %swap3A_1538 {strides = array<i32>} : memref<128x128xf32, #tpu.memory_space<vmem>>, vector<1x16xf32>,
        %mul3A_1539 = arith.constant 16 : i32
        %mul3A_1540 = arith.muli %add3A_69, %mul3A_1539 : i32
        %add3A_1541 = arith.constant 12 : i32
        %add3A_1542 = arith.addi %mul3A_1540, %add3A_1541 : i32
        %get3A_1543 = arith.index_cast %add3A_1542 : i32 to index
        %get3A_1544 = arith.constant 96 : index
        %get3A_1545 = tpu.vector_load %arg10[%get3A_1543, %get3A_1544] {strides = array<i32>} : memref<128x128xf32, #tpu.memory_space<vmem>>, vector<1x16xf32>,
        %get3A_1546 = vector.shape_cast %get3A_1545 : vector<1x16xf32> to vector<16xf32>
        %mul3A_1547 = arith.mulf %get3A_1546, %broadcast_in_dim3A_1454 : vector<16xf32>
        %swap3A_1548 = arith.index_cast %add3A_1542 : i32 to index
        %swap3A_1549 = arith.constant 96 : index
        %swap3A_1550 = tpu.vector_load %arg10[%swap3A_1548, %swap3A_1549] {strides = array<i32>} : memref<128x128xf32, #tpu.memory_space<vmem>>, vector<1x16xf32>,
        %swap3A_1551 = vector.shape_cast %swap3A_1550 : vector<1x16xf32> to vector<16xf32>
        %swap3A_1552 = vector.shape_cast %mul3A_1547 : vector<16xf32> to vector<1x16xf32>
        tpu.vector_store %arg10[%swap3A_1548, %swap3A_1549], %swap3A_1552 {strides = array<i32>} : memref<128x128xf32, #tpu.memory_space<vmem>>, vector<1x16xf32>,
        %mul3A_1553 = arith.constant 16 : i32
        %mul3A_1554 = arith.muli %add3A_69, %mul3A_1553 : i32
        %add3A_1555 = arith.constant 12 : i32
        %add3A_1556 = arith.addi %mul3A_1554, %add3A_1555 : i32
        %get3A_1557 = arith.index_cast %add3A_1556 : i32 to index
        %get3A_1558 = arith.constant 112 : index
        %get3A_1559 = tpu.vector_load %arg10[%get3A_1557, %get3A_1558] {strides = array<i32>} : memref<128x128xf32, #tpu.memory_space<vmem>>, vector<1x16xf32>,
        %get3A_1560 = vector.shape_cast %get3A_1559 : vector<1x16xf32> to vector<16xf32>
        %mul3A_1561 = arith.mulf %get3A_1560, %broadcast_in_dim3A_1454 : vector<16xf32>
        %swap3A_1562 = arith.index_cast %add3A_1556 : i32 to index
        %swap3A_1563 = arith.constant 112 : index
        %swap3A_1564 = tpu.vector_load %arg10[%swap3A_1562, %swap3A_1563] {strides = array<i32>} : memref<128x128xf32, #tpu.memory_space<vmem>>, vector<1x16xf32>,
        %swap3A_1565 = vector.shape_cast %swap3A_1564 : vector<1x16xf32> to vector<16xf32>
        %swap3A_1566 = vector.shape_cast %mul3A_1561 : vector<16xf32> to vector<1x16xf32>
        tpu.vector_store %arg10[%swap3A_1562, %swap3A_1563], %swap3A_1566 {strides = array<i32>} : memref<128x128xf32, #tpu.memory_space<vmem>>, vector<1x16xf32>,
        %slice3A_1567 = vector.extract_strided_slice %get3A_74 {offsets = [13], sizes = [1], strides = [1]} : vector<16xf32> to vector<1xf32>
        %squeeze3A_1568 = vector.extract %slice3A_1567[0] : f32 from vector<1xf32>
        %broadcast_in_dim3A_1569 = vector.broadcast %squeeze3A_1568 : f32 to vector<16xf32>
        %mul3A_1570 = arith.constant 16 : i32
        %mul3A_1571 = arith.muli %add3A_69, %mul3A_1570 : i32
        %add3A_1572 = arith.constant 13 : i32
        %add3A_1573 = arith.addi %mul3A_1571, %add3A_1572 : i32
        %get3A_1574 = arith.index_cast %add3A_1573 : i32 to index
        %get3A_1575 = arith.constant 0 : index
        %get3A_1576 = tpu.vector_load %arg10[%get3A_1574, %get3A_1575] {strides = array<i32>} : memref<128x128xf32, #tpu.memory_space<vmem>>, vector<1x16xf32>,
        %get3A_1577 = vector.shape_cast %get3A_1576 : vector<1x16xf32> to vector<16xf32>
        %mul3A_1578 = arith.mulf %get3A_1577, %broadcast_in_dim3A_1569 : vector<16xf32>
        %swap3A_1579 = arith.index_cast %add3A_1573 : i32 to index
        %swap3A_1580 = arith.constant 0 : index
        %swap3A_1581 = tpu.vector_load %arg10[%swap3A_1579, %swap3A_1580] {strides = array<i32>} : memref<128x128xf32, #tpu.memory_space<vmem>>, vector<1x16xf32>,
        %swap3A_1582 = vector.shape_cast %swap3A_1581 : vector<1x16xf32> to vector<16xf32>
        %swap3A_1583 = vector.shape_cast %mul3A_1578 : vector<16xf32> to vector<1x16xf32>
        tpu.vector_store %arg10[%swap3A_1579, %swap3A_1580], %swap3A_1583 {strides = array<i32>} : memref<128x128xf32, #tpu.memory_space<vmem>>, vector<1x16xf32>,
        %mul3A_1584 = arith.constant 16 : i32
        %mul3A_1585 = arith.muli %add3A_69, %mul3A_1584 : i32
        %add3A_1586 = arith.constant 13 : i32
        %add3A_1587 = arith.addi %mul3A_1585, %add3A_1586 : i32
        %get3A_1588 = arith.index_cast %add3A_1587 : i32 to index
        %get3A_1589 = arith.constant 16 : index
        %get3A_1590 = tpu.vector_load %arg10[%get3A_1588, %get3A_1589] {strides = array<i32>} : memref<128x128xf32, #tpu.memory_space<vmem>>, vector<1x16xf32>,
        %get3A_1591 = vector.shape_cast %get3A_1590 : vector<1x16xf32> to vector<16xf32>
        %mul3A_1592 = arith.mulf %get3A_1591, %broadcast_in_dim3A_1569 : vector<16xf32>
        %swap3A_1593 = arith.index_cast %add3A_1587 : i32 to index
        %swap3A_1594 = arith.constant 16 : index
        %swap3A_1595 = tpu.vector_load %arg10[%swap3A_1593, %swap3A_1594] {strides = array<i32>} : memref<128x128xf32, #tpu.memory_space<vmem>>, vector<1x16xf32>,
        %swap3A_1596 = vector.shape_cast %swap3A_1595 : vector<1x16xf32> to vector<16xf32>
        %swap3A_1597 = vector.shape_cast %mul3A_1592 : vector<16xf32> to vector<1x16xf32>
        tpu.vector_store %arg10[%swap3A_1593, %swap3A_1594], %swap3A_1597 {strides = array<i32>} : memref<128x128xf32, #tpu.memory_space<vmem>>, vector<1x16xf32>,
        %mul3A_1598 = arith.constant 16 : i32
        %mul3A_1599 = arith.muli %add3A_69, %mul3A_1598 : i32
        %add3A_1600 = arith.constant 13 : i32
        %add3A_1601 = arith.addi %mul3A_1599, %add3A_1600 : i32
        %get3A_1602 = arith.index_cast %add3A_1601 : i32 to index
        %get3A_1603 = arith.constant 32 : index
        %get3A_1604 = tpu.vector_load %arg10[%get3A_1602, %get3A_1603] {strides = array<i32>} : memref<128x128xf32, #tpu.memory_space<vmem>>, vector<1x16xf32>,
        %get3A_1605 = vector.shape_cast %get3A_1604 : vector<1x16xf32> to vector<16xf32>
        %mul3A_1606 = arith.mulf %get3A_1605, %broadcast_in_dim3A_1569 : vector<16xf32>
        %swap3A_1607 = arith.index_cast %add3A_1601 : i32 to index
        %swap3A_1608 = arith.constant 32 : index
        %swap3A_1609 = tpu.vector_load %arg10[%swap3A_1607, %swap3A_1608] {strides = array<i32>} : memref<128x128xf32, #tpu.memory_space<vmem>>, vector<1x16xf32>,
        %swap3A_1610 = vector.shape_cast %swap3A_1609 : vector<1x16xf32> to vector<16xf32>
        %swap3A_1611 = vector.shape_cast %mul3A_1606 : vector<16xf32> to vector<1x16xf32>
        tpu.vector_store %arg10[%swap3A_1607, %swap3A_1608], %swap3A_1611 {strides = array<i32>} : memref<128x128xf32, #tpu.memory_space<vmem>>, vector<1x16xf32>,
        %mul3A_1612 = arith.constant 16 : i32
        %mul3A_1613 = arith.muli %add3A_69, %mul3A_1612 : i32
        %add3A_1614 = arith.constant 13 : i32
        %add3A_1615 = arith.addi %mul3A_1613, %add3A_1614 : i32
        %get3A_1616 = arith.index_cast %add3A_1615 : i32 to index
        %get3A_1617 = arith.constant 48 : index
        %get3A_1618 = tpu.vector_load %arg10[%get3A_1616, %get3A_1617] {strides = array<i32>} : memref<128x128xf32, #tpu.memory_space<vmem>>, vector<1x16xf32>,
        %get3A_1619 = vector.shape_cast %get3A_1618 : vector<1x16xf32> to vector<16xf32>
        %mul3A_1620 = arith.mulf %get3A_1619, %broadcast_in_dim3A_1569 : vector<16xf32>
        %swap3A_1621 = arith.index_cast %add3A_1615 : i32 to index
        %swap3A_1622 = arith.constant 48 : index
        %swap3A_1623 = tpu.vector_load %arg10[%swap3A_1621, %swap3A_1622] {strides = array<i32>} : memref<128x128xf32, #tpu.memory_space<vmem>>, vector<1x16xf32>,
        %swap3A_1624 = vector.shape_cast %swap3A_1623 : vector<1x16xf32> to vector<16xf32>
        %swap3A_1625 = vector.shape_cast %mul3A_1620 : vector<16xf32> to vector<1x16xf32>
        tpu.vector_store %arg10[%swap3A_1621, %swap3A_1622], %swap3A_1625 {strides = array<i32>} : memref<128x128xf32, #tpu.memory_space<vmem>>, vector<1x16xf32>,
        %mul3A_1626 = arith.constant 16 : i32
        %mul3A_1627 = arith.muli %add3A_69, %mul3A_1626 : i32
        %add3A_1628 = arith.constant 13 : i32
        %add3A_1629 = arith.addi %mul3A_1627, %add3A_1628 : i32
        %get3A_1630 = arith.index_cast %add3A_1629 : i32 to index
        %get3A_1631 = arith.constant 64 : index
        %get3A_1632 = tpu.vector_load %arg10[%get3A_1630, %get3A_1631] {strides = array<i32>} : memref<128x128xf32, #tpu.memory_space<vmem>>, vector<1x16xf32>,
        %get3A_1633 = vector.shape_cast %get3A_1632 : vector<1x16xf32> to vector<16xf32>
        %mul3A_1634 = arith.mulf %get3A_1633, %broadcast_in_dim3A_1569 : vector<16xf32>
        %swap3A_1635 = arith.index_cast %add3A_1629 : i32 to index
        %swap3A_1636 = arith.constant 64 : index
        %swap3A_1637 = tpu.vector_load %arg10[%swap3A_1635, %swap3A_1636] {strides = array<i32>} : memref<128x128xf32, #tpu.memory_space<vmem>>, vector<1x16xf32>,
        %swap3A_1638 = vector.shape_cast %swap3A_1637 : vector<1x16xf32> to vector<16xf32>
        %swap3A_1639 = vector.shape_cast %mul3A_1634 : vector<16xf32> to vector<1x16xf32>
        tpu.vector_store %arg10[%swap3A_1635, %swap3A_1636], %swap3A_1639 {strides = array<i32>} : memref<128x128xf32, #tpu.memory_space<vmem>>, vector<1x16xf32>,
        %mul3A_1640 = arith.constant 16 : i32
        %mul3A_1641 = arith.muli %add3A_69, %mul3A_1640 : i32
        %add3A_1642 = arith.constant 13 : i32
        %add3A_1643 = arith.addi %mul3A_1641, %add3A_1642 : i32
        %get3A_1644 = arith.index_cast %add3A_1643 : i32 to index
        %get3A_1645 = arith.constant 80 : index
        %get3A_1646 = tpu.vector_load %arg10[%get3A_1644, %get3A_1645] {strides = array<i32>} : memref<128x128xf32, #tpu.memory_space<vmem>>, vector<1x16xf32>,
        %get3A_1647 = vector.shape_cast %get3A_1646 : vector<1x16xf32> to vector<16xf32>
        %mul3A_1648 = arith.mulf %get3A_1647, %broadcast_in_dim3A_1569 : vector<16xf32>
        %swap3A_1649 = arith.index_cast %add3A_1643 : i32 to index
        %swap3A_1650 = arith.constant 80 : index
        %swap3A_1651 = tpu.vector_load %arg10[%swap3A_1649, %swap3A_1650] {strides = array<i32>} : memref<128x128xf32, #tpu.memory_space<vmem>>, vector<1x16xf32>,
        %swap3A_1652 = vector.shape_cast %swap3A_1651 : vector<1x16xf32> to vector<16xf32>
        %swap3A_1653 = vector.shape_cast %mul3A_1648 : vector<16xf32> to vector<1x16xf32>
        tpu.vector_store %arg10[%swap3A_1649, %swap3A_1650], %swap3A_1653 {strides = array<i32>} : memref<128x128xf32, #tpu.memory_space<vmem>>, vector<1x16xf32>,
        %mul3A_1654 = arith.constant 16 : i32
        %mul3A_1655 = arith.muli %add3A_69, %mul3A_1654 : i32
        %add3A_1656 = arith.constant 13 : i32
        %add3A_1657 = arith.addi %mul3A_1655, %add3A_1656 : i32
        %get3A_1658 = arith.index_cast %add3A_1657 : i32 to index
        %get3A_1659 = arith.constant 96 : index
        %get3A_1660 = tpu.vector_load %arg10[%get3A_1658, %get3A_1659] {strides = array<i32>} : memref<128x128xf32, #tpu.memory_space<vmem>>, vector<1x16xf32>,
        %get3A_1661 = vector.shape_cast %get3A_1660 : vector<1x16xf32> to vector<16xf32>
        %mul3A_1662 = arith.mulf %get3A_1661, %broadcast_in_dim3A_1569 : vector<16xf32>
        %swap3A_1663 = arith.index_cast %add3A_1657 : i32 to index
        %swap3A_1664 = arith.constant 96 : index
        %swap3A_1665 = tpu.vector_load %arg10[%swap3A_1663, %swap3A_1664] {strides = array<i32>} : memref<128x128xf32, #tpu.memory_space<vmem>>, vector<1x16xf32>,
        %swap3A_1666 = vector.shape_cast %swap3A_1665 : vector<1x16xf32> to vector<16xf32>
        %swap3A_1667 = vector.shape_cast %mul3A_1662 : vector<16xf32> to vector<1x16xf32>
        tpu.vector_store %arg10[%swap3A_1663, %swap3A_1664], %swap3A_1667 {strides = array<i32>} : memref<128x128xf32, #tpu.memory_space<vmem>>, vector<1x16xf32>,
        %mul3A_1668 = arith.constant 16 : i32
        %mul3A_1669 = arith.muli %add3A_69, %mul3A_1668 : i32
        %add3A_1670 = arith.constant 13 : i32
        %add3A_1671 = arith.addi %mul3A_1669, %add3A_1670 : i32
        %get3A_1672 = arith.index_cast %add3A_1671 : i32 to index
        %get3A_1673 = arith.constant 112 : index
        %get3A_1674 = tpu.vector_load %arg10[%get3A_1672, %get3A_1673] {strides = array<i32>} : memref<128x128xf32, #tpu.memory_space<vmem>>, vector<1x16xf32>,
        %get3A_1675 = vector.shape_cast %get3A_1674 : vector<1x16xf32> to vector<16xf32>
        %mul3A_1676 = arith.mulf %get3A_1675, %broadcast_in_dim3A_1569 : vector<16xf32>
        %swap3A_1677 = arith.index_cast %add3A_1671 : i32 to index
        %swap3A_1678 = arith.constant 112 : index
        %swap3A_1679 = tpu.vector_load %arg10[%swap3A_1677, %swap3A_1678] {strides = array<i32>} : memref<128x128xf32, #tpu.memory_space<vmem>>, vector<1x16xf32>,
        %swap3A_1680 = vector.shape_cast %swap3A_1679 : vector<1x16xf32> to vector<16xf32>
        %swap3A_1681 = vector.shape_cast %mul3A_1676 : vector<16xf32> to vector<1x16xf32>
        tpu.vector_store %arg10[%swap3A_1677, %swap3A_1678], %swap3A_1681 {strides = array<i32>} : memref<128x128xf32, #tpu.memory_space<vmem>>, vector<1x16xf32>,
        %slice3A_1682 = vector.extract_strided_slice %get3A_74 {offsets = [14], sizes = [1], strides = [1]} : vector<16xf32> to vector<1xf32>
        %squeeze3A_1683 = vector.extract %slice3A_1682[0] : f32 from vector<1xf32>
        %broadcast_in_dim3A_1684 = vector.broadcast %squeeze3A_1683 : f32 to vector<16xf32>
        %mul3A_1685 = arith.constant 16 : i32
        %mul3A_1686 = arith.muli %add3A_69, %mul3A_1685 : i32
        %add3A_1687 = arith.constant 14 : i32
        %add3A_1688 = arith.addi %mul3A_1686, %add3A_1687 : i32
        %get3A_1689 = arith.index_cast %add3A_1688 : i32 to index
        %get3A_1690 = arith.constant 0 : index
        %get3A_1691 = tpu.vector_load %arg10[%get3A_1689, %get3A_1690] {strides = array<i32>} : memref<128x128xf32, #tpu.memory_space<vmem>>, vector<1x16xf32>,
        %get3A_1692 = vector.shape_cast %get3A_1691 : vector<1x16xf32> to vector<16xf32>
        %mul3A_1693 = arith.mulf %get3A_1692, %broadcast_in_dim3A_1684 : vector<16xf32>
        %swap3A_1694 = arith.index_cast %add3A_1688 : i32 to index
        %swap3A_1695 = arith.constant 0 : index
        %swap3A_1696 = tpu.vector_load %arg10[%swap3A_1694, %swap3A_1695] {strides = array<i32>} : memref<128x128xf32, #tpu.memory_space<vmem>>, vector<1x16xf32>,
        %swap3A_1697 = vector.shape_cast %swap3A_1696 : vector<1x16xf32> to vector<16xf32>
        %swap3A_1698 = vector.shape_cast %mul3A_1693 : vector<16xf32> to vector<1x16xf32>
        tpu.vector_store %arg10[%swap3A_1694, %swap3A_1695], %swap3A_1698 {strides = array<i32>} : memref<128x128xf32, #tpu.memory_space<vmem>>, vector<1x16xf32>,
        %mul3A_1699 = arith.constant 16 : i32
        %mul3A_1700 = arith.muli %add3A_69, %mul3A_1699 : i32
        %add3A_1701 = arith.constant 14 : i32
        %add3A_1702 = arith.addi %mul3A_1700, %add3A_1701 : i32
        %get3A_1703 = arith.index_cast %add3A_1702 : i32 to index
        %get3A_1704 = arith.constant 16 : index
        %get3A_1705 = tpu.vector_load %arg10[%get3A_1703, %get3A_1704] {strides = array<i32>} : memref<128x128xf32, #tpu.memory_space<vmem>>, vector<1x16xf32>,
        %get3A_1706 = vector.shape_cast %get3A_1705 : vector<1x16xf32> to vector<16xf32>
        %mul3A_1707 = arith.mulf %get3A_1706, %broadcast_in_dim3A_1684 : vector<16xf32>
        %swap3A_1708 = arith.index_cast %add3A_1702 : i32 to index
        %swap3A_1709 = arith.constant 16 : index
        %swap3A_1710 = tpu.vector_load %arg10[%swap3A_1708, %swap3A_1709] {strides = array<i32>} : memref<128x128xf32, #tpu.memory_space<vmem>>, vector<1x16xf32>,
        %swap3A_1711 = vector.shape_cast %swap3A_1710 : vector<1x16xf32> to vector<16xf32>
        %swap3A_1712 = vector.shape_cast %mul3A_1707 : vector<16xf32> to vector<1x16xf32>
        tpu.vector_store %arg10[%swap3A_1708, %swap3A_1709], %swap3A_1712 {strides = array<i32>} : memref<128x128xf32, #tpu.memory_space<vmem>>, vector<1x16xf32>,
        %mul3A_1713 = arith.constant 16 : i32
        %mul3A_1714 = arith.muli %add3A_69, %mul3A_1713 : i32
        %add3A_1715 = arith.constant 14 : i32
        %add3A_1716 = arith.addi %mul3A_1714, %add3A_1715 : i32
        %get3A_1717 = arith.index_cast %add3A_1716 : i32 to index
        %get3A_1718 = arith.constant 32 : index
        %get3A_1719 = tpu.vector_load %arg10[%get3A_1717, %get3A_1718] {strides = array<i32>} : memref<128x128xf32, #tpu.memory_space<vmem>>, vector<1x16xf32>,
        %get3A_1720 = vector.shape_cast %get3A_1719 : vector<1x16xf32> to vector<16xf32>
        %mul3A_1721 = arith.mulf %get3A_1720, %broadcast_in_dim3A_1684 : vector<16xf32>
        %swap3A_1722 = arith.index_cast %add3A_1716 : i32 to index
        %swap3A_1723 = arith.constant 32 : index
        %swap3A_1724 = tpu.vector_load %arg10[%swap3A_1722, %swap3A_1723] {strides = array<i32>} : memref<128x128xf32, #tpu.memory_space<vmem>>, vector<1x16xf32>,
        %swap3A_1725 = vector.shape_cast %swap3A_1724 : vector<1x16xf32> to vector<16xf32>
        %swap3A_1726 = vector.shape_cast %mul3A_1721 : vector<16xf32> to vector<1x16xf32>
        tpu.vector_store %arg10[%swap3A_1722, %swap3A_1723], %swap3A_1726 {strides = array<i32>} : memref<128x128xf32, #tpu.memory_space<vmem>>, vector<1x16xf32>,
        %mul3A_1727 = arith.constant 16 : i32
        %mul3A_1728 = arith.muli %add3A_69, %mul3A_1727 : i32
        %add3A_1729 = arith.constant 14 : i32
        %add3A_1730 = arith.addi %mul3A_1728, %add3A_1729 : i32
        %get3A_1731 = arith.index_cast %add3A_1730 : i32 to index
        %get3A_1732 = arith.constant 48 : index
        %get3A_1733 = tpu.vector_load %arg10[%get3A_1731, %get3A_1732] {strides = array<i32>} : memref<128x128xf32, #tpu.memory_space<vmem>>, vector<1x16xf32>,
        %get3A_1734 = vector.shape_cast %get3A_1733 : vector<1x16xf32> to vector<16xf32>
        %mul3A_1735 = arith.mulf %get3A_1734, %broadcast_in_dim3A_1684 : vector<16xf32>
        %swap3A_1736 = arith.index_cast %add3A_1730 : i32 to index
        %swap3A_1737 = arith.constant 48 : index
        %swap3A_1738 = tpu.vector_load %arg10[%swap3A_1736, %swap3A_1737] {strides = array<i32>} : memref<128x128xf32, #tpu.memory_space<vmem>>, vector<1x16xf32>,
        %swap3A_1739 = vector.shape_cast %swap3A_1738 : vector<1x16xf32> to vector<16xf32>
        %swap3A_1740 = vector.shape_cast %mul3A_1735 : vector<16xf32> to vector<1x16xf32>
        tpu.vector_store %arg10[%swap3A_1736, %swap3A_1737], %swap3A_1740 {strides = array<i32>} : memref<128x128xf32, #tpu.memory_space<vmem>>, vector<1x16xf32>,
        %mul3A_1741 = arith.constant 16 : i32
        %mul3A_1742 = arith.muli %add3A_69, %mul3A_1741 : i32
        %add3A_1743 = arith.constant 14 : i32
        %add3A_1744 = arith.addi %mul3A_1742, %add3A_1743 : i32
        %get3A_1745 = arith.index_cast %add3A_1744 : i32 to index
        %get3A_1746 = arith.constant 64 : index
        %get3A_1747 = tpu.vector_load %arg10[%get3A_1745, %get3A_1746] {strides = array<i32>} : memref<128x128xf32, #tpu.memory_space<vmem>>, vector<1x16xf32>,
        %get3A_1748 = vector.shape_cast %get3A_1747 : vector<1x16xf32> to vector<16xf32>
        %mul3A_1749 = arith.mulf %get3A_1748, %broadcast_in_dim3A_1684 : vector<16xf32>
        %swap3A_1750 = arith.index_cast %add3A_1744 : i32 to index
        %swap3A_1751 = arith.constant 64 : index
        %swap3A_1752 = tpu.vector_load %arg10[%swap3A_1750, %swap3A_1751] {strides = array<i32>} : memref<128x128xf32, #tpu.memory_space<vmem>>, vector<1x16xf32>,
        %swap3A_1753 = vector.shape_cast %swap3A_1752 : vector<1x16xf32> to vector<16xf32>
        %swap3A_1754 = vector.shape_cast %mul3A_1749 : vector<16xf32> to vector<1x16xf32>
        tpu.vector_store %arg10[%swap3A_1750, %swap3A_1751], %swap3A_1754 {strides = array<i32>} : memref<128x128xf32, #tpu.memory_space<vmem>>, vector<1x16xf32>,
        %mul3A_1755 = arith.constant 16 : i32
        %mul3A_1756 = arith.muli %add3A_69, %mul3A_1755 : i32
        %add3A_1757 = arith.constant 14 : i32
        %add3A_1758 = arith.addi %mul3A_1756, %add3A_1757 : i32
        %get3A_1759 = arith.index_cast %add3A_1758 : i32 to index
        %get3A_1760 = arith.constant 80 : index
        %get3A_1761 = tpu.vector_load %arg10[%get3A_1759, %get3A_1760] {strides = array<i32>} : memref<128x128xf32, #tpu.memory_space<vmem>>, vector<1x16xf32>,
        %get3A_1762 = vector.shape_cast %get3A_1761 : vector<1x16xf32> to vector<16xf32>
        %mul3A_1763 = arith.mulf %get3A_1762, %broadcast_in_dim3A_1684 : vector<16xf32>
        %swap3A_1764 = arith.index_cast %add3A_1758 : i32 to index
        %swap3A_1765 = arith.constant 80 : index
        %swap3A_1766 = tpu.vector_load %arg10[%swap3A_1764, %swap3A_1765] {strides = array<i32>} : memref<128x128xf32, #tpu.memory_space<vmem>>, vector<1x16xf32>,
        %swap3A_1767 = vector.shape_cast %swap3A_1766 : vector<1x16xf32> to vector<16xf32>
        %swap3A_1768 = vector.shape_cast %mul3A_1763 : vector<16xf32> to vector<1x16xf32>
        tpu.vector_store %arg10[%swap3A_1764, %swap3A_1765], %swap3A_1768 {strides = array<i32>} : memref<128x128xf32, #tpu.memory_space<vmem>>, vector<1x16xf32>,
        %mul3A_1769 = arith.constant 16 : i32
        %mul3A_1770 = arith.muli %add3A_69, %mul3A_1769 : i32
        %add3A_1771 = arith.constant 14 : i32
        %add3A_1772 = arith.addi %mul3A_1770, %add3A_1771 : i32
        %get3A_1773 = arith.index_cast %add3A_1772 : i32 to index
        %get3A_1774 = arith.constant 96 : index
        %get3A_1775 = tpu.vector_load %arg10[%get3A_1773, %get3A_1774] {strides = array<i32>} : memref<128x128xf32, #tpu.memory_space<vmem>>, vector<1x16xf32>,
        %get3A_1776 = vector.shape_cast %get3A_1775 : vector<1x16xf32> to vector<16xf32>
        %mul3A_1777 = arith.mulf %get3A_1776, %broadcast_in_dim3A_1684 : vector<16xf32>
        %swap3A_1778 = arith.index_cast %add3A_1772 : i32 to index
        %swap3A_1779 = arith.constant 96 : index
        %swap3A_1780 = tpu.vector_load %arg10[%swap3A_1778, %swap3A_1779] {strides = array<i32>} : memref<128x128xf32, #tpu.memory_space<vmem>>, vector<1x16xf32>,
        %swap3A_1781 = vector.shape_cast %swap3A_1780 : vector<1x16xf32> to vector<16xf32>
        %swap3A_1782 = vector.shape_cast %mul3A_1777 : vector<16xf32> to vector<1x16xf32>
        tpu.vector_store %arg10[%swap3A_1778, %swap3A_1779], %swap3A_1782 {strides = array<i32>} : memref<128x128xf32, #tpu.memory_space<vmem>>, vector<1x16xf32>,
        %mul3A_1783 = arith.constant 16 : i32
        %mul3A_1784 = arith.muli %add3A_69, %mul3A_1783 : i32
        %add3A_1785 = arith.constant 14 : i32
        %add3A_1786 = arith.addi %mul3A_1784, %add3A_1785 : i32
        %get3A_1787 = arith.index_cast %add3A_1786 : i32 to index
        %get3A_1788 = arith.constant 112 : index
        %get3A_1789 = tpu.vector_load %arg10[%get3A_1787, %get3A_1788] {strides = array<i32>} : memref<128x128xf32, #tpu.memory_space<vmem>>, vector<1x16xf32>,
        %get3A_1790 = vector.shape_cast %get3A_1789 : vector<1x16xf32> to vector<16xf32>
        %mul3A_1791 = arith.mulf %get3A_1790, %broadcast_in_dim3A_1684 : vector<16xf32>
        %swap3A_1792 = arith.index_cast %add3A_1786 : i32 to index
        %swap3A_1793 = arith.constant 112 : index
        %swap3A_1794 = tpu.vector_load %arg10[%swap3A_1792, %swap3A_1793] {strides = array<i32>} : memref<128x128xf32, #tpu.memory_space<vmem>>, vector<1x16xf32>,
        %swap3A_1795 = vector.shape_cast %swap3A_1794 : vector<1x16xf32> to vector<16xf32>
        %swap3A_1796 = vector.shape_cast %mul3A_1791 : vector<16xf32> to vector<1x16xf32>
        tpu.vector_store %arg10[%swap3A_1792, %swap3A_1793], %swap3A_1796 {strides = array<i32>} : memref<128x128xf32, #tpu.memory_space<vmem>>, vector<1x16xf32>,
        %slice3A_1797 = vector.extract_strided_slice %get3A_74 {offsets = [15], sizes = [1], strides = [1]} : vector<16xf32> to vector<1xf32>
        %squeeze3A_1798 = vector.extract %slice3A_1797[0] : f32 from vector<1xf32>
        %broadcast_in_dim3A_1799 = vector.broadcast %squeeze3A_1798 : f32 to vector<16xf32>
        %mul3A_1800 = arith.constant 16 : i32
        %mul3A_1801 = arith.muli %add3A_69, %mul3A_1800 : i32
        %add3A_1802 = arith.constant 15 : i32
        %add3A_1803 = arith.addi %mul3A_1801, %add3A_1802 : i32
        %get3A_1804 = arith.index_cast %add3A_1803 : i32 to index
        %get3A_1805 = arith.constant 0 : index
        %get3A_1806 = tpu.vector_load %arg10[%get3A_1804, %get3A_1805] {strides = array<i32>} : memref<128x128xf32, #tpu.memory_space<vmem>>, vector<1x16xf32>,
        %get3A_1807 = vector.shape_cast %get3A_1806 : vector<1x16xf32> to vector<16xf32>
        %mul3A_1808 = arith.mulf %get3A_1807, %broadcast_in_dim3A_1799 : vector<16xf32>
        %swap3A_1809 = arith.index_cast %add3A_1803 : i32 to index
        %swap3A_1810 = arith.constant 0 : index
        %swap3A_1811 = tpu.vector_load %arg10[%swap3A_1809, %swap3A_1810] {strides = array<i32>} : memref<128x128xf32, #tpu.memory_space<vmem>>, vector<1x16xf32>,
        %swap3A_1812 = vector.shape_cast %swap3A_1811 : vector<1x16xf32> to vector<16xf32>
        %swap3A_1813 = vector.shape_cast %mul3A_1808 : vector<16xf32> to vector<1x16xf32>
        tpu.vector_store %arg10[%swap3A_1809, %swap3A_1810], %swap3A_1813 {strides = array<i32>} : memref<128x128xf32, #tpu.memory_space<vmem>>, vector<1x16xf32>,
        %mul3A_1814 = arith.constant 16 : i32
        %mul3A_1815 = arith.muli %add3A_69, %mul3A_1814 : i32
        %add3A_1816 = arith.constant 15 : i32
        %add3A_1817 = arith.addi %mul3A_1815, %add3A_1816 : i32
        %get3A_1818 = arith.index_cast %add3A_1817 : i32 to index
        %get3A_1819 = arith.constant 16 : index
        %get3A_1820 = tpu.vector_load %arg10[%get3A_1818, %get3A_1819] {strides = array<i32>} : memref<128x128xf32, #tpu.memory_space<vmem>>, vector<1x16xf32>,
        %get3A_1821 = vector.shape_cast %get3A_1820 : vector<1x16xf32> to vector<16xf32>
        %mul3A_1822 = arith.mulf %get3A_1821, %broadcast_in_dim3A_1799 : vector<16xf32>
        %swap3A_1823 = arith.index_cast %add3A_1817 : i32 to index
        %swap3A_1824 = arith.constant 16 : index
        %swap3A_1825 = tpu.vector_load %arg10[%swap3A_1823, %swap3A_1824] {strides = array<i32>} : memref<128x128xf32, #tpu.memory_space<vmem>>, vector<1x16xf32>,
        %swap3A_1826 = vector.shape_cast %swap3A_1825 : vector<1x16xf32> to vector<16xf32>
        %swap3A_1827 = vector.shape_cast %mul3A_1822 : vector<16xf32> to vector<1x16xf32>
        tpu.vector_store %arg10[%swap3A_1823, %swap3A_1824], %swap3A_1827 {strides = array<i32>} : memref<128x128xf32, #tpu.memory_space<vmem>>, vector<1x16xf32>,
        %mul3A_1828 = arith.constant 16 : i32
        %mul3A_1829 = arith.muli %add3A_69, %mul3A_1828 : i32
        %add3A_1830 = arith.constant 15 : i32
        %add3A_1831 = arith.addi %mul3A_1829, %add3A_1830 : i32
        %get3A_1832 = arith.index_cast %add3A_1831 : i32 to index
        %get3A_1833 = arith.constant 32 : index
        %get3A_1834 = tpu.vector_load %arg10[%get3A_1832, %get3A_1833] {strides = array<i32>} : memref<128x128xf32, #tpu.memory_space<vmem>>, vector<1x16xf32>,
        %get3A_1835 = vector.shape_cast %get3A_1834 : vector<1x16xf32> to vector<16xf32>
        %mul3A_1836 = arith.mulf %get3A_1835, %broadcast_in_dim3A_1799 : vector<16xf32>
        %swap3A_1837 = arith.index_cast %add3A_1831 : i32 to index
        %swap3A_1838 = arith.constant 32 : index
        %swap3A_1839 = tpu.vector_load %arg10[%swap3A_1837, %swap3A_1838] {strides = array<i32>} : memref<128x128xf32, #tpu.memory_space<vmem>>, vector<1x16xf32>,
        %swap3A_1840 = vector.shape_cast %swap3A_1839 : vector<1x16xf32> to vector<16xf32>
        %swap3A_1841 = vector.shape_cast %mul3A_1836 : vector<16xf32> to vector<1x16xf32>
        tpu.vector_store %arg10[%swap3A_1837, %swap3A_1838], %swap3A_1841 {strides = array<i32>} : memref<128x128xf32, #tpu.memory_space<vmem>>, vector<1x16xf32>,
        %mul3A_1842 = arith.constant 16 : i32
        %mul3A_1843 = arith.muli %add3A_69, %mul3A_1842 : i32
        %add3A_1844 = arith.constant 15 : i32
        %add3A_1845 = arith.addi %mul3A_1843, %add3A_1844 : i32
        %get3A_1846 = arith.index_cast %add3A_1845 : i32 to index
        %get3A_1847 = arith.constant 48 : index
        %get3A_1848 = tpu.vector_load %arg10[%get3A_1846, %get3A_1847] {strides = array<i32>} : memref<128x128xf32, #tpu.memory_space<vmem>>, vector<1x16xf32>,
        %get3A_1849 = vector.shape_cast %get3A_1848 : vector<1x16xf32> to vector<16xf32>
        %mul3A_1850 = arith.mulf %get3A_1849, %broadcast_in_dim3A_1799 : vector<16xf32>
        %swap3A_1851 = arith.index_cast %add3A_1845 : i32 to index
        %swap3A_1852 = arith.constant 48 : index
        %swap3A_1853 = tpu.vector_load %arg10[%swap3A_1851, %swap3A_1852] {strides = array<i32>} : memref<128x128xf32, #tpu.memory_space<vmem>>, vector<1x16xf32>,
        %swap3A_1854 = vector.shape_cast %swap3A_1853 : vector<1x16xf32> to vector<16xf32>
        %swap3A_1855 = vector.shape_cast %mul3A_1850 : vector<16xf32> to vector<1x16xf32>
        tpu.vector_store %arg10[%swap3A_1851, %swap3A_1852], %swap3A_1855 {strides = array<i32>} : memref<128x128xf32, #tpu.memory_space<vmem>>, vector<1x16xf32>,
        %mul3A_1856 = arith.constant 16 : i32
        %mul3A_1857 = arith.muli %add3A_69, %mul3A_1856 : i32
        %add3A_1858 = arith.constant 15 : i32
        %add3A_1859 = arith.addi %mul3A_1857, %add3A_1858 : i32
        %get3A_1860 = arith.index_cast %add3A_1859 : i32 to index
        %get3A_1861 = arith.constant 64 : index
        %get3A_1862 = tpu.vector_load %arg10[%get3A_1860, %get3A_1861] {strides = array<i32>} : memref<128x128xf32, #tpu.memory_space<vmem>>, vector<1x16xf32>,
        %get3A_1863 = vector.shape_cast %get3A_1862 : vector<1x16xf32> to vector<16xf32>
        %mul3A_1864 = arith.mulf %get3A_1863, %broadcast_in_dim3A_1799 : vector<16xf32>
        %swap3A_1865 = arith.index_cast %add3A_1859 : i32 to index
        %swap3A_1866 = arith.constant 64 : index
        %swap3A_1867 = tpu.vector_load %arg10[%swap3A_1865, %swap3A_1866] {strides = array<i32>} : memref<128x128xf32, #tpu.memory_space<vmem>>, vector<1x16xf32>,
        %swap3A_1868 = vector.shape_cast %swap3A_1867 : vector<1x16xf32> to vector<16xf32>
        %swap3A_1869 = vector.shape_cast %mul3A_1864 : vector<16xf32> to vector<1x16xf32>
        tpu.vector_store %arg10[%swap3A_1865, %swap3A_1866], %swap3A_1869 {strides = array<i32>} : memref<128x128xf32, #tpu.memory_space<vmem>>, vector<1x16xf32>,
        %mul3A_1870 = arith.constant 16 : i32
        %mul3A_1871 = arith.muli %add3A_69, %mul3A_1870 : i32
        %add3A_1872 = arith.constant 15 : i32
        %add3A_1873 = arith.addi %mul3A_1871, %add3A_1872 : i32
        %get3A_1874 = arith.index_cast %add3A_1873 : i32 to index
        %get3A_1875 = arith.constant 80 : index
        %get3A_1876 = tpu.vector_load %arg10[%get3A_1874, %get3A_1875] {strides = array<i32>} : memref<128x128xf32, #tpu.memory_space<vmem>>, vector<1x16xf32>,
        %get3A_1877 = vector.shape_cast %get3A_1876 : vector<1x16xf32> to vector<16xf32>
        %mul3A_1878 = arith.mulf %get3A_1877, %broadcast_in_dim3A_1799 : vector<16xf32>
        %swap3A_1879 = arith.index_cast %add3A_1873 : i32 to index
        %swap3A_1880 = arith.constant 80 : index
        %swap3A_1881 = tpu.vector_load %arg10[%swap3A_1879, %swap3A_1880] {strides = array<i32>} : memref<128x128xf32, #tpu.memory_space<vmem>>, vector<1x16xf32>,
        %swap3A_1882 = vector.shape_cast %swap3A_1881 : vector<1x16xf32> to vector<16xf32>
        %swap3A_1883 = vector.shape_cast %mul3A_1878 : vector<16xf32> to vector<1x16xf32>
        tpu.vector_store %arg10[%swap3A_1879, %swap3A_1880], %swap3A_1883 {strides = array<i32>} : memref<128x128xf32, #tpu.memory_space<vmem>>, vector<1x16xf32>,
        %mul3A_1884 = arith.constant 16 : i32
        %mul3A_1885 = arith.muli %add3A_69, %mul3A_1884 : i32
        %add3A_1886 = arith.constant 15 : i32
        %add3A_1887 = arith.addi %mul3A_1885, %add3A_1886 : i32
        %get3A_1888 = arith.index_cast %add3A_1887 : i32 to index
        %get3A_1889 = arith.constant 96 : index
        %get3A_1890 = tpu.vector_load %arg10[%get3A_1888, %get3A_1889] {strides = array<i32>} : memref<128x128xf32, #tpu.memory_space<vmem>>, vector<1x16xf32>,
        %get3A_1891 = vector.shape_cast %get3A_1890 : vector<1x16xf32> to vector<16xf32>
        %mul3A_1892 = arith.mulf %get3A_1891, %broadcast_in_dim3A_1799 : vector<16xf32>
        %swap3A_1893 = arith.index_cast %add3A_1887 : i32 to index
        %swap3A_1894 = arith.constant 96 : index
        %swap3A_1895 = tpu.vector_load %arg10[%swap3A_1893, %swap3A_1894] {strides = array<i32>} : memref<128x128xf32, #tpu.memory_space<vmem>>, vector<1x16xf32>,
        %swap3A_1896 = vector.shape_cast %swap3A_1895 : vector<1x16xf32> to vector<16xf32>
        %swap3A_1897 = vector.shape_cast %mul3A_1892 : vector<16xf32> to vector<1x16xf32>
        tpu.vector_store %arg10[%swap3A_1893, %swap3A_1894], %swap3A_1897 {strides = array<i32>} : memref<128x128xf32, #tpu.memory_space<vmem>>, vector<1x16xf32>,
        %mul3A_1898 = arith.constant 16 : i32
        %mul3A_1899 = arith.muli %add3A_69, %mul3A_1898 : i32
        %add3A_1900 = arith.constant 15 : i32
        %add3A_1901 = arith.addi %mul3A_1899, %add3A_1900 : i32
        %get3A_1902 = arith.index_cast %add3A_1901 : i32 to index
        %get3A_1903 = arith.constant 112 : index
        %get3A_1904 = tpu.vector_load %arg10[%get3A_1902, %get3A_1903] {strides = array<i32>} : memref<128x128xf32, #tpu.memory_space<vmem>>, vector<1x16xf32>,
        %get3A_1905 = vector.shape_cast %get3A_1904 : vector<1x16xf32> to vector<16xf32>
        %mul3A_1906 = arith.mulf %get3A_1905, %broadcast_in_dim3A_1799 : vector<16xf32>
        %swap3A_1907 = arith.index_cast %add3A_1901 : i32 to index
        %swap3A_1908 = arith.constant 112 : index
        %swap3A_1909 = tpu.vector_load %arg10[%swap3A_1907, %swap3A_1908] {strides = array<i32>} : memref<128x128xf32, #tpu.memory_space<vmem>>, vector<1x16xf32>,
        %swap3A_1910 = vector.shape_cast %swap3A_1909 : vector<1x16xf32> to vector<16xf32>
        %swap3A_1911 = vector.shape_cast %mul3A_1906 : vector<16xf32> to vector<1x16xf32>
        tpu.vector_store %arg10[%swap3A_1907, %swap3A_1908], %swap3A_1911 {strides = array<i32>} : memref<128x128xf32, #tpu.memory_space<vmem>>, vector<1x16xf32>,
      }
      %scan3A_64 = arith.constant 8 : i32
      "tpu.region"() ({
        %run_scoped3A = tpu.sem_alloc : memref<!tpu.dma_semaphore, #tpu.memory_space<semaphore_mem>>
        %dma_start3A = arith.constant 0 : i32
        %dma_start3A_65 = tpu.memref_slice %arg8[%add3A_59, %dma_start3A] : memref<80x128xi32, #tpu.memory_space<vmem>> -> memref<1x128xi32, #tpu.memory_space<vmem>>
        %dma_start3A_66 = tpu.memref_squeeze %dma_start3A_65 : memref<1x128xi32, #tpu.memory_space<vmem>> -> memref<128xi32, #tpu.memory_space<vmem>>
        %dma_start3A_67 = arith.constant 0 : i32
        %dma_start3A_68 = arith.constant 0 : i32
        %dma_start3A_69 = tpu.memref_slice %arg11[%dma_start3A_67, %dma_start3A_68] : memref<10240x128xf32, #tpu.memory_space<vmem_shared>> -> memref<10240x128xf32, #tpu.memory_space<vmem_shared>>
        tpu.enqueue_indirect_dma source(%arg10 : memref<128x128xf32, #tpu.memory_space<vmem>>) target(%dma_start3A_69 : memref<10240x128xf32, #tpu.memory_space<vmem_shared>>) offsets(%dma_start3A_66 : memref<128xi32, #tpu.memory_space<vmem>>) semaphore(%run_scoped3A : memref<!tpu.dma_semaphore, #tpu.memory_space<semaphore_mem>>) {add = true}
        %dma_wait3A = arith.constant 0 : i32
        %dma_wait3A_70 = tpu.memref_slice %arg8[%add3A_59, %dma_wait3A] : memref<80x128xi32, #tpu.memory_space<vmem>> -> memref<1x128xi32, #tpu.memory_space<vmem>>
        %dma_wait3A_71 = tpu.memref_squeeze %dma_wait3A_70 : memref<1x128xi32, #tpu.memory_space<vmem>> -> memref<128xi32, #tpu.memory_space<vmem>>
        %dma_wait3A_72 = arith.constant 0 : i32
        %dma_wait3A_73 = arith.constant 0 : i32
        %dma_wait3A_74 = tpu.memref_slice %arg11[%dma_wait3A_72, %dma_wait3A_73] : memref<10240x128xf32, #tpu.memory_space<vmem_shared>> -> memref<10240x128xf32, #tpu.memory_space<vmem_shared>>
        tpu.wait_indirect_dma semaphore(%run_scoped3A : memref<!tpu.dma_semaphore, #tpu.memory_space<semaphore_mem>>) src(%arg10 : memref<128x128xf32, #tpu.memory_space<vmem>>) dst(%dma_wait3A_74 : memref<10240x128xf32, #tpu.memory_space<vmem_shared>>)
        tpu.yield
      }) : () -> ()
    }
    %scan3A_33 = arith.constant 80 : i32
    %barrier3A_34 = arith.constant 0 : index
    tpu.barrier barrier_id(%barrier3A_34)
    %mul3A_35 = arith.constant 640 : i32
    %mul3A_36 = arith.muli %arg1, %mul3A_35 : i32
    %add3A_37 = arith.constant 0 : i32
    %add3A_38 = arith.addi %mul3A_36, %add3A_37 : i32
    "tpu.region"() ({
      %run_scoped3A = tpu.sem_alloc : memref<!tpu.dma_semaphore, #tpu.memory_space<semaphore_mem>>
      %dma_start3A = arith.constant 0 : i32
      %dma_start3A_55 = arith.constant 0 : i32
      %dma_start3A_56 = tpu.memref_slice %arg6[%arg0, %dma_start3A, %dma_start3A_55] : memref<2x10240x128xf32, #tpu.memory_space<hbm>> -> memref<1x10240x128xf32, #tpu.memory_space<hbm>>
      %dma_start3A_57 = tpu.memref_squeeze %dma_start3A_56 : memref<1x10240x128xf32, #tpu.memory_space<hbm>> -> memref<10240x128xf32, #tpu.memory_space<hbm>>
      %dma_start3A_58 = arith.constant 0 : i32
      %dma_start3A_59 = tpu.memref_slice %dma_start3A_57[%add3A_38, %dma_start3A_58] : memref<10240x128xf32, #tpu.memory_space<hbm>> -> memref<128x128xf32, #tpu.memory_space<hbm>>
      %dma_start3A_60 = arith.constant 0 : i32
      %dma_start3A_61 = tpu.memref_slice %arg11[%add3A_38, %dma_start3A_60] : memref<10240x128xf32, #tpu.memory_space<vmem_shared>> -> memref<128x128xf32, #tpu.memory_space<vmem_shared>>
      tpu.enqueue_dma source(%dma_start3A_61 : memref<128x128xf32, #tpu.memory_space<vmem_shared>>) target(%dma_start3A_59 : memref<128x128xf32, #tpu.memory_space<hbm>>) target_semaphore(%run_scoped3A : memref<!tpu.dma_semaphore, #tpu.memory_space<semaphore_mem>>)
      %dma_wait3A = arith.constant 0 : i32
      %dma_wait3A_62 = arith.constant 0 : i32
      %dma_wait3A_63 = tpu.memref_slice %arg6[%arg0, %dma_wait3A, %dma_wait3A_62] : memref<2x10240x128xf32, #tpu.memory_space<hbm>> -> memref<1x10240x128xf32, #tpu.memory_space<hbm>>
      %dma_wait3A_64 = tpu.memref_squeeze %dma_wait3A_63 : memref<1x10240x128xf32, #tpu.memory_space<hbm>> -> memref<10240x128xf32, #tpu.memory_space<hbm>>
      %dma_wait3A_65 = arith.constant 0 : i32
      %dma_wait3A_66 = tpu.memref_slice %dma_wait3A_64[%add3A_38, %dma_wait3A_65] : memref<10240x128xf32, #tpu.memory_space<hbm>> -> memref<128x128xf32, #tpu.memory_space<hbm>>
      %dma_wait3A_67 = arith.constant 0 : i32
      %dma_wait3A_68 = tpu.memref_slice %arg11[%add3A_38, %dma_wait3A_67] : memref<10240x128xf32, #tpu.memory_space<vmem_shared>> -> memref<128x128xf32, #tpu.memory_space<vmem_shared>>
      tpu.wait_dma2 semaphore(%run_scoped3A : memref<!tpu.dma_semaphore, #tpu.memory_space<semaphore_mem>>) src(%dma_wait3A_68 : memref<128x128xf32, #tpu.memory_space<vmem_shared>>) dst(%dma_wait3A_66 : memref<128x128xf32, #tpu.memory_space<hbm>>)
      tpu.yield
    }) : () -> ()
    %mul3A_39 = arith.constant 640 : i32
    %mul3A_40 = arith.muli %arg1, %mul3A_39 : i32
    %add3A_41 = arith.constant 128 : i32
    %add3A_42 = arith.addi %mul3A_40, %add3A_41 : i32
    "tpu.region"() ({
      %run_scoped3A = tpu.sem_alloc : memref<!tpu.dma_semaphore, #tpu.memory_space<semaphore_mem>>
      %dma_start3A = arith.constant 0 : i32
      %dma_start3A_55 = arith.constant 0 : i32
      %dma_start3A_56 = tpu.memref_slice %arg6[%arg0, %dma_start3A, %dma_start3A_55] : memref<2x10240x128xf32, #tpu.memory_space<hbm>> -> memref<1x10240x128xf32, #tpu.memory_space<hbm>>
      %dma_start3A_57 = tpu.memref_squeeze %dma_start3A_56 : memref<1x10240x128xf32, #tpu.memory_space<hbm>> -> memref<10240x128xf32, #tpu.memory_space<hbm>>
      %dma_start3A_58 = arith.constant 0 : i32
      %dma_start3A_59 = tpu.memref_slice %dma_start3A_57[%add3A_42, %dma_start3A_58] : memref<10240x128xf32, #tpu.memory_space<hbm>> -> memref<128x128xf32, #tpu.memory_space<hbm>>
      %dma_start3A_60 = arith.constant 0 : i32
      %dma_start3A_61 = tpu.memref_slice %arg11[%add3A_42, %dma_start3A_60] : memref<10240x128xf32, #tpu.memory_space<vmem_shared>> -> memref<128x128xf32, #tpu.memory_space<vmem_shared>>
      tpu.enqueue_dma source(%dma_start3A_61 : memref<128x128xf32, #tpu.memory_space<vmem_shared>>) target(%dma_start3A_59 : memref<128x128xf32, #tpu.memory_space<hbm>>) target_semaphore(%run_scoped3A : memref<!tpu.dma_semaphore, #tpu.memory_space<semaphore_mem>>)
      %dma_wait3A = arith.constant 0 : i32
      %dma_wait3A_62 = arith.constant 0 : i32
      %dma_wait3A_63 = tpu.memref_slice %arg6[%arg0, %dma_wait3A, %dma_wait3A_62] : memref<2x10240x128xf32, #tpu.memory_space<hbm>> -> memref<1x10240x128xf32, #tpu.memory_space<hbm>>
      %dma_wait3A_64 = tpu.memref_squeeze %dma_wait3A_63 : memref<1x10240x128xf32, #tpu.memory_space<hbm>> -> memref<10240x128xf32, #tpu.memory_space<hbm>>
      %dma_wait3A_65 = arith.constant 0 : i32
      %dma_wait3A_66 = tpu.memref_slice %dma_wait3A_64[%add3A_42, %dma_wait3A_65] : memref<10240x128xf32, #tpu.memory_space<hbm>> -> memref<128x128xf32, #tpu.memory_space<hbm>>
      %dma_wait3A_67 = arith.constant 0 : i32
      %dma_wait3A_68 = tpu.memref_slice %arg11[%add3A_42, %dma_wait3A_67] : memref<10240x128xf32, #tpu.memory_space<vmem_shared>> -> memref<128x128xf32, #tpu.memory_space<vmem_shared>>
      tpu.wait_dma2 semaphore(%run_scoped3A : memref<!tpu.dma_semaphore, #tpu.memory_space<semaphore_mem>>) src(%dma_wait3A_68 : memref<128x128xf32, #tpu.memory_space<vmem_shared>>) dst(%dma_wait3A_66 : memref<128x128xf32, #tpu.memory_space<hbm>>)
      tpu.yield
    }) : () -> ()
    %mul3A_43 = arith.constant 640 : i32
    %mul3A_44 = arith.muli %arg1, %mul3A_43 : i32
    %add3A_45 = arith.constant 256 : i32
    %add3A_46 = arith.addi %mul3A_44, %add3A_45 : i32
    "tpu.region"() ({
      %run_scoped3A = tpu.sem_alloc : memref<!tpu.dma_semaphore, #tpu.memory_space<semaphore_mem>>
      %dma_start3A = arith.constant 0 : i32
      %dma_start3A_55 = arith.constant 0 : i32
      %dma_start3A_56 = tpu.memref_slice %arg6[%arg0, %dma_start3A, %dma_start3A_55] : memref<2x10240x128xf32, #tpu.memory_space<hbm>> -> memref<1x10240x128xf32, #tpu.memory_space<hbm>>
      %dma_start3A_57 = tpu.memref_squeeze %dma_start3A_56 : memref<1x10240x128xf32, #tpu.memory_space<hbm>> -> memref<10240x128xf32, #tpu.memory_space<hbm>>
      %dma_start3A_58 = arith.constant 0 : i32
      %dma_start3A_59 = tpu.memref_slice %dma_start3A_57[%add3A_46, %dma_start3A_58] : memref<10240x128xf32, #tpu.memory_space<hbm>> -> memref<128x128xf32, #tpu.memory_space<hbm>>
      %dma_start3A_60 = arith.constant 0 : i32
      %dma_start3A_61 = tpu.memref_slice %arg11[%add3A_46, %dma_start3A_60] : memref<10240x128xf32, #tpu.memory_space<vmem_shared>> -> memref<128x128xf32, #tpu.memory_space<vmem_shared>>
      tpu.enqueue_dma source(%dma_start3A_61 : memref<128x128xf32, #tpu.memory_space<vmem_shared>>) target(%dma_start3A_59 : memref<128x128xf32, #tpu.memory_space<hbm>>) target_semaphore(%run_scoped3A : memref<!tpu.dma_semaphore, #tpu.memory_space<semaphore_mem>>)
      %dma_wait3A = arith.constant 0 : i32
      %dma_wait3A_62 = arith.constant 0 : i32
      %dma_wait3A_63 = tpu.memref_slice %arg6[%arg0, %dma_wait3A, %dma_wait3A_62] : memref<2x10240x128xf32, #tpu.memory_space<hbm>> -> memref<1x10240x128xf32, #tpu.memory_space<hbm>>
      %dma_wait3A_64 = tpu.memref_squeeze %dma_wait3A_63 : memref<1x10240x128xf32, #tpu.memory_space<hbm>> -> memref<10240x128xf32, #tpu.memory_space<hbm>>
      %dma_wait3A_65 = arith.constant 0 : i32
      %dma_wait3A_66 = tpu.memref_slice %dma_wait3A_64[%add3A_46, %dma_wait3A_65] : memref<10240x128xf32, #tpu.memory_space<hbm>> -> memref<128x128xf32, #tpu.memory_space<hbm>>
      %dma_wait3A_67 = arith.constant 0 : i32
      %dma_wait3A_68 = tpu.memref_slice %arg11[%add3A_46, %dma_wait3A_67] : memref<10240x128xf32, #tpu.memory_space<vmem_shared>> -> memref<128x128xf32, #tpu.memory_space<vmem_shared>>
      tpu.wait_dma2 semaphore(%run_scoped3A : memref<!tpu.dma_semaphore, #tpu.memory_space<semaphore_mem>>) src(%dma_wait3A_68 : memref<128x128xf32, #tpu.memory_space<vmem_shared>>) dst(%dma_wait3A_66 : memref<128x128xf32, #tpu.memory_space<hbm>>)
      tpu.yield
    }) : () -> ()
    %mul3A_47 = arith.constant 640 : i32
    %mul3A_48 = arith.muli %arg1, %mul3A_47 : i32
    %add3A_49 = arith.constant 384 : i32
    %add3A_50 = arith.addi %mul3A_48, %add3A_49 : i32
    "tpu.region"() ({
      %run_scoped3A = tpu.sem_alloc : memref<!tpu.dma_semaphore, #tpu.memory_space<semaphore_mem>>
      %dma_start3A = arith.constant 0 : i32
      %dma_start3A_55 = arith.constant 0 : i32
      %dma_start3A_56 = tpu.memref_slice %arg6[%arg0, %dma_start3A, %dma_start3A_55] : memref<2x10240x128xf32, #tpu.memory_space<hbm>> -> memref<1x10240x128xf32, #tpu.memory_space<hbm>>
      %dma_start3A_57 = tpu.memref_squeeze %dma_start3A_56 : memref<1x10240x128xf32, #tpu.memory_space<hbm>> -> memref<10240x128xf32, #tpu.memory_space<hbm>>
      %dma_start3A_58 = arith.constant 0 : i32
      %dma_start3A_59 = tpu.memref_slice %dma_start3A_57[%add3A_50, %dma_start3A_58] : memref<10240x128xf32, #tpu.memory_space<hbm>> -> memref<128x128xf32, #tpu.memory_space<hbm>>
      %dma_start3A_60 = arith.constant 0 : i32
      %dma_start3A_61 = tpu.memref_slice %arg11[%add3A_50, %dma_start3A_60] : memref<10240x128xf32, #tpu.memory_space<vmem_shared>> -> memref<128x128xf32, #tpu.memory_space<vmem_shared>>
      tpu.enqueue_dma source(%dma_start3A_61 : memref<128x128xf32, #tpu.memory_space<vmem_shared>>) target(%dma_start3A_59 : memref<128x128xf32, #tpu.memory_space<hbm>>) target_semaphore(%run_scoped3A : memref<!tpu.dma_semaphore, #tpu.memory_space<semaphore_mem>>)
      %dma_wait3A = arith.constant 0 : i32
      %dma_wait3A_62 = arith.constant 0 : i32
      %dma_wait3A_63 = tpu.memref_slice %arg6[%arg0, %dma_wait3A, %dma_wait3A_62] : memref<2x10240x128xf32, #tpu.memory_space<hbm>> -> memref<1x10240x128xf32, #tpu.memory_space<hbm>>
      %dma_wait3A_64 = tpu.memref_squeeze %dma_wait3A_63 : memref<1x10240x128xf32, #tpu.memory_space<hbm>> -> memref<10240x128xf32, #tpu.memory_space<hbm>>
      %dma_wait3A_65 = arith.constant 0 : i32
      %dma_wait3A_66 = tpu.memref_slice %dma_wait3A_64[%add3A_50, %dma_wait3A_65] : memref<10240x128xf32, #tpu.memory_space<hbm>> -> memref<128x128xf32, #tpu.memory_space<hbm>>
      %dma_wait3A_67 = arith.constant 0 : i32
      %dma_wait3A_68 = tpu.memref_slice %arg11[%add3A_50, %dma_wait3A_67] : memref<10240x128xf32, #tpu.memory_space<vmem_shared>> -> memref<128x128xf32, #tpu.memory_space<vmem_shared>>
      tpu.wait_dma2 semaphore(%run_scoped3A : memref<!tpu.dma_semaphore, #tpu.memory_space<semaphore_mem>>) src(%dma_wait3A_68 : memref<128x128xf32, #tpu.memory_space<vmem_shared>>) dst(%dma_wait3A_66 : memref<128x128xf32, #tpu.memory_space<hbm>>)
      tpu.yield
    }) : () -> ()
    %mul3A_51 = arith.constant 640 : i32
    %mul3A_52 = arith.muli %arg1, %mul3A_51 : i32
    %add3A_53 = arith.constant 512 : i32
    %add3A_54 = arith.addi %mul3A_52, %add3A_53 : i32
    "tpu.region"() ({
      %run_scoped3A = tpu.sem_alloc : memref<!tpu.dma_semaphore, #tpu.memory_space<semaphore_mem>>
      %dma_start3A = arith.constant 0 : i32
      %dma_start3A_55 = arith.constant 0 : i32
      %dma_start3A_56 = tpu.memref_slice %arg6[%arg0, %dma_start3A, %dma_start3A_55] : memref<2x10240x128xf32, #tpu.memory_space<hbm>> -> memref<1x10240x128xf32, #tpu.memory_space<hbm>>
      %dma_start3A_57 = tpu.memref_squeeze %dma_start3A_56 : memref<1x10240x128xf32, #tpu.memory_space<hbm>> -> memref<10240x128xf32, #tpu.memory_space<hbm>>
      %dma_start3A_58 = arith.constant 0 : i32
      %dma_start3A_59 = tpu.memref_slice %dma_start3A_57[%add3A_54, %dma_start3A_58] : memref<10240x128xf32, #tpu.memory_space<hbm>> -> memref<128x128xf32, #tpu.memory_space<hbm>>
      %dma_start3A_60 = arith.constant 0 : i32
      %dma_start3A_61 = tpu.memref_slice %arg11[%add3A_54, %dma_start3A_60] : memref<10240x128xf32, #tpu.memory_space<vmem_shared>> -> memref<128x128xf32, #tpu.memory_space<vmem_shared>>
      tpu.enqueue_dma source(%dma_start3A_61 : memref<128x128xf32, #tpu.memory_space<vmem_shared>>) target(%dma_start3A_59 : memref<128x128xf32, #tpu.memory_space<hbm>>) target_semaphore(%run_scoped3A : memref<!tpu.dma_semaphore, #tpu.memory_space<semaphore_mem>>)
      %dma_wait3A = arith.constant 0 : i32
      %dma_wait3A_62 = arith.constant 0 : i32
      %dma_wait3A_63 = tpu.memref_slice %arg6[%arg0, %dma_wait3A, %dma_wait3A_62] : memref<2x10240x128xf32, #tpu.memory_space<hbm>> -> memref<1x10240x128xf32, #tpu.memory_space<hbm>>
      %dma_wait3A_64 = tpu.memref_squeeze %dma_wait3A_63 : memref<1x10240x128xf32, #tpu.memory_space<hbm>> -> memref<10240x128xf32, #tpu.memory_space<hbm>>
      %dma_wait3A_65 = arith.constant 0 : i32
      %dma_wait3A_66 = tpu.memref_slice %dma_wait3A_64[%add3A_54, %dma_wait3A_65] : memref<10240x128xf32, #tpu.memory_space<hbm>> -> memref<128x128xf32, #tpu.memory_space<hbm>>
      %dma_wait3A_67 = arith.constant 0 : i32
      %dma_wait3A_68 = tpu.memref_slice %arg11[%add3A_54, %dma_wait3A_67] : memref<10240x128xf32, #tpu.memory_space<vmem_shared>> -> memref<128x128xf32, #tpu.memory_space<vmem_shared>>
      tpu.wait_dma2 semaphore(%run_scoped3A : memref<!tpu.dma_semaphore, #tpu.memory_space<semaphore_mem>>) src(%dma_wait3A_68 : memref<128x128xf32, #tpu.memory_space<vmem_shared>>) dst(%dma_wait3A_66 : memref<128x128xf32, #tpu.memory_space<hbm>>)
      tpu.yield
    }) : () -> ()
    return
  }
}

module attributes {stable_mosaic.version = 14 : i64} {
  func.func @_mm_body(%arg0: i32, %arg1: memref<1000x256xf32, #tpu.memory_space<vmem>>, %arg2: memref<256x256xf32, #tpu.memory_space<vmem>>, %arg3: memref<1000x256xf32, #tpu.memory_space<vmem>>, %arg4: memref<2x1000x128xf32, #tpu.memory_space<vmem>>) attributes {dimension_semantics = [#tpu.dimension_semantics<arbitrary>], iteration_bounds = array<i64: 10>, scalar_prefetch = 0 : i64, scratch_operands = 0 : i64, tpu.core_type = #tpu.core_type<tc>, window_params = [{transform_indices = @transform_0, window_bounds = array<i64: 1000, 256>}, {pipeline_mode = #tpu.pipeline_mode<synchronous>, transform_indices = @transform_1, window_bounds = array<i64: 256, 256>}, {transform_indices = @transform_2, window_bounds = array<i64: 1000, 256>}, {transform_indices = @transform_3, window_bounds = array<i64: 2, 1000, 128>}]} {
    %get3A = arith.constant 0 : index
    %get3A_0 = arith.constant 0 : index
    %get3A_1 = vector.load %arg1[%get3A, %get3A_0] : memref<1000x256xf32, #tpu.memory_space<vmem>>, vector<1000x256xf32>
    %get3A_2 = arith.constant 0 : index
    %get3A_3 = arith.constant 0 : index
    %get3A_4 = vector.load %arg2[%get3A_2, %get3A_3] : memref<256x256xf32, #tpu.memory_space<vmem>>, vector<256x256xf32>
    %dot_general3A = arith.constant dense<0.000000e+00> : vector<1000x256xf32>
    %dot_general3A_5 = tpu.matmul %get3A_1, %get3A_4, %dot_general3A {dimension_numbers = #tpu.dot_dimension_numbers<[1], [1], [0], [0], [0, 0, 1, 0], [], []>, transpose_lhs_hint = false} : vector<1000x256xf32>, vector<256x256xf32>, vector<1000x256xf32> -> vector<1000x256xf32>
    %swap3A = arith.constant 0 : index
    %swap3A_6 = arith.constant 0 : index
    %swap3A_7 = vector.load %arg3[%swap3A, %swap3A_6] : memref<1000x256xf32, #tpu.memory_space<vmem>>, vector<1000x256xf32>
    tpu.vector_store %arg3[%swap3A, %swap3A_6], %dot_general3A_5 {strides = array<i32>} : memref<1000x256xf32, #tpu.memory_space<vmem>>, vector<1000x256xf32>,
    %slice3A = vector.extract_strided_slice %dot_general3A_5 {offsets = [0, 0], sizes = [1000, 128], strides = [1, 1]} : vector<1000x256xf32> to vector<1000x128xf32>
    %swap3A_8 = arith.constant 0 : index
    %swap3A_9 = arith.constant 0 : index
    %swap3A_10 = arith.constant 0 : index
    %swap3A_11 = vector.load %arg4[%swap3A_8, %swap3A_9, %swap3A_10] : memref<2x1000x128xf32, #tpu.memory_space<vmem>>, vector<1x1000x128xf32>
    %swap3A_12 = vector.shape_cast %swap3A_11 : vector<1x1000x128xf32> to vector<1000x128xf32>
    %swap3A_13 = vector.shape_cast %slice3A : vector<1000x128xf32> to vector<1x1000x128xf32>
    tpu.vector_store %arg4[%swap3A_8, %swap3A_9, %swap3A_10], %swap3A_13 {strides = array<i32>} : memref<2x1000x128xf32, #tpu.memory_space<vmem>>, vector<1x1000x128xf32>,
    %slice3A_14 = vector.extract_strided_slice %dot_general3A_5 {offsets = [0, 128], sizes = [1000, 128], strides = [1, 1]} : vector<1000x256xf32> to vector<1000x128xf32>
    %swap3A_15 = arith.constant 1 : index
    %swap3A_16 = arith.constant 0 : index
    %swap3A_17 = arith.constant 0 : index
    %swap3A_18 = vector.load %arg4[%swap3A_15, %swap3A_16, %swap3A_17] : memref<2x1000x128xf32, #tpu.memory_space<vmem>>, vector<1x1000x128xf32>
    %swap3A_19 = vector.shape_cast %swap3A_18 : vector<1x1000x128xf32> to vector<1000x128xf32>
    %swap3A_20 = vector.shape_cast %slice3A_14 : vector<1000x128xf32> to vector<1x1000x128xf32>
    tpu.vector_store %arg4[%swap3A_15, %swap3A_16, %swap3A_17], %swap3A_20 {strides = array<i32>} : memref<2x1000x128xf32, #tpu.memory_space<vmem>>, vector<1x1000x128xf32>,
    return
  }
  func.func @transform_0(%arg0: i32) -> (i32, i32) {
    %c0_i32 = arith.constant 0 : i32
    %c0_i32_0 = arith.constant 0 : i32
    return %arg0, %c0_i32 : i32, i32
  }
  func.func @transform_1(%arg0: i32) -> (i32, i32) {
    %c0_i32 = arith.constant 0 : i32
    %c0_i32_0 = arith.constant 0 : i32
    %c0_i32_1 = arith.constant 0 : i32
    return %c0_i32, %c0_i32_0 : i32, i32
  }
  func.func @transform_2(%arg0: i32) -> (i32, i32) {
    %c0_i32 = arith.constant 0 : i32
    %c0_i32_0 = arith.constant 0 : i32
    return %arg0, %c0_i32 : i32, i32
  }
  func.func @transform_3(%arg0: i32) -> (i32, i32, i32) {
    %c0_i32 = arith.constant 0 : i32
    %c0_i32_0 = arith.constant 0 : i32
    %c0_i32_1 = arith.constant 0 : i32
    return %c0_i32, %arg0, %c0_i32_0 : i32, i32, i32
  }
}

module attributes {stable_mosaic.version = 14 : i64} {
  func.func @_ep_body(%arg0: i32, %arg1: memref<2x1000x128xf32, #tpu.memory_space<vmem>>, %arg2: memref<1x256xf32, #tpu.memory_space<vmem>>, %arg3: memref<1x1xf32, #tpu.memory_space<smem>>, %arg4: memref<1000x256xf32, #tpu.memory_space<vmem>>) attributes {dimension_semantics = [#tpu.dimension_semantics<arbitrary>], iteration_bounds = array<i64: 10>, scalar_prefetch = 0 : i64, scratch_operands = 0 : i64, tpu.core_type = #tpu.core_type<tc>, window_params = [{transform_indices = @transform_0, window_bounds = array<i64: 2, 1000, 128>}, {pipeline_mode = #tpu.pipeline_mode<synchronous>, transform_indices = @transform_1, window_bounds = array<i64: 1, 256>}, {transform_indices = @transform_2, window_bounds = array<i64: 1, 1>}, {transform_indices = @transform_3, window_bounds = array<i64: 1000, 256>}]} {
    %get3A = arith.constant 0 : index
    %get3A_0 = arith.constant 0 : index
    %get3A_1 = arith.constant 0 : index
    %get3A_2 = vector.load %arg1[%get3A, %get3A_0, %get3A_1] : memref<2x1000x128xf32, #tpu.memory_space<vmem>>, vector<1x1000x128xf32>
    %get3A_3 = vector.shape_cast %get3A_2 : vector<1x1000x128xf32> to vector<1000x128xf32>
    %get3A_4 = arith.constant 1 : index
    %get3A_5 = arith.constant 0 : index
    %get3A_6 = arith.constant 0 : index
    %get3A_7 = vector.load %arg1[%get3A_4, %get3A_5, %get3A_6] : memref<2x1000x128xf32, #tpu.memory_space<vmem>>, vector<1x1000x128xf32>
    %get3A_8 = vector.shape_cast %get3A_7 : vector<1x1000x128xf32> to vector<1000x128xf32>
    %concatenate3A = tpu.concatenate %get3A_3, %get3A_8 in 1 : vector<1000x128xf32>, vector<1000x128xf32> -> vector<1000x256xf32>
    %get3A_9 = arith.constant 0 : index
    %get3A_10 = arith.constant 0 : index
    %get3A_11 = vector.load %arg2[%get3A_9, %get3A_10] : memref<1x256xf32, #tpu.memory_space<vmem>>, vector<1x256xf32>
    %add3A = vector.broadcast %get3A_11 : vector<1x256xf32> to vector<1000x256xf32>
    %add3A_12 = arith.addf %concatenate3A, %add3A : vector<1000x256xf32>
    %get3A_13 = arith.constant 0 : index
    %get3A_14 = arith.constant 0 : index
    %get3A_15 = memref.load %arg3[%get3A_13, %get3A_14] : memref<1x1xf32, #tpu.memory_space<smem>>
    %ge3A = arith.constant 0.000000e+00 : f32
    %ge3A_16 = vector.broadcast %ge3A : f32 to vector<1000x256xf32>
    %ge3A_17 = arith.cmpf oge, %add3A_12, %ge3A_16 : vector<1000x256xf32>
    %mul3A = vector.broadcast %get3A_15 : f32 to vector<1000x256xf32>
    %mul3A_18 = arith.mulf %mul3A, %add3A_12 : vector<1000x256xf32>
    %select_n3A = arith.select %ge3A_17, %add3A_12, %mul3A_18 : vector<1000x256xi1>, vector<1000x256xf32>
    %swap3A = arith.constant 0 : index
    %swap3A_19 = arith.constant 0 : index
    %swap3A_20 = vector.load %arg4[%swap3A, %swap3A_19] : memref<1000x256xf32, #tpu.memory_space<vmem>>, vector<1000x256xf32>
    tpu.vector_store %arg4[%swap3A, %swap3A_19], %select_n3A {strides = array<i32>} : memref<1000x256xf32, #tpu.memory_space<vmem>>, vector<1000x256xf32>,
    return
  }
  func.func @transform_0(%arg0: i32) -> (i32, i32, i32) {
    %c0_i32 = arith.constant 0 : i32
    %c0_i32_0 = arith.constant 0 : i32
    %c0_i32_1 = arith.constant 0 : i32
    return %c0_i32, %arg0, %c0_i32_0 : i32, i32, i32
  }
  func.func @transform_1(%arg0: i32) -> (i32, i32) {
    %c0_i32 = arith.constant 0 : i32
    %c0_i32_0 = arith.constant 0 : i32
    %c0_i32_1 = arith.constant 0 : i32
    return %c0_i32, %c0_i32_0 : i32, i32
  }
  func.func @transform_2(%arg0: i32) -> (i32, i32) {
    %c0_i32 = arith.constant 0 : i32
    %c0_i32_0 = arith.constant 0 : i32
    %c0_i32_1 = arith.constant 0 : i32
    return %c0_i32, %c0_i32_0 : i32, i32
  }
  func.func @transform_3(%arg0: i32) -> (i32, i32) {
    %c0_i32 = arith.constant 0 : i32
    %c0_i32_0 = arith.constant 0 : i32
    return %arg0, %c0_i32 : i32, i32
  }
}

</mosaic_0001>

<sc_bundles>
// kernel: kernel.5.cloned.1.call-start
scs
__scs_entry_jumppad:
0x0: {  	(pc) =	sbr.rel $0x88, $3  }
0x1: {  	(tag) =	ssettag $0x0;
	lr =	simm.s32 $0x1  }
0x2: {  	[smem:$0x3F9B] =	sst lr;
	_ =	strace $0xD0000000  }
0x3: {  	_ = 	snop  }
0x4: {  	_ = 	snop  }
0x5: {  	_ = 	snop  }
0x6: {  	_ = 	snop  }
0x7: {  	_ = 	snop  }
__scs_overlays_trampoline_lowered:
0x8: {  	[smem:$0x3FAA] =	sst s0  }
0x9: {  	[smem:$0x3FAB] =	sst s1  }
0xa: {  	[smem:$0x3FAC] =	sst s2  }
0xb: {  	[smem:$0x3FAD] =	sst s3  }
0xc: {  	[smem:$0x3FAE] =	sst s4  }
0xd: {  	[smem:$0x3FAF] =	sst s5  }
0xe: {  	[smem:$0x3FB0] =	sst s6  }
0xf: {  	[smem:$0x3FB1] =	sst s7  }
0x10: {  	[smem:$0x3FB2] =	sst s8  }
0x11: {  	[smem:$0x3FB3] =	sst s9;
	s0 =	simm.s32 @!p0 $0x0  }
0x12: {  	s1 =	sld [smem:$0x3F99];
	s0 =	simm.s32 @p0 $0x1  }
0x13: {  	[smem:$0x3FB4] =	sst s0;
	s0 =	simm.s32 @!p1 $0x0  }
0x14: {  	s2 =	sld [smem:$0x3F98];
	s0 =	simm.s32 @p1 $0x1  }
0x15: {  	[smem:$0x3FB5] =	sst s0;
	s0 =	simm.s32 @!p2 $0x0  }
0x16: {  	s3 =	sld [smem:$0x3FDB];
	s0 =	simm.s32 @p2 $0x1  }
0x17: {  	s4 =	simm.s32 $0x1BF5;
	[smem:$0x3FB7] =	sst s0  }
0x18: {  	s0 =	sld [smem:$0x3F9A];
	_ =	swait.ge [sflag:s4], $0x0  }
0x19: {  	s7 =	sld [smem:$0x3F9B]  }
0x1a: {  	s8 =	sadd.s32 $0xFFFFE003, lr  }
0x1b: {  	s9 =	sadd.s32 $0xFFFFFEF7, lr;
	s5 =	simm.s32 $0xFFFFFFFF;
	p2 =	slt.u32 s8, $0xFFFFF086  }
0x1c: {  	p1 =	slt.u32 s9, $0xF7A;
	s5 =	simm.s32 @!p2 $0x0  }
0x1d: {  	s5 =	simm.s32 @p1 $0x1;
	p0 =	seq.s32 s7, s2  }
0x1e: {  	s7 =	smul.u32 @!p0 $0xF7A, s2;
	p2 =	seq.s32 @!p0 s5, $0x0  }
0x1f: {  	s9 =	smul.u32 $0xF7A, s1;
	s8 =	simm.s32 @!p0 $0x1BF5;
	p2 =	por !p2, p0  }
0x20: {  	[sflag:s8] =	ssyncset.s32 @!p0 $0xFFFFF086;
	s6 =	sadd.s32 @!p0 s3, s7;
	s7 =	simm.s32 @!p0 $0x108  }
0x21: {  	s3 =	sadd.s32 s3, s9;
	s6 =	sadd.s32 @!p0 $0x88, s6;
	s7 =	simm.s32 @p2 $0x1082  }
0x22: {  	[simem:s7], [sflag:s8] =	dma.local @!p0 [hbm:s6], $0xF7A  }
0x23: {  	s9 =	sor.u32 $0xD0000000, s2;
	s6 =	simm.s32 $0x108;
	_ =	swait.ge @!p0 [sflag:s8], $0x0  }
0x24: {  	s3 =	sadd.s32 $0x88, s3;
	s6 =	simm.s32 @!p1 $0x1082;
	[sflag:s4] =	ssyncset.s32 $0xFFFFF086  }
0x25: {  	[simem:s6], [sflag:s4] =	dma.local [hbm:s3], $0xF7A  }
0x26: {  	[smem:$0x3F9B] =	sst s1;
	(tag) =	ssettag s2;
	_ =	strace s9  }
0x27: {  	s1 =	sld [smem:$0x3FAB]  }
0x28: {  	s2 =	sld [smem:$0x3FAC]  }
0x29: {  	s4 =	sld [smem:$0x3FAE]  }
0x2a: {  	p0 =	seq.s32 s5, $0x0;
	s5 =	sld [smem:$0x3FAF]  }
0x2b: {  	s6 =	sld [smem:$0x3FB0]  }
0x2c: {  	s7 =	sld [smem:$0x3FB1]  }
0x2d: {  	s3 =	simm.s32 $0x108;
	s8 =	sld [smem:$0x3FB2]  }
0x2e: {  	s3 =	simm.s32 @!p0 $0x1082;
	s9 =	sld [smem:$0x3FB3]  }
0x2f: {  	lr =	sadd.s32 s0, s3;
	s0 =	sld [smem:$0x3FAA]  }
0x30: {  	s3 =	sld [smem:$0x3FAD]  }
0x31: {  	[smem:$0x3FB6] =	sst s10  }
0x32: {  	s10 =	sld [smem:$0x3FB4];
	_ =	sdelay $0x3  }
0x33: {  	p0 =	seq.s32 s10, $0x1;
	s10 =	sld [smem:$0x3FB6];
	_ =	sdelay $0x3  }
0x34: {  	[smem:$0x3FB6] =	sst s10  }
0x35: {  	s10 =	sld [smem:$0x3FB5];
	_ =	sdelay $0x3  }
0x36: {  	p1 =	seq.s32 s10, $0x1;
	s10 =	sld [smem:$0x3FB6];
	_ =	sdelay $0x3  }
0x37: {  	[smem:$0x3FB6] =	sst s10  }
0x38: {  	s10 =	sld [smem:$0x3FB7]  }
0x39: {  	_ = 	snop;
	(pc) =	sbr.ind lr, $3  }
0x3a: {  	_ = 	snop  }
0x3b: {  	_ = 	snop  }
0x3c: {  	p2 =	seq.s32 s10, $0x1;
	s10 =	sld [smem:$0x3FB6]  }
0x3d: {  	_ =	shalt  }
0x3e: {  	_ =	shalt  }
0x3f: {  	_ =	shalt  }
0x40: {  	_ =	shalt  }
0x41: {  	_ =	shalt  }
0x42: {  	_ =	shalt  }
0x43: {  	_ =	shalt  }
0x44: {  	_ =	shalt  }
0x45: {  	_ =	shalt  }
0x46: {  	_ =	shalt  }
0x47: {  	_ =	shalt  }
0x48: {  	_ =	shalt  }
0x49: {  	_ =	shalt  }
0x4a: {  	_ =	shalt  }
0x4b: {  	_ =	shalt  }
0x4c: {  	_ =	shalt  }
0x4d: {  	_ =	shalt  }
0x4e: {  	_ =	shalt  }
0x4f: {  	_ =	shalt  }
0x50: {  	_ =	shalt  }
0x51: {  	_ =	shalt  }
0x52: {  	_ =	shalt  }
0x53: {  	_ =	shalt  }
0x54: {  	_ =	shalt  }
0x55: {  	_ =	shalt  }
0x56: {  	_ =	shalt  }
0x57: {  	_ =	shalt  }
0x58: {  	_ =	shalt  }
0x59: {  	_ =	shalt  }
0x5a: {  	_ =	shalt  }
0x5b: {  	_ =	shalt  }
0x5c: {  	_ =	shalt  }
0x5d: {  	_ =	shalt  }
0x5e: {  	_ =	shalt  }
0x5f: {  	_ =	shalt  }
0x60: {  	_ =	shalt  }
0x61: {  	_ =	shalt  }
0x62: {  	_ =	shalt  }
0x63: {  	_ =	shalt  }
0x64: {  	_ =	shalt  }
0x65: {  	_ =	shalt  }
0x66: {  	_ =	shalt  }
0x67: {  	_ =	shalt  }
0x68: {  	_ =	shalt  }
0x69: {  	_ =	shalt  }
0x6a: {  	_ =	shalt  }
0x6b: {  	_ =	shalt  }
0x6c: {  	_ =	shalt  }
0x6d: {  	_ =	shalt  }
0x6e: {  	_ =	shalt  }
0x6f: {  	_ =	shalt  }
0x70: {  	_ =	shalt  }
0x71: {  	_ =	shalt  }
0x72: {  	_ =	shalt  }
0x73: {  	_ =	shalt  }
0x74: {  	_ =	shalt  }
0x75: {  	_ =	shalt  }
0x76: {  	_ =	shalt  }
0x77: {  	_ =	shalt  }
0x78: {  	_ =	shalt  }
0x79: {  	_ =	shalt  }
0x7a: {  	_ =	shalt  }
0x7b: {  	_ =	shalt  }
0x7c: {  	_ =	shalt  }
0x7d: {  	_ =	shalt  }
0x7e: {  	_ =	shalt  }
0x7f: {  	_ =	shalt  }
0x80: {  	_ =	shalt  }
0x81: {  	_ =	shalt  }
0x82: {  	_ =	shalt  }
0x83: {  	_ =	shalt  }
0x84: {  	_ =	shalt  }
0x85: {  	_ =	shalt  }
0x86: {  	_ =	shalt  }
0x87: {  	_ =	shalt  }
.Lfunc_end0:
.L_simem_size_0:
called_computation_lowered:
.L_overlay_start_0:
0x88: {  	s2 =	sld [smem:$0x3FD9]  }
0x89: {  	s3 =	sld [smem:$0x3FFE];
	_ =	sdelay $0x1  }
0x8a: {  	s1 =	srdreg.scid  }
0x8b: {  	s0 =	sand.u32 $0x1, s1  }
0x8c: {  	s14 =	sshll.u32 s0, $0xA;
	s2 =	sadd.s32 s3, s2  }
0x8d: {  	s2 =	sadd.s32 s2, s14  }
0x8e: {  	[smem:$0x3FC2] =	sst s2  }
0x8f: {  	_ = 	snop  }
0x90: {  	s2 =	sld [smem:$0x3FD0];
	_ =	sdelay $0x2  }
0x91: {  	s15 =	simm.s32 $0xA;
	s4 =	simm.s32 $0x10  }
0x92: {  	[smem:s4], [sflag:s15] =	dma.local [hbm:s2], $0x1  }
0x93: {  	_ =	swait.eq [sflag:s15], $0x1  }
0x94: {  	[sflag:s15] =	ssyncset.done $0x0  }
0x95: {  	[sflag:s15] =	ssyncadd.s32 $0xFFFFFFFF  }
0x96: {  	s16 =	sld [smem:$0x10];
	(tm) =	ssettm $0x1  }
0x97: {  	s17 =	sld [smem:$0x3FFB];
	_ =	sdelay $0x3  }
0x98: {  	_ =	strace s17  }
0x99: {  	s3 =	sld [smem:$0x3FFC];
	_ =	sdelay $0x3  }
0x9a: {  	_ =	strace s3  }
0x9b: {  	s3 =	sld [smem:$0x3FFD];
	_ =	sdelay $0x3  }
0x9c: {  	_ =	strace s3  }
0x9d: {  	_ =	strace $0x8FFFFFFF  }
0x9e: {  	s18 =	sld [smem:$0x3FDB];
	_ =	sdelay $0x1  }
0x9f: {  	s19 =	simm.s32 $_scs_section_size  }
0xa0: {  	s5 =	simm.s32 $_size__tile_overlayer_lowered;
	s6 =	simm.s32 $_tile_overlayer_lowered  }
0xa1: {  	s22 =	simm.s32 $0x1BFF;
	s21 =	sshll.u32 s6, $0x1;
	s3 =	sadd.s32 s19, s18  }
0xa2: {  	s7 =	simm.s32 $0x0;
	s20 =	sshll.u32 s5, $0x1;
	s5 =	sadd.s32 s21, s3  }
0xa3: {  	[timem:s7], [sflag:s22] =	dma.local [hbm:s5], s20  }
0xa4: {  	_ =	swait.ge [sflag:s22], s20  }
0xa5: {  	s4 =	ssub.s32 $0x0, s20;
	[sflag:s22] =	ssyncset.done $0x0  }
0xa6: {  	[sflag:s22] =	ssyncadd.s32 s4;
	_ =	sdelay $0x1  }
0xa7: {  	s23 =	simm.s32 $0x1B8B  }
0xa8: {  	_ =	swait.ge [sflag:s23], $0x1  }
0xa9: {  	[sflag:s23] =	ssyncset.done $0x0  }
0xaa: {  	s25 =	simm.s32 $0x1B8E;
	s24 =	sld [smem:$0x3FFE];
	[sflag:s23] =	ssyncadd.s32 $0xFFFFFFFF  }
0xab: {  	s26 =	simm.s32 $execute0_lowered;
	[smem:$0x3FD2] =	sst s25  }
0xac: {  	s5 =	sshll.u32 s26, $0x1;
	_ =	strace $0x80000046;
	[dreg:$0x1] =	wrdreg $0xFFFFFFFF  }
0xad: {  	s28 =	simm.s32 $_size_execute0_lowered;
	s3 =	sadd.s32 s3, s5;
	[dreg:$0x0] =	wrdreg $0x0  }
0xae: {  	s5 =	sshll.u32 s28, $0x1;
	[dreg:$0x2] =	wrdreg s3  }
0xaf: {  	[dreg:$0x3] =	wrdreg s5  }
0xb0: {  	[dreg:$0x4] =	wrdreg $0xC0  }
0xb1: {  	_ =	task [dreg:s7], $0x5FFFF  }
0xb2: {  	[dreg:$0x1] =	wrdreg $0xFFFFFFFF  }
0xb3: {  	[dreg:$0x0] =	wrdreg $0x60  }
0xb4: {  	[dreg:$0x2] =	wrdreg s16  }
0xb5: {  	[dreg:$0x3] =	wrdreg s24  }
0xb6: {  	[dreg:$0x4] =	wrdreg $0xB8000  }
0xb7: {  	[dreg:$0x5] =	wrdreg $0x9  }
0xb8: {  	_ =	task.clear_ibuf [dreg:s7], $0x6FFFF;
	_ =	strace $0x90000046  }
0xb9: {  	s29 =	simm.s32 $0x9;
	_ =	strace $0x80000048  }
0xba: {  	_ =	swait.ge [sflag:s29], $0x1  }
0xbb: {  	[sflag:s29] =	ssyncadd.s32 $0xFFFFFFFF  }
0xbc: {  	_ =	strace $0x90000048  }
0xbd: {  	_ =	sfence  }
0xbe: {  	s30 =	sld [smem:$0x0];
	_ =	sdelay $0x2  }
0xbf: {  	s31 =	sshll.u32 s1, $0xD;
	s1 =	sshrl.u32 s1, $0x2  }
0xc0: {  	s3 =	sand.u32 $0x4000, s31;
	s1 =	sadd.s32 s1, s30  }
0xc1: {  	s0 =	sor.u32 s3, s0;
	s1 =	sshll.u32 s1, $0x11  }
0xc2: {  	s0 =	sor.u32 s1, s0  }
0xc3: {  	s0 =	sadd.s32 $0x8F2B, s0  }
0xc4: {  	[sflag:s0] =	ssyncadd.remote.s32 $0x1  }
0xc5: {  	_ =	sfence.sel $0xFFFF  }
0xc6: {  	[dreg:$0x0] =	wrdreg $0xFFFFFFFF;
	(pc) =	sbr.abs _section_cstart, $3  }
0xc7: {  	[dreg:$0x1] =	wrdreg $0xFFFFFFFF  }
0xc8: {  	_ =	task.clear_ibuf [dreg:s7], $0x2FFFF;
	_ =	strace $0x9FFFFFFF  }
0xc9: {  	(tm) =	ssettm $0x7FFFFFFF  }
tec
execute0_lowered:
.L_overlay_start_1:
0x0: {  	(tag) =	ssettag $0x1  }
0x1: {  	s1 =	rddreg [dreg:$0x0]  }
0x2: {  	s5 =	rddreg [dreg:$0x1];
	s2 =	stileid.u32  }
0x3: {  	s3 =	rddreg [dreg:$0x2];
	s7 =	smul.u32 $0x500, s2  }
0x4: {  	s0 =	rddreg [dreg:$0x3];
	s11 =	smul.u32 $0x280, s2  }
0x5: {  	s4 =	simm.s32 $0x0;
	s6 =	srdreg.scid;
	s28 =	smul.u32 $0x50000, s2  }
0x6: {  	[smem:$0x7FF] =	sst s4;
	s8 =	sand.u32 $0x1, s6;
	s19 =	smul.u32 $0x2800, s2  }
0x7: {  	_ =	strace $0x80000047;
	s6 =	smul.u32 $0x28000, s8;
	s9 =	ssub.s32 $0x2, s8  }
0x8: {  	s22 =	smul.u32 $0x2710, s8;
	s7 =	sadd.s32 s7, s5;
	s10 =	sshrl.u32 s9, $0x1  }
0x9: {  	s15 =	sadd.s32 $0x80, s11;
	s16 =	sadd.s32 $0x100, s11;
	s17 =	sadd.s32 $0x180, s11  }
0xa: {  	s18 =	sadd.s32 $0x200, s11;
	s13 =	sadd.s32 s6, s5;
	s14 =	ssub.s32 s9, s10  }
0xb: {  	s5 =	sadd.s32 $0xA00, s7;
	s6 =	sadd.s32 $0x5A00, s7;
	s7 =	sadd.s32 $0xAA00, s7  }
0xc: {  	s9 =	sshrl.u32 s28, $0x2;
	s29 =	sshll.u32 s15, $0x7;
	s30 =	sshll.u32 s16, $0x7  }
0xd: {  	s31 =	sshll.u32 s17, $0x7;
	s12 =	sshll.u32 s18, $0x7;
	s20 =	sshll.u32 s15, $0x4  }
0xe: {  	s21 =	sshll.u32 s16, $0x4;
	s24 =	sshll.u32 s17, $0x4;
	s25 =	sshll.u32 s18, $0x4  }
0xf: {  	s15 =	simm.s32 $0x2800;
	s16 =	simm.s32 $0x5000;
	s17 =	simm.s32 $0x7800  }
0x10: {  	s18 =	simm.s32 $0x80;
	s8 =	sadd.s32 s9, s3;
	s9 =	sadd.s32 s29, s3  }
0x11: {  	s10 =	sadd.s32 s30, s3;
	s11 =	sadd.s32 s31, s3;
	s12 =	sadd.s32 s12, s3  }
0x12: {  	s23 =	sadd.s32 $0xFA00, s13;
	s13 =	smax.u32 s14, $0x1;
	s14 =	simm.s32 $0x1  }
0x13: {  	s19 =	sadd.s32 s19, s23;
	s20 =	sadd.s32 s20, s23;
	s21 =	sadd.s32 s21, s23  }
0x14: {  	v1 =	vimm.f32 $0.0e+00;
	v0 =	vmov s22;
	s22 =	sadd.s32 s24, s23;
	s23 =	sadd.s32 s25, s23;
	s24 =	simm.s32 $0x0  }
.LBB2_1:
0x15: {  	[tilespmem:s4], [sflag:$0x1] =	stream.linear.gather [hbm4b:s5+s4], $0x2800, $0x38;
	[tilespmem:$0x1F800] =	vst v63  }
0x16: {  	_ =	swait.ge [sflag:s14], $0x2800  }
0x17: {  	[sflag:s14] =	ssyncset.done $0x0  }
0x18: {  	[sflag:s14] =	ssyncadd.s32 $0xFFFFD800  }
0x19: {  	[tilespmem:s15], [sflag:$0x1] =	stream.linear.gather [hbm4b:s6+s4], $0x2800, $0x38;
	[tilespmem:$0x1F800] =	vst v63  }
0x1a: {  	_ =	swait.ge [sflag:s14], $0x2800  }
0x1b: {  	[sflag:s14] =	ssyncset.done $0x0  }
0x1c: {  	[sflag:s14] =	ssyncadd.s32 $0xFFFFD800  }
0x1d: {  	[tilespmem:s16], [sflag:$0x1] =	stream.linear.gather [hbm4b:s7+s4], $0x2800, $0x38;
	[tilespmem:$0x1F800] =	vst v63  }
0x1e: {  	_ =	swait.ge [sflag:s14], $0x2800  }
0x1f: {  	[sflag:s14] =	ssyncset.done $0x0  }
0x20: {  	s25 =	simm.s32 $0x0;
	[sflag:s14] =	ssyncadd.s32 $0xFFFFD800  }
0x21: {  	v4 =	vld [tilespmem:s25+$0x0]  }
0x22: {  	v6 =	vld [tilespmem:s25+$0x10]  }
0x23: {  	v5 =	vld [tilespmem:s25+$0x20]  }
0x24: {  	v3 =	vld [tilespmem:s25+$0x30]  }
0x25: {  	v2 =	vld [tilespmem:s25+$0x40]  }
0x26: {  	v7 =	vadd.s32 v0, v4;
	v4 =	vld [tilespmem:s25+$0x50]  }
0x27: {  	s26 =	simm.s32 $0x200;
	[tilespmem:s25+$0x0] =	vst v7;
	v7 =	vadd.s32 v0, v6;
	v6 =	vld [tilespmem:s25+$0x60]  }
.LBB2_2:
0x28: {  	s28 =	sshra.s32 s26, $0x2;
	p0 =	sne.s32 s26, $0x9E00;
	[tilespmem:s25+$0x10] =	vst v7;
	v5 =	vadd.s32 v0, v5;
	v7 =	vld [tilespmem:s25+$0x70]  }
0x29: {  	v8 =	vld [tilespmem:s28+$0x0];
	[tilespmem:s25+$0x20] =	vst v5;
	v3 =	vadd.s32 v0, v3  }
0x2a: {  	v9 =	vld [tilespmem:s28+$0x10];
	[tilespmem:s25+$0x30] =	vst v3;
	v2 =	vadd.s32 v0, v2  }
.Ltmp0:
0x2b: {  	v5 =	vld [tilespmem:s28+$0x20];
	[tilespmem:s25+$0x40] =	vst v2;
	v2 =	vadd.s32 v0, v4;
	(pc) =	sbr.rel @p0 .LBB2_2-.Ltmp0, $4  }
0x2c: {  	v3 =	vld [tilespmem:s28+$0x30];
	[tilespmem:s25+$0x50] =	vst v2;
	v4 =	vadd.s32 v0, v6  }
0x2d: {  	v2 =	vld [tilespmem:s28+$0x40];
	[tilespmem:s25+$0x60] =	vst v4;
	v6 =	vadd.s32 v0, v7  }
0x2e: {  	v7 =	vadd.s32 v0, v8;
	v4 =	vld [tilespmem:s28+$0x50];
	[tilespmem:s25+$0x70] =	vst v6;
	s25 =	smov.u32 s28  }
0x2f: {  	s26 =	sadd.s32 $0x200, s26;
	[tilespmem:s25+$0x0] =	vst v7;
	v7 =	vadd.s32 v0, v9;
	v6 =	vld [tilespmem:s25+$0x60]  }
0x30: {  	[tilespmem:s25+$0x10] =	vst v7;
	v5 =	vadd.s32 v0, v5;
	v63 =	vld [tilespmem:s25+$0x70]  }
0x31: {  	[tilespmem:s25+$0x20] =	vst v5;
	v3 =	vadd.s32 v0, v3  }
0x32: {  	[tilespmem:s25+$0x30] =	vst v3;
	v2 =	vadd.s32 v0, v2  }
0x33: {  	[tilespmem:s25+$0x40] =	vst v2;
	v2 =	vadd.s32 v0, v4  }
0x34: {  	[tilespmem:s25+$0x50] =	vst v2;
	v2 =	vadd.s32 v0, v6  }
0x35: {  	[tilespmem:s25+$0x60] =	vst v2;
	v2 =	vadd.s32 v0, v63  }
0x36: {  	s26 =	simm.s32 $0x200;
	[tilespmem:s25+$0x70] =	vst v2;
	s25 =	simm.s32 $0x0  }
.LBB2_4:
0x37: {  	p0 =	sne.s32 s26, $0xFE00;
	[tilespmem:s25+$0x7870] =	vst v1  }
0x38: {  	[tilespmem:s25+$0x7800] =	vst v1  }
0x39: {  	[tilespmem:s25+$0x7810] =	vst v1  }
.Ltmp1:
0x3a: {  	[tilespmem:s25+$0x7820] =	vst v1;
	(pc) =	sbr.rel @p0 .LBB2_4-.Ltmp1, $4  }
0x3b: {  	[tilespmem:s25+$0x7830] =	vst v1  }
0x3c: {  	[tilespmem:s25+$0x7840] =	vst v1  }
0x3d: {  	[tilespmem:s25+$0x7850] =	vst v1  }
0x3e: {  	[tilespmem:s25+$0x7860] =	vst v1;
	s25 =	sshra.s32 s26, $0x2;
	s26 =	sadd.s32 $0x200, s26  }
0x3f: {  	[tilespmem:s25+$0x7870] =	vst v1  }
0x40: {  	[tilespmem:s25+$0x7800] =	vst v1  }
0x41: {  	[tilespmem:s25+$0x7810] =	vst v1  }
0x42: {  	[tilespmem:s25+$0x7820] =	vst v1  }
0x43: {  	[tilespmem:s25+$0x7830] =	vst v1  }
0x44: {  	[tilespmem:s25+$0x7840] =	vst v1  }
0x45: {  	[tilespmem:s25+$0x7850] =	vst v1  }
0x46: {  	[tilespmem:s25+$0x7860] =	vst v1  }
0x47: {  	[spmem:s8] =	stream.linear.scatter [tilespmem:s17], [sflag:$0x1], $0x4000, $0x38;
	[tilespmem:$0x1F800] =	vst v63  }
0x48: {  	_ =	swait.ge [sflag:s14], $0x4000  }
0x49: {  	[sflag:s14] =	ssyncset.done $0x0  }
0x4a: {  	[sflag:s14] =	ssyncadd.s32 $0xFFFFC000  }
0x4b: {  	[spmem:s9] =	stream.linear.scatter [tilespmem:s17], [sflag:$0x1], $0x4000, $0x38;
	[tilespmem:$0x1F800] =	vst v63  }
0x4c: {  	_ =	swait.ge [sflag:s14], $0x4000  }
0x4d: {  	[sflag:s14] =	ssyncset.done $0x0  }
0x4e: {  	[sflag:s14] =	ssyncadd.s32 $0xFFFFC000  }
0x4f: {  	[spmem:s10] =	stream.linear.scatter [tilespmem:s17], [sflag:$0x1], $0x4000, $0x38;
	[tilespmem:$0x1F800] =	vst v63  }
0x50: {  	_ =	swait.ge [sflag:s14], $0x4000  }
0x51: {  	[sflag:s14] =	ssyncset.done $0x0  }
0x52: {  	[sflag:s14] =	ssyncadd.s32 $0xFFFFC000  }
0x53: {  	[spmem:s11] =	stream.linear.scatter [tilespmem:s17], [sflag:$0x1], $0x4000, $0x38;
	[tilespmem:$0x1F800] =	vst v63  }
0x54: {  	_ =	swait.ge [sflag:s14], $0x4000  }
0x55: {  	[sflag:s14] =	ssyncset.done $0x0  }
0x56: {  	[sflag:s14] =	ssyncadd.s32 $0xFFFFC000  }
0x57: {  	[spmem:s12] =	stream.linear.scatter [tilespmem:s17], [sflag:$0x1], $0x4000, $0x38;
	[tilespmem:$0x1F800] =	vst v63  }
0x58: {  	_ =	swait.ge [sflag:s14], $0x4000  }
0x59: {  	[sflag:s14] =	ssyncset.done $0x0  }
0x5a: {  	[sflag:s14] =	ssyncadd.s32 $0xFFFFC000  }
0x5b: {  	s25 =	simm.s32 $0x0;
	[bflag:$0x0] =	sbarrier.arrive $0xFFFF  }
.LBB2_6:
0x5c: {  	s26 =	sshll.u32 s25, $0x7  }
0x5d: {  	[tilespmem:s17], [sflag:$0x1] =	stream.indirect.gather [hbm4b:s1+s18], $0x80, s26, s18, $0xb8;
	[tilespmem:$0x1F800] =	vst v63  }
0x5e: {  	s28 =	sadd.s32 $0x5000, s26  }
0x5f: {  	_ =	swait.ge [sflag:s14], $0x4000;
	v2 =	vmov s28  }
0x60: {  	[sflag:s14] =	ssyncset.done $0x0  }
0x61: {  	s28 =	simm.s32 $0x0;
	[sflag:s14] =	ssyncadd.s32 $0xFFFFC000  }
.LBB2_7:
0x62: {  	s29 =	sshll.u32 s28, $0x4  }
0x63: {  	s29 =	sand.u32 $0x3FFFFFF0, s29  }
0x64: {  	s31 =	sshll.u32 s28, $0xB;
	v3 =	vld.idx.msk [tilespmem:v2+s29+$0x0 ss:$0x1], $0xffff  }
0x65: {  	s29 =	sand.u32 $0x3FFFF800, s31  }
0x66: {  	v4 =	vld [tilespmem:s29+$0x7800]  }
0x67: {  	v5 =	vld [tilespmem:s29+$0x7810]  }
0x68: {  	v6 =	vld [tilespmem:s29+$0x7820]  }
0x69: {  	v8 =	vld [tilespmem:s29+$0x7830];
	v7 =	vbroadcast v3, $0x0  }
0x6a: {  	v9 =	vld [tilespmem:s29+$0x7840]  }
0x6b: {  	v10 =	vld [tilespmem:s29+$0x7850];
	v4 =	vmul.f32 v7, v4  }
0x6c: {  	v11 =	vld [tilespmem:s29+$0x7860];
	v5 =	vmul.f32 v5, v7  }
0x6d: {  	v55 =	vld [tilespmem:s29+$0x7870];
	v54 =	vmul.f32 v6, v7;
	[tilespmem:s29+$0x7800] =	vst v4  }
0x6e: {  	v57 =	vld [tilespmem:s29+$0x7880];
	v56 =	vmul.f32 v8, v7;
	[tilespmem:s29+$0x7810] =	vst v5  }
0x6f: {  	v59 =	vld [tilespmem:s29+$0x7890];
	v58 =	vmul.f32 v9, v7;
	[tilespmem:s29+$0x7820] =	vst v54  }
0x70: {  	v61 =	vld [tilespmem:s29+$0x78A0];
	v60 =	vmul.f32 v10, v7;
	[tilespmem:s29+$0x7830] =	vst v56  }
0x71: {  	v12 =	vld [tilespmem:s29+$0x78B0];
	v63 =	vbroadcast v3, $0x1;
	v62 =	vmul.f32 v11, v7;
	[tilespmem:s29+$0x7840] =	vst v58  }
0x72: {  	v14 =	vld [tilespmem:s29+$0x78C0];
	v13 =	vmul.f32 v55, v7;
	[tilespmem:s29+$0x7850] =	vst v60  }
0x73: {  	v16 =	vld [tilespmem:s29+$0x78D0];
	v15 =	vmul.f32 v57, v63;
	[tilespmem:s29+$0x7860] =	vst v62  }
0x74: {  	v18 =	vld [tilespmem:s29+$0x78E0];
	v17 =	vmul.f32 v59, v63;
	[tilespmem:s29+$0x7870] =	vst v13  }
0x75: {  	v20 =	vld [tilespmem:s29+$0x78F0];
	v19 =	vmul.f32 v61, v63;
	[tilespmem:s29+$0x7880] =	vst v15  }
0x76: {  	v22 =	vld [tilespmem:s29+$0x7900];
	v21 =	vmul.f32 v12, v63;
	[tilespmem:s29+$0x7890] =	vst v17  }
0x77: {  	v24 =	vld [tilespmem:s29+$0x7910];
	v23 =	vmul.f32 v14, v63;
	[tilespmem:s29+$0x78A0] =	vst v19  }
0x78: {  	v26 =	vld [tilespmem:s29+$0x7920];
	v25 =	vmul.f32 v16, v63;
	[tilespmem:s29+$0x78B0] =	vst v21  }
0x79: {  	v29 =	vld [tilespmem:s29+$0x7930];
	v28 =	vbroadcast v3, $0x2;
	v27 =	vmul.f32 v18, v63;
	[tilespmem:s29+$0x78C0] =	vst v23  }
0x7a: {  	v31 =	vld [tilespmem:s29+$0x7940];
	v30 =	vmul.f32 v20, v63;
	[tilespmem:s29+$0x78D0] =	vst v25  }
0x7b: {  	v33 =	vld [tilespmem:s29+$0x7950];
	v32 =	vmul.f32 v22, v28;
	[tilespmem:s29+$0x78E0] =	vst v27  }
0x7c: {  	v35 =	vld [tilespmem:s29+$0x7960];
	v34 =	vmul.f32 v24, v28;
	[tilespmem:s29+$0x78F0] =	vst v30  }
0x7d: {  	v37 =	vld [tilespmem:s29+$0x7970];
	v36 =	vmul.f32 v26, v28;
	[tilespmem:s29+$0x7900] =	vst v32  }
0x7e: {  	v39 =	vld [tilespmem:s29+$0x7980];
	v38 =	vmul.f32 v29, v28;
	[tilespmem:s29+$0x7910] =	vst v34  }
0x7f: {  	v41 =	vld [tilespmem:s29+$0x7990];
	v40 =	vmul.f32 v31, v28;
	[tilespmem:s29+$0x7920] =	vst v36  }
0x80: {  	v43 =	vld [tilespmem:s29+$0x79A0];
	v42 =	vmul.f32 v33, v28;
	[tilespmem:s29+$0x7930] =	vst v38  }
0x81: {  	v46 =	vld [tilespmem:s29+$0x79B0];
	v45 =	vbroadcast v3, $0x3;
	v44 =	vmul.f32 v35, v28;
	[tilespmem:s29+$0x7940] =	vst v40  }
0x82: {  	v48 =	vld [tilespmem:s29+$0x79C0];
	v47 =	vmul.f32 v37, v28;
	[tilespmem:s29+$0x7950] =	vst v42  }
0x83: {  	v50 =	vld [tilespmem:s29+$0x79D0];
	v49 =	vmul.f32 v39, v45;
	[tilespmem:s29+$0x7960] =	vst v44  }
0x84: {  	v52 =	vld [tilespmem:s29+$0x79E0];
	v51 =	vmul.f32 v41, v45;
	[tilespmem:s29+$0x7970] =	vst v47  }
0x85: {  	v53 =	vmul.f32 v43, v45;
	v63 =	vld [tilespmem:s29+$0x7A30];
	[tilespmem:s29+$0x7980] =	vst v49  }
0x86: {  	v55 =	vmul.f32 v46, v45;
	v14 =	vld [tilespmem:s29+$0x7A40];
	[tilespmem:s29+$0x7990] =	vst v51  }
0x87: {  	v57 =	vmul.f32 v48, v45;
	v16 =	vld [tilespmem:s29+$0x7A50];
	[tilespmem:s29+$0x79A0] =	vst v53  }
0x88: {  	v59 =	vmul.f32 v50, v45;
	v18 =	vld [tilespmem:s29+$0x7A60];
	[tilespmem:s29+$0x79B0] =	vst v55;
	v62 =	vbroadcast v3, $0x4  }
0x89: {  	v61 =	vmul.f32 v52, v45;
	v20 =	vld [tilespmem:s29+$0x7A70];
	[tilespmem:s29+$0x79C0] =	vst v57  }
0x8a: {  	v22 =	vld [tilespmem:s29+$0x7A80];
	[tilespmem:s29+$0x79D0] =	vst v59;
	v21 =	vmul.f32 v63, v62  }
0x8b: {  	v24 =	vld [tilespmem:s29+$0x7A90];
	[tilespmem:s29+$0x79E0] =	vst v61;
	v23 =	vmul.f32 v14, v62  }
0x8c: {  	v26 =	vld [tilespmem:s29+$0x7AA0];
	v25 =	vmul.f32 v16, v62;
	[tilespmem:s29+$0x7A30] =	vst v21  }
0x8d: {  	v28 =	vbroadcast v3, $0x5;
	v29 =	vld [tilespmem:s29+$0x7AB0];
	v27 =	vmul.f32 v18, v62;
	[tilespmem:s29+$0x7A40] =	vst v23  }
0x8e: {  	v31 =	vld [tilespmem:s29+$0x7AC0];
	v30 =	vmul.f32 v20, v62;
	[tilespmem:s29+$0x7A50] =	vst v25  }
0x8f: {  	v33 =	vld [tilespmem:s29+$0x7AD0];
	v32 =	vmul.f32 v22, v28;
	[tilespmem:s29+$0x7A60] =	vst v27  }
0x90: {  	v35 =	vld [tilespmem:s29+$0x7AE0];
	v34 =	vmul.f32 v24, v28;
	[tilespmem:s29+$0x7A70] =	vst v30  }
0x91: {  	v37 =	vld [tilespmem:s29+$0x7AF0];
	v36 =	vmul.f32 v26, v28;
	[tilespmem:s29+$0x7A80] =	vst v32  }
0x92: {  	v54 =	vld [tilespmem:s29+$0x79F0];
	v38 =	vmul.f32 v29, v28;
	[tilespmem:s29+$0x7A90] =	vst v34  }
0x93: {  	v56 =	vld [tilespmem:s29+$0x7A00];
	v40 =	vmul.f32 v31, v28;
	[tilespmem:s29+$0x7AA0] =	vst v36  }
0x94: {  	v58 =	vld [tilespmem:s29+$0x7A10];
	v42 =	vmul.f32 v33, v28;
	[tilespmem:s29+$0x7AB0] =	vst v38  }
0x95: {  	v60 =	vld [tilespmem:s29+$0x7A20];
	v44 =	vmul.f32 v35, v28;
	[tilespmem:s29+$0x7AC0] =	vst v40  }
0x96: {  	v39 =	vld [tilespmem:s29+$0x7B00];
	v47 =	vmul.f32 v37, v28;
	[tilespmem:s29+$0x7AD0] =	vst v42  }
0x97: {  	v41 =	vld [tilespmem:s29+$0x7B10];
	v13 =	vmul.f32 v54, v45;
	[tilespmem:s29+$0x7AE0] =	vst v44  }
0x98: {  	v43 =	vld [tilespmem:s29+$0x7B20];
	v15 =	vmul.f32 v56, v62;
	[tilespmem:s29+$0x7AF0] =	vst v47  }
0x99: {  	v46 =	vld [tilespmem:s29+$0x7B30];
	v17 =	vmul.f32 v58, v62;
	v45 =	vbroadcast v3, $0x6;
	[tilespmem:s29+$0x79F0] =	vst v13  }
0x9a: {  	v48 =	vld [tilespmem:s29+$0x7B40];
	v19 =	vmul.f32 v60, v62;
	[tilespmem:s29+$0x7A00] =	vst v15  }
0x9b: {  	v50 =	vld [tilespmem:s29+$0x7B50];
	[tilespmem:s29+$0x7A10] =	vst v17;
	v49 =	vmul.f32 v39, v45  }
0x9c: {  	v52 =	vld [tilespmem:s29+$0x7B60];
	[tilespmem:s29+$0x7A20] =	vst v19;
	v51 =	vmul.f32 v41, v45  }
0x9d: {  	v63 =	vld [tilespmem:s29+$0x7BB0];
	v53 =	vmul.f32 v43, v45;
	[tilespmem:s29+$0x7B00] =	vst v49  }
0x9e: {  	v14 =	vld [tilespmem:s29+$0x7BC0];
	v55 =	vmul.f32 v46, v45;
	[tilespmem:s29+$0x7B10] =	vst v51  }
0x9f: {  	v16 =	vld [tilespmem:s29+$0x7BD0];
	v57 =	vmul.f32 v48, v45;
	[tilespmem:s29+$0x7B20] =	vst v53  }
0xa0: {  	v18 =	vld [tilespmem:s29+$0x7BE0];
	v62 =	vbroadcast v3, $0x7;
	v59 =	vmul.f32 v50, v45;
	[tilespmem:s29+$0x7B30] =	vst v55  }
0xa1: {  	v20 =	vld [tilespmem:s29+$0x7BF0];
	v61 =	vmul.f32 v52, v45;
	[tilespmem:s29+$0x7B40] =	vst v57  }
0xa2: {  	v22 =	vld [tilespmem:s29+$0x7C00];
	v21 =	vmul.f32 v63, v62;
	[tilespmem:s29+$0x7B50] =	vst v59  }
0xa3: {  	v24 =	vld [tilespmem:s29+$0x7C10];
	v23 =	vmul.f32 v14, v62;
	[tilespmem:s29+$0x7B60] =	vst v61  }
0xa4: {  	v26 =	vld [tilespmem:s29+$0x7C20];
	v25 =	vmul.f32 v16, v62;
	[tilespmem:s29+$0x7BB0] =	vst v21  }
0xa5: {  	v28 =	vbroadcast v3, $0x8;
	v29 =	vld [tilespmem:s29+$0x7C30];
	v27 =	vmul.f32 v18, v62;
	[tilespmem:s29+$0x7BC0] =	vst v23  }
0xa6: {  	v31 =	vld [tilespmem:s29+$0x7C40];
	v30 =	vmul.f32 v20, v62;
	[tilespmem:s29+$0x7BD0] =	vst v25  }
0xa7: {  	v33 =	vld [tilespmem:s29+$0x7C50];
	v32 =	vmul.f32 v22, v28;
	[tilespmem:s29+$0x7BE0] =	vst v27  }
0xa8: {  	v35 =	vld [tilespmem:s29+$0x7C60];
	v34 =	vmul.f32 v24, v28;
	[tilespmem:s29+$0x7BF0] =	vst v30  }
0xa9: {  	v37 =	vld [tilespmem:s29+$0x7C70];
	v36 =	vmul.f32 v26, v28;
	[tilespmem:s29+$0x7C00] =	vst v32  }
0xaa: {  	v54 =	vld [tilespmem:s29+$0x7B70];
	v38 =	vmul.f32 v29, v28;
	[tilespmem:s29+$0x7C10] =	vst v34  }
0xab: {  	v56 =	vld [tilespmem:s29+$0x7B80];
	v40 =	vmul.f32 v31, v28;
	[tilespmem:s29+$0x7C20] =	vst v36  }
0xac: {  	v58 =	vld [tilespmem:s29+$0x7B90];
	v42 =	vmul.f32 v33, v28;
	[tilespmem:s29+$0x7C30] =	vst v38  }
0xad: {  	v60 =	vld [tilespmem:s29+$0x7BA0];
	v44 =	vmul.f32 v35, v28;
	[tilespmem:s29+$0x7C40] =	vst v40  }
0xae: {  	v39 =	vld [tilespmem:s29+$0x7C80];
	v47 =	vmul.f32 v37, v28;
	[tilespmem:s29+$0x7C50] =	vst v42  }
0xaf: {  	v41 =	vld [tilespmem:s29+$0x7C90];
	v13 =	vmul.f32 v54, v45;
	[tilespmem:s29+$0x7C60] =	vst v44  }
0xb0: {  	v43 =	vld [tilespmem:s29+$0x7CA0];
	v15 =	vmul.f32 v56, v62;
	[tilespmem:s29+$0x7C70] =	vst v47  }
0xb1: {  	v46 =	vld [tilespmem:s29+$0x7CB0];
	v17 =	vmul.f32 v58, v62;
	v45 =	vbroadcast v3, $0x9;
	[tilespmem:s29+$0x7B70] =	vst v13  }
0xb2: {  	v48 =	vld [tilespmem:s29+$0x7CC0];
	v19 =	vmul.f32 v60, v62;
	[tilespmem:s29+$0x7B80] =	vst v15  }
0xb3: {  	v50 =	vld [tilespmem:s29+$0x7CD0];
	[tilespmem:s29+$0x7B90] =	vst v17;
	v49 =	vmul.f32 v39, v45  }
0xb4: {  	v52 =	vld [tilespmem:s29+$0x7CE0];
	[tilespmem:s29+$0x7BA0] =	vst v19;
	v51 =	vmul.f32 v41, v45  }
0xb5: {  	v63 =	vld [tilespmem:s29+$0x7D30];
	v53 =	vmul.f32 v43, v45;
	[tilespmem:s29+$0x7C80] =	vst v49  }
0xb6: {  	v29 =	vld [tilespmem:s29+$0x7DA0];
	v55 =	vmul.f32 v46, v45;
	[tilespmem:s29+$0x7C90] =	vst v51  }
0xb7: {  	v54 =	vld [tilespmem:s29+$0x7CF0];
	v57 =	vmul.f32 v48, v45;
	[tilespmem:s29+$0x7CA0] =	vst v53  }
0xb8: {  	v56 =	vld [tilespmem:s29+$0x7D00];
	v62 =	vbroadcast v3, $0xA;
	v59 =	vmul.f32 v50, v45;
	[tilespmem:s29+$0x7CB0] =	vst v55  }
0xb9: {  	v31 =	vbroadcast v3, $0xB;
	v58 =	vld [tilespmem:s29+$0x7D10];
	v61 =	vmul.f32 v52, v45;
	[tilespmem:s29+$0x7CC0] =	vst v57  }
0xba: {  	v60 =	vld [tilespmem:s29+$0x7D20];
	v24 =	vmul.f32 v63, v62;
	[tilespmem:s29+$0x7CD0] =	vst v59  }
0xbb: {  	v21 =	vld [tilespmem:s29+$0x7D60];
	v39 =	vmul.f32 v29, v31;
	[tilespmem:s29+$0x7CE0] =	vst v61  }
0xbc: {  	v23 =	vld [tilespmem:s29+$0x7D70];
	v16 =	vmul.f32 v54, v45;
	[tilespmem:s29+$0x7D30] =	vst v24  }
0xbd: {  	v25 =	vld [tilespmem:s29+$0x7D80];
	v18 =	vmul.f32 v56, v62;
	[tilespmem:s29+$0x7DA0] =	vst v39  }
0xbe: {  	v27 =	vld [tilespmem:s29+$0x7D90];
	v20 =	vmul.f32 v58, v62;
	[tilespmem:s29+$0x7CF0] =	vst v16  }
0xbf: {  	v32 =	vld [tilespmem:s29+$0x7DB0];
	v22 =	vmul.f32 v60, v62;
	[tilespmem:s29+$0x7D00] =	vst v18  }
0xc0: {  	v34 =	vld [tilespmem:s29+$0x7DC0];
	v30 =	vmul.f32 v21, v62;
	[tilespmem:s29+$0x7D10] =	vst v20  }
0xc1: {  	v36 =	vld [tilespmem:s29+$0x7DD0];
	v33 =	vmul.f32 v23, v62;
	[tilespmem:s29+$0x7D20] =	vst v22  }
0xc2: {  	v38 =	vld [tilespmem:s29+$0x7DE0];
	v35 =	vmul.f32 v25, v31;
	[tilespmem:s29+$0x7D60] =	vst v30  }
0xc3: {  	v40 =	vld [tilespmem:s29+$0x7DF0];
	v37 =	vmul.f32 v27, v31;
	[tilespmem:s29+$0x7D70] =	vst v33  }
0xc4: {  	v42 =	vld [tilespmem:s29+$0x7E00];
	v41 =	vmul.f32 v32, v31;
	[tilespmem:s29+$0x7D80] =	vst v35  }
0xc5: {  	v44 =	vld [tilespmem:s29+$0x7E10];
	v43 =	vmul.f32 v34, v31;
	[tilespmem:s29+$0x7D90] =	vst v37  }
0xc6: {  	v17 =	vld [tilespmem:s29+$0x7D40];
	v45 =	vmul.f32 v36, v31;
	[tilespmem:s29+$0x7DB0] =	vst v41  }
0xc7: {  	v19 =	vld [tilespmem:s29+$0x7D50];
	v48 =	vbroadcast v3, $0xC;
	v47 =	vmul.f32 v38, v31;
	[tilespmem:s29+$0x7DC0] =	vst v43  }
0xc8: {  	v46 =	vld [tilespmem:s29+$0x7E20];
	v50 =	vmul.f32 v40, v31;
	[tilespmem:s29+$0x7DD0] =	vst v45  }
0xc9: {  	v49 =	vld [tilespmem:s29+$0x7E30];
	v52 =	vmul.f32 v42, v48;
	[tilespmem:s29+$0x7DE0] =	vst v47  }
0xca: {  	v51 =	vld [tilespmem:s29+$0x7E40];
	v54 =	vmul.f32 v44, v48;
	[tilespmem:s29+$0x7DF0] =	vst v50  }
0xcb: {  	v53 =	vld [tilespmem:s29+$0x7E50];
	v26 =	vmul.f32 v17, v62;
	[tilespmem:s29+$0x7E00] =	vst v52  }
0xcc: {  	v55 =	vld [tilespmem:s29+$0x7E60];
	v28 =	vmul.f32 v19, v62;
	[tilespmem:s29+$0x7E10] =	vst v54  }
0xcd: {  	v57 =	vld [tilespmem:s29+$0x7E70];
	v56 =	vmul.f32 v46, v48;
	[tilespmem:s29+$0x7D40] =	vst v26  }
0xce: {  	v59 =	vld [tilespmem:s29+$0x7E80];
	[tilespmem:s29+$0x7D50] =	vst v28;
	v58 =	vmul.f32 v49, v48  }
0xcf: {  	v61 =	vld [tilespmem:s29+$0x7E90];
	[tilespmem:s29+$0x7E20] =	vst v56;
	v60 =	vmul.f32 v51, v48  }
0xd0: {  	v63 =	vld [tilespmem:s29+$0x7EA0];
	v62 =	vmul.f32 v53, v48;
	[tilespmem:s29+$0x7E30] =	vst v58  }
0xd1: {  	v24 =	vld [tilespmem:s29+$0x7EE0];
	v17 =	vbroadcast v3, $0xD;
	v16 =	vmul.f32 v55, v48;
	[tilespmem:s29+$0x7E40] =	vst v60  }
0xd2: {  	v32 =	vld [tilespmem:s29+$0x7F20];
	v19 =	vmul.f32 v57, v48;
	[tilespmem:s29+$0x7E50] =	vst v62  }
0xd3: {  	v39 =	vld [tilespmem:s29+$0x7F50];
	v21 =	vmul.f32 v59, v17;
	[tilespmem:s29+$0x7E60] =	vst v16  }
0xd4: {  	v18 =	vld [tilespmem:s29+$0x7EB0];
	v23 =	vmul.f32 v61, v17;
	[tilespmem:s29+$0x7E70] =	vst v19  }
0xd5: {  	v34 =	vbroadcast v3, $0xE;
	v20 =	vld [tilespmem:s29+$0x7EC0];
	v25 =	vmul.f32 v63, v17;
	[tilespmem:s29+$0x7E80] =	vst v21  }
0xd6: {  	v22 =	vld [tilespmem:s29+$0x7ED0];
	v33 =	vmul.f32 v24, v17;
	[tilespmem:s29+$0x7E90] =	vst v23  }
0xd7: {  	v30 =	vld [tilespmem:s29+$0x7F10];
	v42 =	vmul.f32 v32, v34;
	[tilespmem:s29+$0x7EA0] =	vst v25  }
0xd8: {  	v35 =	vld [tilespmem:s29+$0x7F30];
	v48 =	vmul.f32 v39, v34;
	[tilespmem:s29+$0x7EE0] =	vst v33  }
0xd9: {  	v37 =	vld [tilespmem:s29+$0x7F40];
	v27 =	vmul.f32 v18, v17;
	[tilespmem:s29+$0x7F20] =	vst v42  }
0xda: {  	v41 =	vld [tilespmem:s29+$0x7F60];
	v29 =	vmul.f32 v20, v17;
	[tilespmem:s29+$0x7F50] =	vst v48  }
0xdb: {  	v43 =	vld [tilespmem:s29+$0x7F70];
	v31 =	vmul.f32 v22, v17;
	[tilespmem:s29+$0x7EB0] =	vst v27  }
0xdc: {  	v45 =	vld [tilespmem:s29+$0x7F80];
	v40 =	vmul.f32 v30, v34;
	[tilespmem:s29+$0x7EC0] =	vst v29  }
0xdd: {  	v47 =	vld [tilespmem:s29+$0x7F90];
	v44 =	vmul.f32 v35, v34;
	[tilespmem:s29+$0x7ED0] =	vst v31  }
0xde: {  	v26 =	vld [tilespmem:s29+$0x7EF0];
	v46 =	vmul.f32 v37, v34;
	[tilespmem:s29+$0x7F10] =	vst v40  }
0xdf: {  	v3 =	vbroadcast v3, $0xF;
	v28 =	vld [tilespmem:s29+$0x7F00];
	v50 =	vmul.f32 v41, v34;
	[tilespmem:s29+$0x7F30] =	vst v44  }
0xe0: {  	v49 =	vld [tilespmem:s29+$0x7FA0];
	v52 =	vmul.f32 v43, v34;
	[tilespmem:s29+$0x7F40] =	vst v46  }
0xe1: {  	v51 =	vld [tilespmem:s29+$0x7FB0];
	v54 =	vmul.f32 v45, v3;
	[tilespmem:s29+$0x7F60] =	vst v50  }
0xe2: {  	v53 =	vld [tilespmem:s29+$0x7FC0];
	v56 =	vmul.f32 v47, v3;
	[tilespmem:s29+$0x7F70] =	vst v52  }
0xe3: {  	v55 =	vld [tilespmem:s29+$0x7FD0];
	v36 =	vmul.f32 v26, v17;
	[tilespmem:s29+$0x7F80] =	vst v54  }
0xe4: {  	v57 =	vld [tilespmem:s29+$0x7FE0];
	v38 =	vmul.f32 v28, v34;
	[tilespmem:s29+$0x7F90] =	vst v56  }
0xe5: {  	v59 =	vld [tilespmem:s29+$0x7FF0];
	v58 =	vmul.f32 v49, v3;
	[tilespmem:s29+$0x7EF0] =	vst v36  }
0xe6: {  	v60 =	vmul.f32 v51, v3;
	[tilespmem:s29+$0x7F00] =	vst v38  }
0xe7: {  	p0 =	sne.s32 s28, $0x7;
	v61 =	vmul.f32 v53, v3;
	[tilespmem:s29+$0x7FA0] =	vst v58  }
.Ltmp2:
0xe8: {  	v62 =	vmul.f32 v55, v3;
	[tilespmem:s29+$0x7FB0] =	vst v60;
	(pc) =	sbr.rel @p0 .LBB2_7-.Ltmp2, $4  }
0xe9: {  	v63 =	vmul.f32 v57, v3;
	[tilespmem:s29+$0x7FC0] =	vst v61  }
0xea: {  	v3 =	vmul.f32 v59, v3;
	[tilespmem:s29+$0x7FD0] =	vst v62  }
0xeb: {  	[tilespmem:s29+$0x7FE0] =	vst v63  }
0xec: {  	s28 =	sadd.s32 $0x1, s28;
	[tilespmem:s29+$0x7FF0] =	vst v3  }
0xed: {  	s25 =	sadd.s32 $0x1, s25  }
0xee: {  	p0 =	sne.s32 s25, $0x50  }
.Ltmp3:
0xef: {  	s26 =	sadd.s32 $0x2800, s26;
	(pc) =	sbr.rel @p0 .LBB2_6-.Ltmp3, $4  }
0xf0: {  	[spmem:s3] =	stream.indirect.scatter.add.f32 [tilespmem:s17], [sflag:$0x1], $0x80, s26, s18, $0xb8;
	[tilespmem:$0x1F800] =	vst v63  }
0xf1: {  	_ =	swait.ge [sflag:s14], $0x4000  }
0xf2: {  	[sflag:s14] =	ssyncset.done $0x0  }
0xf3: {  	[sflag:s14] =	ssyncadd.s32 $0xFFFFC000  }
0xf4: {  	s25 =	sshll.u32 s2, $0x6  }
0xf5: {  	[bflag:$0x0] =	sbarrier.arrive $0xFFFF;
	s26 =	sshrl.u32 s8, $0x3;
	s25 =	sor.u32 $0x1C01, s25  }
0xf6: {  	[hbm:s19], [sflag:s25] =	dma.local [spmem:s26], $0x800  }
0xf7: {  	_ =	swait.ge [sflag:s14], $0x800  }
0xf8: {  	[sflag:s14] =	ssyncset.done $0x0  }
0xf9: {  	s28 =	sshrl.u32 s9, $0x3;
	[sflag:s14] =	ssyncadd.s32 $0xFFFFF800  }
0xfa: {  	[hbm:s20], [sflag:s25] =	dma.local [spmem:s28], $0x800  }
0xfb: {  	_ =	swait.ge [sflag:s14], $0x800  }
0xfc: {  	[sflag:s14] =	ssyncset.done $0x0  }
0xfd: {  	s29 =	sshrl.u32 s10, $0x3;
	[sflag:s14] =	ssyncadd.s32 $0xFFFFF800  }
0xfe: {  	[hbm:s21], [sflag:s25] =	dma.local [spmem:s29], $0x800  }
0xff: {  	_ =	swait.ge [sflag:s14], $0x800  }
0x100: {  	[sflag:s14] =	ssyncset.done $0x0  }
0x101: {  	s30 =	sshrl.u32 s11, $0x3;
	[sflag:s14] =	ssyncadd.s32 $0xFFFFF800  }
0x102: {  	[hbm:s22], [sflag:s25] =	dma.local [spmem:s30], $0x800  }
0x103: {  	s24 =	sadd.s32 $0x1, s24;
	_ =	swait.ge [sflag:s14], $0x800  }
0x104: {  	p0 =	sne.s32 s24, s13;
	[sflag:s14] =	ssyncset.done $0x0  }
.Ltmp4:
0x105: {  	s31 =	sshrl.u32 s12, $0x3;
	[sflag:s14] =	ssyncadd.s32 $0xFFFFF800;
	(pc) =	sbr.rel @p0 .LBB2_1-.Ltmp4, $4  }
0x106: {  	[hbm:s23], [sflag:s25] =	dma.local [spmem:s31], $0x800  }
0x107: {  	_ =	swait.ge [sflag:s14], $0x800  }
0x108: {  	[sflag:s14] =	ssyncset.done $0x0  }
0x109: {  	[sflag:s14] =	ssyncadd.s32 $0xFFFFF800  }
0x10a: {  	_ =	sfence.sel $0x180000  }
0x10b: {  	[bflag:$0x0] =	sbarrier.arrive $0xFFFF  }
0x10c: {  	p0 =	sne.s32 s2, $0x0;
	_ =	strace $0x90000047  }
0x10d: {  	s0 =	sadd.s32 @!p0 $0x100000, s0;
	[bflag:$0x2] =	sbarrier.arrive $0xFFFF  }
0x10e: {  	[sflag:s0] =	ssyncadd.tile.s32 @!p0 $0x1;
	_ =	shalt  }
.Lfunc_end2:
_tile_overlayer_lowered:
.L_overlay_start_2:
0x10f: {  	(tag) =	ssettag $0x2  }
0x110: {  	s0 =	rddreg [dreg:$0x0];
	s2 =	stileid.u32  }
0x111: {  	s1 =	rddreg [dreg:$0x1];
	p0 =	sne.s32 s2, $0x0  }
0x112: {  	s3 =	rddreg [dreg:$0x2];
	[bflag:$0x3] =	sbarrier.arrive $0xFFFF;
	s2 =	simm.s32 @!p0 $0x1C01  }
0x113: {  	[timem:s3], [sflag:s2] =	dma.local @!p0 [hbm:s0], s1  }
0x114: {  	s0 =	simm.s32 @!p0 $0x1  }
0x115: {  	_ =	swait.ge @!p0 [sflag:s0], s1  }
0x116: {  	s1 =	ssub.s32 @!p0 $0x0, s1;
	[sflag:s0] =	ssyncset.done @!p0 $0x0  }
0x117: {  	[sflag:s0] =	ssyncadd.s32 @!p0 s1  }
0x118: {  	[bflag:$0x3] =	sbarrier.arrive $0xFFFF  }
0x119: {  	_ =	shalt  }

</sc_bundles>
